<compile_context>
chip_gen: v7x
topology: tpu7x:2x2x1
jax: 0.10.2.dev20260603
libtpu: 0.0.44.dev20260713+nightly
codegen_flags: <defaults>
</compile_context>

<pallas_src>
import functools

import jax
import jax.numpy as jnp
from jax import lax
from jax.experimental import pallas as pl
from jax.experimental.pallas import tpu as pltpu
from jax.experimental.pallas import tpu_sc as plsc

N, E, D_IN, D_H, D_OUT = 10000, 320000, 128, 64, 128

NC, NS = 2, 16
NW = NC * NS
EB = 400
K = 1
NBLK = 25
EPT = EB * K * NBLK
EPAD = EPT * NW
NBATCH = EPT // EB
NPAD = 10240
RPT = NPAD // NS
RCH = 64
CW = 16
SHIFT = 14
MASK = (1 << SHIFT) - 1

_f32 = jnp.float32


def _seg_sum_kernel(with_cnt):
    mesh = plsc.VectorSubcoreMesh(
        core_axis_name="c", subcore_axis_name="s",
        num_cores=NC, num_subcores=NS)

    out_type = [jax.ShapeDtypeStruct((NC, NPAD, D_H), _f32)]
    scratch = [
        pltpu.VMEM((K, EB), jnp.int32),
        pltpu.VMEM((K, EB), jnp.int32),
        pltpu.VMEM((K, EB, D_H), _f32),
        pltpu.VMEM((RCH, D_H), _f32),
        pltpu.VMEM_SHARED((NPAD, D_H), _f32),
        pltpu.VMEM_SHARED((NPAD, D_H), _f32),
    ]
    if with_cnt:
        out_type.append(jax.ShapeDtypeStruct((NC, NPAD, CW), _f32))
        scratch += [
            pltpu.VMEM((EB, CW), _f32),
            pltpu.VMEM((RCH, CW), _f32),
            pltpu.VMEM_SHARED((NPAD, CW), _f32),
        ]

    @functools.partial(pl.kernel, mesh=mesh, out_type=out_type,
                       scratch_types=scratch,
                       compiler_params=pltpu.CompilerParams(
                           use_tc_tiling_on_sc=False))
    def body(table_hbm, src_hbm, dst_hbm, *refs):
        if with_cnt:
            (sum_out, cnt_out, src_v, dst_v, rows_v, zb_v, tab_sh, acc_sh,
             ones_v, zc_v, cnt_sh) = refs
        else:
            (sum_out, src_v, dst_v, rows_v, zb_v, tab_sh, acc_sh) = refs
        c = lax.axis_index("c")
        s = lax.axis_index("s")
        wid = s * NC + c

        zeros16 = jnp.zeros((16,), _f32)

        def zero_row(i, _):
            for j in range(D_H // 16):
                zb_v[i, pl.ds(16 * j, 16)] = zeros16
            if with_cnt:
                zc_v[i, pl.ds(0, 16)] = zeros16
            return 0

        lax.fori_loop(0, RCH, zero_row, 0)
        if with_cnt:
            def one_row(i, _):
                ones_v[i, pl.ds(0, 16)] = zeros16 + 1.0
                return 0
            lax.fori_loop(0, EB, one_row, 0)

        row0 = s * RPT
        for k in range(RPT // RCH):
            r = row0 + k * RCH
            pltpu.sync_copy(table_hbm.at[pl.ds(r, RCH)],
                            tab_sh.at[pl.ds(r, RCH)])
            pltpu.sync_copy(zb_v, acc_sh.at[pl.ds(r, RCH)])
            if with_cnt:
                pltpu.sync_copy(zc_v, cnt_sh.at[pl.ds(r, RCH)])
        plsc.subcore_barrier()

        def blk(j, _):
            rb = wid * NBATCH + j * K
            pltpu.sync_copy(src_hbm.at[pl.ds(rb, K)], src_v)
            pltpu.sync_copy(dst_hbm.at[pl.ds(rb, K)], dst_v)
            for k in range(K):
                pltpu.sync_copy(tab_sh.at[src_v.at[k]], rows_v.at[k])
            for k in range(K):
                pltpu.sync_copy(rows_v.at[k], acc_sh.at[dst_v.at[k]],
                                add=True)
                if with_cnt:
                    pltpu.sync_copy(ones_v, cnt_sh.at[dst_v.at[k]], add=True)
            return 0

        lax.fori_loop(0, NBLK, blk, 0)

        plsc.subcore_barrier()

        for k in range(RPT // RCH):
            r = row0 + k * RCH
            pltpu.sync_copy(acc_sh.at[pl.ds(r, RCH)], sum_out.at[c, pl.ds(r, RCH)])
            if with_cnt:
                pltpu.sync_copy(cnt_sh.at[pl.ds(r, RCH)], cnt_out.at[c, pl.ds(r, RCH)])

    return body


_seg_sum_cnt = _seg_sum_kernel(True)
_seg_sum = _seg_sum_kernel(False)


def _tc_proj1(x_ref, w_ref, b_ref, y_ref, z_ref):
    yz = jnp.dot(x_ref[...], w_ref[...], preferred_element_type=_f32)
    y_ref[...] = jnp.pad(yz[:, :D_H], ((0, NPAD - N), (0, 0)))
    z_ref[...] = yz[:, D_H:] + b_ref[...]


def _tc_mid(parts_ref, cnts_ref, z_ref, h_ref):
    agg = parts_ref[0, :N] + parts_ref[1, :N]
    cnt = cnts_ref[0, :N, 0:1] + cnts_ref[1, :N, 0:1]
    hpre = agg / jnp.maximum(cnt, 1.0) + z_ref[...]
    col_mean = jnp.mean(hpre, axis=0, keepdims=True)
    rn = jnp.sqrt(1e-6 + jnp.sum(hpre * hpre, axis=1, keepdims=True))
    h_ref[...] = jnp.pad(jnp.maximum(hpre / rn - col_mean, 0.0),
                         ((0, NPAD - N), (0, 0)))


def _tc_out(parts_ref, cnts_ref, h_ref, wn_ref, wr_ref, b_ref, o_ref):
    agg = parts_ref[0, :N] + parts_ref[1, :N]
    cnt = cnts_ref[0, :N, 0:1] + cnts_ref[1, :N, 0:1]
    mean = agg / jnp.maximum(cnt, 1.0)
    o_ref[...] = (jnp.dot(mean, wn_ref[...], preferred_element_type=_f32)
                  + jnp.dot(h_ref[:N], wr_ref[...], preferred_element_type=_f32)
                  + b_ref[...])


def kernel(x, edge_index, Wn1, Wr1, b1, Wn2, Wr2, b2):
    pad = EPAD - E
    src2d = jnp.concatenate(
        [edge_index[0], jnp.zeros((pad,), jnp.int32)]).reshape(EPAD // EB, EB)
    pad_dst = N + jnp.arange(pad, dtype=jnp.int32) % (NPAD - N)
    dst2d = jnp.concatenate(
        [edge_index[1], pad_dst]).reshape(EPAD // EB, EB)

    w1 = jnp.concatenate([Wn1, Wr1], axis=1)
    bias1 = b1[None, :]

    y1, z1 = pl.pallas_call(
        _tc_proj1,
        out_shape=[jax.ShapeDtypeStruct((NPAD, D_H), _f32),
                   jax.ShapeDtypeStruct((N, D_H), _f32)],
    )(x, w1, bias1)

    parts1, cnts = _seg_sum_cnt(y1, src2d, dst2d)

    h = pl.pallas_call(
        _tc_mid,
        out_shape=jax.ShapeDtypeStruct((NPAD, D_H), _f32),
    )(parts1, cnts, z1)

    parts2, = _seg_sum(h, src2d, dst2d)

    out = pl.pallas_call(
        _tc_out,
        out_shape=jax.ShapeDtypeStruct((N, D_OUT), _f32),
    )(parts2, cnts, h, Wn2, Wr2, b2[None, :])
    return out

# --- scband reference (transcript-rebuilt; emitter-appended) ---
"""Pipeline reference for scband-bridged-graph-88270167867551 (READ-ONLY COPY).

The authoritative reference and input builder live on the scoring server;
editing this copy changes nothing except your own understanding.
"""

import jax, jax.numpy as jnp
import numpy as np

N, E, D_IN, D_H, D_OUT = 10000, 320000, 128, 64, 128


def setup_inputs(seed: int = 0) -> dict:
    key = jax.random.key(seed)
    ks = jax.random.split(key, 8)
    x = jax.random.normal(ks[0], (N, D_IN), dtype=jnp.float32)
    edge_index = jax.random.randint(ks[1], (2, E), 0, N, dtype=jnp.int32)
    Wn1 = jax.random.normal(ks[2], (D_IN, D_H), dtype=jnp.float32) * (1.0 / np.sqrt(D_IN))
    Wr1 = jax.random.normal(ks[3], (D_IN, D_H), dtype=jnp.float32) * (1.0 / np.sqrt(D_IN))
    b1 = jnp.zeros((D_H,), dtype=jnp.float32)
    Wn2 = jax.random.normal(ks[4], (D_H, D_OUT), dtype=jnp.float32) * (1.0 / np.sqrt(D_H))
    Wr2 = jax.random.normal(ks[5], (D_H, D_OUT), dtype=jnp.float32) * (1.0 / np.sqrt(D_H))
    b2 = jnp.zeros((D_OUT,), dtype=jnp.float32)
    return {"x": x, "edge_index": edge_index, "Wn1": Wn1, "Wr1": Wr1, "b1": b1, "Wn2": Wn2, "Wr2": Wr2, "b2": b2}


def _sage_conv(x, src, dst, Wn, Wr, b):
    # SAGEConv with mean aggregation and root weight
    msg = x[src]  # gather source node features per edge
    agg = jax.ops.segment_sum(msg, dst, num_segments=x.shape[0])
    cnt = jax.ops.segment_sum(jnp.ones((src.shape[0], 1), dtype=x.dtype), dst, num_segments=x.shape[0])
    mean = agg / jnp.maximum(cnt, 1.0)
    return mean @ Wn + x @ Wr + b


def _pair_norm_scs(x, scale=1.0):
    # PairNorm mode 'PN-SCS': scale-and-center-simultaneously
    col_mean = x.mean(axis=0)
    rownorm_individual = jnp.sqrt(1e-6 + jnp.sum(x * x, axis=1, keepdims=True))
    return scale * x / rownorm_individual - col_mean


def reference(x, edge_index, Wn1, Wr1, b1, Wn2, Wr2, b2):
    src = edge_index[0]
    dst = edge_index[1]
    h = _sage_conv(x, src, dst, Wn1, Wr1, b1)
    h = _pair_norm_scs(h, scale=1.0)
    h = jax.nn.relu(h)
    # dropout p=0.5 is identity in eval mode
    out = _sage_conv(h, src, dst, Wn2, Wr2, b2)
    return out

if __name__ == "__main__":
    import jax
    _d = setup_inputs()
    print(jax.jit(kernel)(*tuple(_d.values())))

</pallas_src>

<mosaic_0001>
#map = affine_map<(d0, d1) -> (0, 0)>
#map1 = affine_map<(d0, d1) -> (0, 0, 0)>
module attributes {stable_mosaic.version = 14 : i64} {
  func.func @body(%arg0: i32, %arg1: i32, %arg2: memref<10240x64xf32, #tpu.memory_space<hbm>>, %arg3: memref<800x400xi32, #tpu.memory_space<hbm>>, %arg4: memref<800x400xi32, #tpu.memory_space<hbm>>, %arg5: memref<2x10240x64xf32, #tpu.memory_space<hbm>>, %arg6: memref<1x400xi32, #tpu.memory_space<vmem>>, %arg7: memref<1x400xi32, #tpu.memory_space<vmem>>, %arg8: memref<1x400x64xf32, #tpu.memory_space<vmem>>, %arg9: memref<64x64xf32, #tpu.memory_space<vmem>>, %arg10: memref<10240x64xf32, #tpu.memory_space<vmem_shared>>, %arg11: memref<10240x64xf32, #tpu.memory_space<vmem_shared>>) attributes {dimension_semantics = [#tpu.dimension_semantics<core_parallel>, #tpu.dimension_semantics<subcore_parallel>], iteration_bounds = array<i64: 2, 16>, scalar_prefetch = 0 : i64, scratch_operands = 6 : i64, tpu.core_type = #tpu.core_type<sc_vector_subcore>, window_params = [{transform_indices = #map}, {transform_indices = #map}, {transform_indices = #map}, {transform_indices = #map1}]} {
    %mul3A = arith.constant 2 : i32
    %mul3A_0 = arith.muli %arg1, %mul3A : i32
    %add3A = arith.addi %mul3A_0, %arg0 : i32
    %broadcast_in_dim3A = arith.constant 0.000000e+00 : f32
    %broadcast_in_dim3A_1 = vector.broadcast %broadcast_in_dim3A : f32 to vector<16xf32>
    %scan3A = arith.constant 0 : i32
    %scan3A_2 = arith.constant 0 : i32
    %scan3A_3 = arith.constant 64 : i32
    %scan3A_4 = arith.addi %scan3A_2, %scan3A_3 : i32
    %scan3A_5 = arith.constant 1 : i32
    %scan3A_6 = scf.for %scan3A_58 = %scan3A_2 to %scan3A_4 step %scan3A_5 iter_args(%scan3A_59 = %scan3A) -> (i32)  : i32 {
      %swap3A = arith.index_cast %scan3A_58 : i32 to index
      %swap3A_60 = arith.constant 0 : index
      %swap3A_61 = tpu.vector_load %arg9[%swap3A, %swap3A_60] {strides = array<i32>} : memref<64x64xf32, #tpu.memory_space<vmem>>, vector<1x16xf32>,
      %swap3A_62 = vector.shape_cast %swap3A_61 : vector<1x16xf32> to vector<16xf32>
      %swap3A_63 = vector.shape_cast %broadcast_in_dim3A_1 : vector<16xf32> to vector<1x16xf32>
      tpu.vector_store %arg9[%swap3A, %swap3A_60], %swap3A_63 {strides = array<i32>} : memref<64x64xf32, #tpu.memory_space<vmem>>, vector<1x16xf32>,
      %swap3A_64 = arith.index_cast %scan3A_58 : i32 to index
      %swap3A_65 = arith.constant 16 : index
      %swap3A_66 = tpu.vector_load %arg9[%swap3A_64, %swap3A_65] {strides = array<i32>} : memref<64x64xf32, #tpu.memory_space<vmem>>, vector<1x16xf32>,
      %swap3A_67 = vector.shape_cast %swap3A_66 : vector<1x16xf32> to vector<16xf32>
      %swap3A_68 = vector.shape_cast %broadcast_in_dim3A_1 : vector<16xf32> to vector<1x16xf32>
      tpu.vector_store %arg9[%swap3A_64, %swap3A_65], %swap3A_68 {strides = array<i32>} : memref<64x64xf32, #tpu.memory_space<vmem>>, vector<1x16xf32>,
      %swap3A_69 = arith.index_cast %scan3A_58 : i32 to index
      %swap3A_70 = arith.constant 32 : index
      %swap3A_71 = tpu.vector_load %arg9[%swap3A_69, %swap3A_70] {strides = array<i32>} : memref<64x64xf32, #tpu.memory_space<vmem>>, vector<1x16xf32>,
      %swap3A_72 = vector.shape_cast %swap3A_71 : vector<1x16xf32> to vector<16xf32>
      %swap3A_73 = vector.shape_cast %broadcast_in_dim3A_1 : vector<16xf32> to vector<1x16xf32>
      tpu.vector_store %arg9[%swap3A_69, %swap3A_70], %swap3A_73 {strides = array<i32>} : memref<64x64xf32, #tpu.memory_space<vmem>>, vector<1x16xf32>,
      %swap3A_74 = arith.index_cast %scan3A_58 : i32 to index
      %swap3A_75 = arith.constant 48 : index
      %swap3A_76 = tpu.vector_load %arg9[%swap3A_74, %swap3A_75] {strides = array<i32>} : memref<64x64xf32, #tpu.memory_space<vmem>>, vector<1x16xf32>,
      %swap3A_77 = vector.shape_cast %swap3A_76 : vector<1x16xf32> to vector<16xf32>
      %swap3A_78 = vector.shape_cast %broadcast_in_dim3A_1 : vector<16xf32> to vector<1x16xf32>
      tpu.vector_store %arg9[%swap3A_74, %swap3A_75], %swap3A_78 {strides = array<i32>} : memref<64x64xf32, #tpu.memory_space<vmem>>, vector<1x16xf32>,
      %scan3A_79 = arith.constant 0 : i32
      scf.yield %scan3A_79 : i32
    }
    %scan3A_7 = arith.constant 64 : i32
    %mul3A_8 = arith.constant 640 : i32
    %mul3A_9 = arith.muli %arg1, %mul3A_8 : i32
    %add3A_10 = arith.constant 0 : i32
    %add3A_11 = arith.addi %mul3A_9, %add3A_10 : i32
    "tpu.region"() ({
      %run_scoped3A = tpu.sem_alloc : memref<!tpu.dma_semaphore, #tpu.memory_space<semaphore_mem>>
      %dma_start3A = arith.constant 0 : i32
      %dma_start3A_58 = tpu.memref_slice %arg10[%add3A_11, %dma_start3A] : memref<10240x64xf32, #tpu.memory_space<vmem_shared>> -> memref<64x64xf32, #tpu.memory_space<vmem_shared>>
      %dma_start3A_59 = arith.constant 0 : i32
      %dma_start3A_60 = tpu.memref_slice %arg2[%add3A_11, %dma_start3A_59] : memref<10240x64xf32, #tpu.memory_space<hbm>> -> memref<64x64xf32, #tpu.memory_space<hbm>>
      tpu.enqueue_dma source(%dma_start3A_60 : memref<64x64xf32, #tpu.memory_space<hbm>>) target(%dma_start3A_58 : memref<64x64xf32, #tpu.memory_space<vmem_shared>>) target_semaphore(%run_scoped3A : memref<!tpu.dma_semaphore, #tpu.memory_space<semaphore_mem>>)
      %dma_wait3A = arith.constant 0 : i32
      %dma_wait3A_61 = tpu.memref_slice %arg10[%add3A_11, %dma_wait3A] : memref<10240x64xf32, #tpu.memory_space<vmem_shared>> -> memref<64x64xf32, #tpu.memory_space<vmem_shared>>
      %dma_wait3A_62 = arith.constant 0 : i32
      %dma_wait3A_63 = tpu.memref_slice %arg2[%add3A_11, %dma_wait3A_62] : memref<10240x64xf32, #tpu.memory_space<hbm>> -> memref<64x64xf32, #tpu.memory_space<hbm>>
      tpu.wait_dma2 semaphore(%run_scoped3A : memref<!tpu.dma_semaphore, #tpu.memory_space<semaphore_mem>>) src(%dma_wait3A_63 : memref<64x64xf32, #tpu.memory_space<hbm>>) dst(%dma_wait3A_61 : memref<64x64xf32, #tpu.memory_space<vmem_shared>>)
      tpu.yield
    }) : () -> ()
    "tpu.region"() ({
      %run_scoped3A = tpu.sem_alloc : memref<!tpu.dma_semaphore, #tpu.memory_space<semaphore_mem>>
      %dma_start3A = arith.constant 0 : i32
      %dma_start3A_58 = tpu.memref_slice %arg11[%add3A_11, %dma_start3A] : memref<10240x64xf32, #tpu.memory_space<vmem_shared>> -> memref<64x64xf32, #tpu.memory_space<vmem_shared>>
      %dma_start3A_59 = arith.constant 0 : i32
      %dma_start3A_60 = tpu.memref_slice %arg11[%add3A_11, %dma_start3A_59] : memref<10240x64xf32, #tpu.memory_space<vmem_shared>> -> memref<64x64xf32, #tpu.memory_space<vmem_shared>>
      tpu.enqueue_dma source(%arg9 : memref<64x64xf32, #tpu.memory_space<vmem>>) target(%dma_start3A_60 : memref<64x64xf32, #tpu.memory_space<vmem_shared>>) target_semaphore(%run_scoped3A : memref<!tpu.dma_semaphore, #tpu.memory_space<semaphore_mem>>)
      %dma_wait3A = arith.constant 0 : i32
      %dma_wait3A_61 = tpu.memref_slice %arg11[%add3A_11, %dma_wait3A] : memref<10240x64xf32, #tpu.memory_space<vmem_shared>> -> memref<64x64xf32, #tpu.memory_space<vmem_shared>>
      %dma_wait3A_62 = arith.constant 0 : i32
      %dma_wait3A_63 = tpu.memref_slice %arg11[%add3A_11, %dma_wait3A_62] : memref<10240x64xf32, #tpu.memory_space<vmem_shared>> -> memref<64x64xf32, #tpu.memory_space<vmem_shared>>
      tpu.wait_dma2 semaphore(%run_scoped3A : memref<!tpu.dma_semaphore, #tpu.memory_space<semaphore_mem>>) src(%arg9 : memref<64x64xf32, #tpu.memory_space<vmem>>) dst(%dma_wait3A_63 : memref<64x64xf32, #tpu.memory_space<vmem_shared>>)
      tpu.yield
    }) : () -> ()
    %add3A_12 = arith.constant 64 : i32
    %add3A_13 = arith.addi %mul3A_9, %add3A_12 : i32
    "tpu.region"() ({
      %run_scoped3A = tpu.sem_alloc : memref<!tpu.dma_semaphore, #tpu.memory_space<semaphore_mem>>
      %dma_start3A = arith.constant 0 : i32
      %dma_start3A_58 = tpu.memref_slice %arg10[%add3A_13, %dma_start3A] : memref<10240x64xf32, #tpu.memory_space<vmem_shared>> -> memref<64x64xf32, #tpu.memory_space<vmem_shared>>
      %dma_start3A_59 = arith.constant 0 : i32
      %dma_start3A_60 = tpu.memref_slice %arg2[%add3A_13, %dma_start3A_59] : memref<10240x64xf32, #tpu.memory_space<hbm>> -> memref<64x64xf32, #tpu.memory_space<hbm>>
      tpu.enqueue_dma source(%dma_start3A_60 : memref<64x64xf32, #tpu.memory_space<hbm>>) target(%dma_start3A_58 : memref<64x64xf32, #tpu.memory_space<vmem_shared>>) target_semaphore(%run_scoped3A : memref<!tpu.dma_semaphore, #tpu.memory_space<semaphore_mem>>)
      %dma_wait3A = arith.constant 0 : i32
      %dma_wait3A_61 = tpu.memref_slice %arg10[%add3A_13, %dma_wait3A] : memref<10240x64xf32, #tpu.memory_space<vmem_shared>> -> memref<64x64xf32, #tpu.memory_space<vmem_shared>>
      %dma_wait3A_62 = arith.constant 0 : i32
      %dma_wait3A_63 = tpu.memref_slice %arg2[%add3A_13, %dma_wait3A_62] : memref<10240x64xf32, #tpu.memory_space<hbm>> -> memref<64x64xf32, #tpu.memory_space<hbm>>
      tpu.wait_dma2 semaphore(%run_scoped3A : memref<!tpu.dma_semaphore, #tpu.memory_space<semaphore_mem>>) src(%dma_wait3A_63 : memref<64x64xf32, #tpu.memory_space<hbm>>) dst(%dma_wait3A_61 : memref<64x64xf32, #tpu.memory_space<vmem_shared>>)
      tpu.yield
    }) : () -> ()
    "tpu.region"() ({
      %run_scoped3A = tpu.sem_alloc : memref<!tpu.dma_semaphore, #tpu.memory_space<semaphore_mem>>
      %dma_start3A = arith.constant 0 : i32
      %dma_start3A_58 = tpu.memref_slice %arg11[%add3A_13, %dma_start3A] : memref<10240x64xf32, #tpu.memory_space<vmem_shared>> -> memref<64x64xf32, #tpu.memory_space<vmem_shared>>
      %dma_start3A_59 = arith.constant 0 : i32
      %dma_start3A_60 = tpu.memref_slice %arg11[%add3A_13, %dma_start3A_59] : memref<10240x64xf32, #tpu.memory_space<vmem_shared>> -> memref<64x64xf32, #tpu.memory_space<vmem_shared>>
      tpu.enqueue_dma source(%arg9 : memref<64x64xf32, #tpu.memory_space<vmem>>) target(%dma_start3A_60 : memref<64x64xf32, #tpu.memory_space<vmem_shared>>) target_semaphore(%run_scoped3A : memref<!tpu.dma_semaphore, #tpu.memory_space<semaphore_mem>>)
      %dma_wait3A = arith.constant 0 : i32
      %dma_wait3A_61 = tpu.memref_slice %arg11[%add3A_13, %dma_wait3A] : memref<10240x64xf32, #tpu.memory_space<vmem_shared>> -> memref<64x64xf32, #tpu.memory_space<vmem_shared>>
      %dma_wait3A_62 = arith.constant 0 : i32
      %dma_wait3A_63 = tpu.memref_slice %arg11[%add3A_13, %dma_wait3A_62] : memref<10240x64xf32, #tpu.memory_space<vmem_shared>> -> memref<64x64xf32, #tpu.memory_space<vmem_shared>>
      tpu.wait_dma2 semaphore(%run_scoped3A : memref<!tpu.dma_semaphore, #tpu.memory_space<semaphore_mem>>) src(%arg9 : memref<64x64xf32, #tpu.memory_space<vmem>>) dst(%dma_wait3A_63 : memref<64x64xf32, #tpu.memory_space<vmem_shared>>)
      tpu.yield
    }) : () -> ()
    %add3A_14 = arith.constant 128 : i32
    %add3A_15 = arith.addi %mul3A_9, %add3A_14 : i32
    "tpu.region"() ({
      %run_scoped3A = tpu.sem_alloc : memref<!tpu.dma_semaphore, #tpu.memory_space<semaphore_mem>>
      %dma_start3A = arith.constant 0 : i32
      %dma_start3A_58 = tpu.memref_slice %arg10[%add3A_15, %dma_start3A] : memref<10240x64xf32, #tpu.memory_space<vmem_shared>> -> memref<64x64xf32, #tpu.memory_space<vmem_shared>>
      %dma_start3A_59 = arith.constant 0 : i32
      %dma_start3A_60 = tpu.memref_slice %arg2[%add3A_15, %dma_start3A_59] : memref<10240x64xf32, #tpu.memory_space<hbm>> -> memref<64x64xf32, #tpu.memory_space<hbm>>
      tpu.enqueue_dma source(%dma_start3A_60 : memref<64x64xf32, #tpu.memory_space<hbm>>) target(%dma_start3A_58 : memref<64x64xf32, #tpu.memory_space<vmem_shared>>) target_semaphore(%run_scoped3A : memref<!tpu.dma_semaphore, #tpu.memory_space<semaphore_mem>>)
      %dma_wait3A = arith.constant 0 : i32
      %dma_wait3A_61 = tpu.memref_slice %arg10[%add3A_15, %dma_wait3A] : memref<10240x64xf32, #tpu.memory_space<vmem_shared>> -> memref<64x64xf32, #tpu.memory_space<vmem_shared>>
      %dma_wait3A_62 = arith.constant 0 : i32
      %dma_wait3A_63 = tpu.memref_slice %arg2[%add3A_15, %dma_wait3A_62] : memref<10240x64xf32, #tpu.memory_space<hbm>> -> memref<64x64xf32, #tpu.memory_space<hbm>>
      tpu.wait_dma2 semaphore(%run_scoped3A : memref<!tpu.dma_semaphore, #tpu.memory_space<semaphore_mem>>) src(%dma_wait3A_63 : memref<64x64xf32, #tpu.memory_space<hbm>>) dst(%dma_wait3A_61 : memref<64x64xf32, #tpu.memory_space<vmem_shared>>)
      tpu.yield
    }) : () -> ()
    "tpu.region"() ({
      %run_scoped3A = tpu.sem_alloc : memref<!tpu.dma_semaphore, #tpu.memory_space<semaphore_mem>>
      %dma_start3A = arith.constant 0 : i32
      %dma_start3A_58 = tpu.memref_slice %arg11[%add3A_15, %dma_start3A] : memref<10240x64xf32, #tpu.memory_space<vmem_shared>> -> memref<64x64xf32, #tpu.memory_space<vmem_shared>>
      %dma_start3A_59 = arith.constant 0 : i32
      %dma_start3A_60 = tpu.memref_slice %arg11[%add3A_15, %dma_start3A_59] : memref<10240x64xf32, #tpu.memory_space<vmem_shared>> -> memref<64x64xf32, #tpu.memory_space<vmem_shared>>
      tpu.enqueue_dma source(%arg9 : memref<64x64xf32, #tpu.memory_space<vmem>>) target(%dma_start3A_60 : memref<64x64xf32, #tpu.memory_space<vmem_shared>>) target_semaphore(%run_scoped3A : memref<!tpu.dma_semaphore, #tpu.memory_space<semaphore_mem>>)
      %dma_wait3A = arith.constant 0 : i32
      %dma_wait3A_61 = tpu.memref_slice %arg11[%add3A_15, %dma_wait3A] : memref<10240x64xf32, #tpu.memory_space<vmem_shared>> -> memref<64x64xf32, #tpu.memory_space<vmem_shared>>
      %dma_wait3A_62 = arith.constant 0 : i32
      %dma_wait3A_63 = tpu.memref_slice %arg11[%add3A_15, %dma_wait3A_62] : memref<10240x64xf32, #tpu.memory_space<vmem_shared>> -> memref<64x64xf32, #tpu.memory_space<vmem_shared>>
      tpu.wait_dma2 semaphore(%run_scoped3A : memref<!tpu.dma_semaphore, #tpu.memory_space<semaphore_mem>>) src(%arg9 : memref<64x64xf32, #tpu.memory_space<vmem>>) dst(%dma_wait3A_63 : memref<64x64xf32, #tpu.memory_space<vmem_shared>>)
      tpu.yield
    }) : () -> ()
    %add3A_16 = arith.constant 192 : i32
    %add3A_17 = arith.addi %mul3A_9, %add3A_16 : i32
    "tpu.region"() ({
      %run_scoped3A = tpu.sem_alloc : memref<!tpu.dma_semaphore, #tpu.memory_space<semaphore_mem>>
      %dma_start3A = arith.constant 0 : i32
      %dma_start3A_58 = tpu.memref_slice %arg10[%add3A_17, %dma_start3A] : memref<10240x64xf32, #tpu.memory_space<vmem_shared>> -> memref<64x64xf32, #tpu.memory_space<vmem_shared>>
      %dma_start3A_59 = arith.constant 0 : i32
      %dma_start3A_60 = tpu.memref_slice %arg2[%add3A_17, %dma_start3A_59] : memref<10240x64xf32, #tpu.memory_space<hbm>> -> memref<64x64xf32, #tpu.memory_space<hbm>>
      tpu.enqueue_dma source(%dma_start3A_60 : memref<64x64xf32, #tpu.memory_space<hbm>>) target(%dma_start3A_58 : memref<64x64xf32, #tpu.memory_space<vmem_shared>>) target_semaphore(%run_scoped3A : memref<!tpu.dma_semaphore, #tpu.memory_space<semaphore_mem>>)
      %dma_wait3A = arith.constant 0 : i32
      %dma_wait3A_61 = tpu.memref_slice %arg10[%add3A_17, %dma_wait3A] : memref<10240x64xf32, #tpu.memory_space<vmem_shared>> -> memref<64x64xf32, #tpu.memory_space<vmem_shared>>
      %dma_wait3A_62 = arith.constant 0 : i32
      %dma_wait3A_63 = tpu.memref_slice %arg2[%add3A_17, %dma_wait3A_62] : memref<10240x64xf32, #tpu.memory_space<hbm>> -> memref<64x64xf32, #tpu.memory_space<hbm>>
      tpu.wait_dma2 semaphore(%run_scoped3A : memref<!tpu.dma_semaphore, #tpu.memory_space<semaphore_mem>>) src(%dma_wait3A_63 : memref<64x64xf32, #tpu.memory_space<hbm>>) dst(%dma_wait3A_61 : memref<64x64xf32, #tpu.memory_space<vmem_shared>>)
      tpu.yield
    }) : () -> ()
    "tpu.region"() ({
      %run_scoped3A = tpu.sem_alloc : memref<!tpu.dma_semaphore, #tpu.memory_space<semaphore_mem>>
      %dma_start3A = arith.constant 0 : i32
      %dma_start3A_58 = tpu.memref_slice %arg11[%add3A_17, %dma_start3A] : memref<10240x64xf32, #tpu.memory_space<vmem_shared>> -> memref<64x64xf32, #tpu.memory_space<vmem_shared>>
      %dma_start3A_59 = arith.constant 0 : i32
      %dma_start3A_60 = tpu.memref_slice %arg11[%add3A_17, %dma_start3A_59] : memref<10240x64xf32, #tpu.memory_space<vmem_shared>> -> memref<64x64xf32, #tpu.memory_space<vmem_shared>>
      tpu.enqueue_dma source(%arg9 : memref<64x64xf32, #tpu.memory_space<vmem>>) target(%dma_start3A_60 : memref<64x64xf32, #tpu.memory_space<vmem_shared>>) target_semaphore(%run_scoped3A : memref<!tpu.dma_semaphore, #tpu.memory_space<semaphore_mem>>)
      %dma_wait3A = arith.constant 0 : i32
      %dma_wait3A_61 = tpu.memref_slice %arg11[%add3A_17, %dma_wait3A] : memref<10240x64xf32, #tpu.memory_space<vmem_shared>> -> memref<64x64xf32, #tpu.memory_space<vmem_shared>>
      %dma_wait3A_62 = arith.constant 0 : i32
      %dma_wait3A_63 = tpu.memref_slice %arg11[%add3A_17, %dma_wait3A_62] : memref<10240x64xf32, #tpu.memory_space<vmem_shared>> -> memref<64x64xf32, #tpu.memory_space<vmem_shared>>
      tpu.wait_dma2 semaphore(%run_scoped3A : memref<!tpu.dma_semaphore, #tpu.memory_space<semaphore_mem>>) src(%arg9 : memref<64x64xf32, #tpu.memory_space<vmem>>) dst(%dma_wait3A_63 : memref<64x64xf32, #tpu.memory_space<vmem_shared>>)
      tpu.yield
    }) : () -> ()
    %add3A_18 = arith.constant 256 : i32
    %add3A_19 = arith.addi %mul3A_9, %add3A_18 : i32
    "tpu.region"() ({
      %run_scoped3A = tpu.sem_alloc : memref<!tpu.dma_semaphore, #tpu.memory_space<semaphore_mem>>
      %dma_start3A = arith.constant 0 : i32
      %dma_start3A_58 = tpu.memref_slice %arg10[%add3A_19, %dma_start3A] : memref<10240x64xf32, #tpu.memory_space<vmem_shared>> -> memref<64x64xf32, #tpu.memory_space<vmem_shared>>
      %dma_start3A_59 = arith.constant 0 : i32
      %dma_start3A_60 = tpu.memref_slice %arg2[%add3A_19, %dma_start3A_59] : memref<10240x64xf32, #tpu.memory_space<hbm>> -> memref<64x64xf32, #tpu.memory_space<hbm>>
      tpu.enqueue_dma source(%dma_start3A_60 : memref<64x64xf32, #tpu.memory_space<hbm>>) target(%dma_start3A_58 : memref<64x64xf32, #tpu.memory_space<vmem_shared>>) target_semaphore(%run_scoped3A : memref<!tpu.dma_semaphore, #tpu.memory_space<semaphore_mem>>)
      %dma_wait3A = arith.constant 0 : i32
      %dma_wait3A_61 = tpu.memref_slice %arg10[%add3A_19, %dma_wait3A] : memref<10240x64xf32, #tpu.memory_space<vmem_shared>> -> memref<64x64xf32, #tpu.memory_space<vmem_shared>>
      %dma_wait3A_62 = arith.constant 0 : i32
      %dma_wait3A_63 = tpu.memref_slice %arg2[%add3A_19, %dma_wait3A_62] : memref<10240x64xf32, #tpu.memory_space<hbm>> -> memref<64x64xf32, #tpu.memory_space<hbm>>
      tpu.wait_dma2 semaphore(%run_scoped3A : memref<!tpu.dma_semaphore, #tpu.memory_space<semaphore_mem>>) src(%dma_wait3A_63 : memref<64x64xf32, #tpu.memory_space<hbm>>) dst(%dma_wait3A_61 : memref<64x64xf32, #tpu.memory_space<vmem_shared>>)
      tpu.yield
    }) : () -> ()
    "tpu.region"() ({
      %run_scoped3A = tpu.sem_alloc : memref<!tpu.dma_semaphore, #tpu.memory_space<semaphore_mem>>
      %dma_start3A = arith.constant 0 : i32
      %dma_start3A_58 = tpu.memref_slice %arg11[%add3A_19, %dma_start3A] : memref<10240x64xf32, #tpu.memory_space<vmem_shared>> -> memref<64x64xf32, #tpu.memory_space<vmem_shared>>
      %dma_start3A_59 = arith.constant 0 : i32
      %dma_start3A_60 = tpu.memref_slice %arg11[%add3A_19, %dma_start3A_59] : memref<10240x64xf32, #tpu.memory_space<vmem_shared>> -> memref<64x64xf32, #tpu.memory_space<vmem_shared>>
      tpu.enqueue_dma source(%arg9 : memref<64x64xf32, #tpu.memory_space<vmem>>) target(%dma_start3A_60 : memref<64x64xf32, #tpu.memory_space<vmem_shared>>) target_semaphore(%run_scoped3A : memref<!tpu.dma_semaphore, #tpu.memory_space<semaphore_mem>>)
      %dma_wait3A = arith.constant 0 : i32
      %dma_wait3A_61 = tpu.memref_slice %arg11[%add3A_19, %dma_wait3A] : memref<10240x64xf32, #tpu.memory_space<vmem_shared>> -> memref<64x64xf32, #tpu.memory_space<vmem_shared>>
      %dma_wait3A_62 = arith.constant 0 : i32
      %dma_wait3A_63 = tpu.memref_slice %arg11[%add3A_19, %dma_wait3A_62] : memref<10240x64xf32, #tpu.memory_space<vmem_shared>> -> memref<64x64xf32, #tpu.memory_space<vmem_shared>>
      tpu.wait_dma2 semaphore(%run_scoped3A : memref<!tpu.dma_semaphore, #tpu.memory_space<semaphore_mem>>) src(%arg9 : memref<64x64xf32, #tpu.memory_space<vmem>>) dst(%dma_wait3A_63 : memref<64x64xf32, #tpu.memory_space<vmem_shared>>)
      tpu.yield
    }) : () -> ()
    %add3A_20 = arith.constant 320 : i32
    %add3A_21 = arith.addi %mul3A_9, %add3A_20 : i32
    "tpu.region"() ({
      %run_scoped3A = tpu.sem_alloc : memref<!tpu.dma_semaphore, #tpu.memory_space<semaphore_mem>>
      %dma_start3A = arith.constant 0 : i32
      %dma_start3A_58 = tpu.memref_slice %arg10[%add3A_21, %dma_start3A] : memref<10240x64xf32, #tpu.memory_space<vmem_shared>> -> memref<64x64xf32, #tpu.memory_space<vmem_shared>>
      %dma_start3A_59 = arith.constant 0 : i32
      %dma_start3A_60 = tpu.memref_slice %arg2[%add3A_21, %dma_start3A_59] : memref<10240x64xf32, #tpu.memory_space<hbm>> -> memref<64x64xf32, #tpu.memory_space<hbm>>
      tpu.enqueue_dma source(%dma_start3A_60 : memref<64x64xf32, #tpu.memory_space<hbm>>) target(%dma_start3A_58 : memref<64x64xf32, #tpu.memory_space<vmem_shared>>) target_semaphore(%run_scoped3A : memref<!tpu.dma_semaphore, #tpu.memory_space<semaphore_mem>>)
      %dma_wait3A = arith.constant 0 : i32
      %dma_wait3A_61 = tpu.memref_slice %arg10[%add3A_21, %dma_wait3A] : memref<10240x64xf32, #tpu.memory_space<vmem_shared>> -> memref<64x64xf32, #tpu.memory_space<vmem_shared>>
      %dma_wait3A_62 = arith.constant 0 : i32
      %dma_wait3A_63 = tpu.memref_slice %arg2[%add3A_21, %dma_wait3A_62] : memref<10240x64xf32, #tpu.memory_space<hbm>> -> memref<64x64xf32, #tpu.memory_space<hbm>>
      tpu.wait_dma2 semaphore(%run_scoped3A : memref<!tpu.dma_semaphore, #tpu.memory_space<semaphore_mem>>) src(%dma_wait3A_63 : memref<64x64xf32, #tpu.memory_space<hbm>>) dst(%dma_wait3A_61 : memref<64x64xf32, #tpu.memory_space<vmem_shared>>)
      tpu.yield
    }) : () -> ()
    "tpu.region"() ({
      %run_scoped3A = tpu.sem_alloc : memref<!tpu.dma_semaphore, #tpu.memory_space<semaphore_mem>>
      %dma_start3A = arith.constant 0 : i32
      %dma_start3A_58 = tpu.memref_slice %arg11[%add3A_21, %dma_start3A] : memref<10240x64xf32, #tpu.memory_space<vmem_shared>> -> memref<64x64xf32, #tpu.memory_space<vmem_shared>>
      %dma_start3A_59 = arith.constant 0 : i32
      %dma_start3A_60 = tpu.memref_slice %arg11[%add3A_21, %dma_start3A_59] : memref<10240x64xf32, #tpu.memory_space<vmem_shared>> -> memref<64x64xf32, #tpu.memory_space<vmem_shared>>
      tpu.enqueue_dma source(%arg9 : memref<64x64xf32, #tpu.memory_space<vmem>>) target(%dma_start3A_60 : memref<64x64xf32, #tpu.memory_space<vmem_shared>>) target_semaphore(%run_scoped3A : memref<!tpu.dma_semaphore, #tpu.memory_space<semaphore_mem>>)
      %dma_wait3A = arith.constant 0 : i32
      %dma_wait3A_61 = tpu.memref_slice %arg11[%add3A_21, %dma_wait3A] : memref<10240x64xf32, #tpu.memory_space<vmem_shared>> -> memref<64x64xf32, #tpu.memory_space<vmem_shared>>
      %dma_wait3A_62 = arith.constant 0 : i32
      %dma_wait3A_63 = tpu.memref_slice %arg11[%add3A_21, %dma_wait3A_62] : memref<10240x64xf32, #tpu.memory_space<vmem_shared>> -> memref<64x64xf32, #tpu.memory_space<vmem_shared>>
      tpu.wait_dma2 semaphore(%run_scoped3A : memref<!tpu.dma_semaphore, #tpu.memory_space<semaphore_mem>>) src(%arg9 : memref<64x64xf32, #tpu.memory_space<vmem>>) dst(%dma_wait3A_63 : memref<64x64xf32, #tpu.memory_space<vmem_shared>>)
      tpu.yield
    }) : () -> ()
    %add3A_22 = arith.constant 384 : i32
    %add3A_23 = arith.addi %mul3A_9, %add3A_22 : i32
    "tpu.region"() ({
      %run_scoped3A = tpu.sem_alloc : memref<!tpu.dma_semaphore, #tpu.memory_space<semaphore_mem>>
      %dma_start3A = arith.constant 0 : i32
      %dma_start3A_58 = tpu.memref_slice %arg10[%add3A_23, %dma_start3A] : memref<10240x64xf32, #tpu.memory_space<vmem_shared>> -> memref<64x64xf32, #tpu.memory_space<vmem_shared>>
      %dma_start3A_59 = arith.constant 0 : i32
      %dma_start3A_60 = tpu.memref_slice %arg2[%add3A_23, %dma_start3A_59] : memref<10240x64xf32, #tpu.memory_space<hbm>> -> memref<64x64xf32, #tpu.memory_space<hbm>>
      tpu.enqueue_dma source(%dma_start3A_60 : memref<64x64xf32, #tpu.memory_space<hbm>>) target(%dma_start3A_58 : memref<64x64xf32, #tpu.memory_space<vmem_shared>>) target_semaphore(%run_scoped3A : memref<!tpu.dma_semaphore, #tpu.memory_space<semaphore_mem>>)
      %dma_wait3A = arith.constant 0 : i32
      %dma_wait3A_61 = tpu.memref_slice %arg10[%add3A_23, %dma_wait3A] : memref<10240x64xf32, #tpu.memory_space<vmem_shared>> -> memref<64x64xf32, #tpu.memory_space<vmem_shared>>
      %dma_wait3A_62 = arith.constant 0 : i32
      %dma_wait3A_63 = tpu.memref_slice %arg2[%add3A_23, %dma_wait3A_62] : memref<10240x64xf32, #tpu.memory_space<hbm>> -> memref<64x64xf32, #tpu.memory_space<hbm>>
      tpu.wait_dma2 semaphore(%run_scoped3A : memref<!tpu.dma_semaphore, #tpu.memory_space<semaphore_mem>>) src(%dma_wait3A_63 : memref<64x64xf32, #tpu.memory_space<hbm>>) dst(%dma_wait3A_61 : memref<64x64xf32, #tpu.memory_space<vmem_shared>>)
      tpu.yield
    }) : () -> ()
    "tpu.region"() ({
      %run_scoped3A = tpu.sem_alloc : memref<!tpu.dma_semaphore, #tpu.memory_space<semaphore_mem>>
      %dma_start3A = arith.constant 0 : i32
      %dma_start3A_58 = tpu.memref_slice %arg11[%add3A_23, %dma_start3A] : memref<10240x64xf32, #tpu.memory_space<vmem_shared>> -> memref<64x64xf32, #tpu.memory_space<vmem_shared>>
      %dma_start3A_59 = arith.constant 0 : i32
      %dma_start3A_60 = tpu.memref_slice %arg11[%add3A_23, %dma_start3A_59] : memref<10240x64xf32, #tpu.memory_space<vmem_shared>> -> memref<64x64xf32, #tpu.memory_space<vmem_shared>>
      tpu.enqueue_dma source(%arg9 : memref<64x64xf32, #tpu.memory_space<vmem>>) target(%dma_start3A_60 : memref<64x64xf32, #tpu.memory_space<vmem_shared>>) target_semaphore(%run_scoped3A : memref<!tpu.dma_semaphore, #tpu.memory_space<semaphore_mem>>)
      %dma_wait3A = arith.constant 0 : i32
      %dma_wait3A_61 = tpu.memref_slice %arg11[%add3A_23, %dma_wait3A] : memref<10240x64xf32, #tpu.memory_space<vmem_shared>> -> memref<64x64xf32, #tpu.memory_space<vmem_shared>>
      %dma_wait3A_62 = arith.constant 0 : i32
      %dma_wait3A_63 = tpu.memref_slice %arg11[%add3A_23, %dma_wait3A_62] : memref<10240x64xf32, #tpu.memory_space<vmem_shared>> -> memref<64x64xf32, #tpu.memory_space<vmem_shared>>
      tpu.wait_dma2 semaphore(%run_scoped3A : memref<!tpu.dma_semaphore, #tpu.memory_space<semaphore_mem>>) src(%arg9 : memref<64x64xf32, #tpu.memory_space<vmem>>) dst(%dma_wait3A_63 : memref<64x64xf32, #tpu.memory_space<vmem_shared>>)
      tpu.yield
    }) : () -> ()
    %add3A_24 = arith.constant 448 : i32
    %add3A_25 = arith.addi %mul3A_9, %add3A_24 : i32
    "tpu.region"() ({
      %run_scoped3A = tpu.sem_alloc : memref<!tpu.dma_semaphore, #tpu.memory_space<semaphore_mem>>
      %dma_start3A = arith.constant 0 : i32
      %dma_start3A_58 = tpu.memref_slice %arg10[%add3A_25, %dma_start3A] : memref<10240x64xf32, #tpu.memory_space<vmem_shared>> -> memref<64x64xf32, #tpu.memory_space<vmem_shared>>
      %dma_start3A_59 = arith.constant 0 : i32
      %dma_start3A_60 = tpu.memref_slice %arg2[%add3A_25, %dma_start3A_59] : memref<10240x64xf32, #tpu.memory_space<hbm>> -> memref<64x64xf32, #tpu.memory_space<hbm>>
      tpu.enqueue_dma source(%dma_start3A_60 : memref<64x64xf32, #tpu.memory_space<hbm>>) target(%dma_start3A_58 : memref<64x64xf32, #tpu.memory_space<vmem_shared>>) target_semaphore(%run_scoped3A : memref<!tpu.dma_semaphore, #tpu.memory_space<semaphore_mem>>)
      %dma_wait3A = arith.constant 0 : i32
      %dma_wait3A_61 = tpu.memref_slice %arg10[%add3A_25, %dma_wait3A] : memref<10240x64xf32, #tpu.memory_space<vmem_shared>> -> memref<64x64xf32, #tpu.memory_space<vmem_shared>>
      %dma_wait3A_62 = arith.constant 0 : i32
      %dma_wait3A_63 = tpu.memref_slice %arg2[%add3A_25, %dma_wait3A_62] : memref<10240x64xf32, #tpu.memory_space<hbm>> -> memref<64x64xf32, #tpu.memory_space<hbm>>
      tpu.wait_dma2 semaphore(%run_scoped3A : memref<!tpu.dma_semaphore, #tpu.memory_space<semaphore_mem>>) src(%dma_wait3A_63 : memref<64x64xf32, #tpu.memory_space<hbm>>) dst(%dma_wait3A_61 : memref<64x64xf32, #tpu.memory_space<vmem_shared>>)
      tpu.yield
    }) : () -> ()
    "tpu.region"() ({
      %run_scoped3A = tpu.sem_alloc : memref<!tpu.dma_semaphore, #tpu.memory_space<semaphore_mem>>
      %dma_start3A = arith.constant 0 : i32
      %dma_start3A_58 = tpu.memref_slice %arg11[%add3A_25, %dma_start3A] : memref<10240x64xf32, #tpu.memory_space<vmem_shared>> -> memref<64x64xf32, #tpu.memory_space<vmem_shared>>
      %dma_start3A_59 = arith.constant 0 : i32
      %dma_start3A_60 = tpu.memref_slice %arg11[%add3A_25, %dma_start3A_59] : memref<10240x64xf32, #tpu.memory_space<vmem_shared>> -> memref<64x64xf32, #tpu.memory_space<vmem_shared>>
      tpu.enqueue_dma source(%arg9 : memref<64x64xf32, #tpu.memory_space<vmem>>) target(%dma_start3A_60 : memref<64x64xf32, #tpu.memory_space<vmem_shared>>) target_semaphore(%run_scoped3A : memref<!tpu.dma_semaphore, #tpu.memory_space<semaphore_mem>>)
      %dma_wait3A = arith.constant 0 : i32
      %dma_wait3A_61 = tpu.memref_slice %arg11[%add3A_25, %dma_wait3A] : memref<10240x64xf32, #tpu.memory_space<vmem_shared>> -> memref<64x64xf32, #tpu.memory_space<vmem_shared>>
      %dma_wait3A_62 = arith.constant 0 : i32
      %dma_wait3A_63 = tpu.memref_slice %arg11[%add3A_25, %dma_wait3A_62] : memref<10240x64xf32, #tpu.memory_space<vmem_shared>> -> memref<64x64xf32, #tpu.memory_space<vmem_shared>>
      tpu.wait_dma2 semaphore(%run_scoped3A : memref<!tpu.dma_semaphore, #tpu.memory_space<semaphore_mem>>) src(%arg9 : memref<64x64xf32, #tpu.memory_space<vmem>>) dst(%dma_wait3A_63 : memref<64x64xf32, #tpu.memory_space<vmem_shared>>)
      tpu.yield
    }) : () -> ()
    %add3A_26 = arith.constant 512 : i32
    %add3A_27 = arith.addi %mul3A_9, %add3A_26 : i32
    "tpu.region"() ({
      %run_scoped3A = tpu.sem_alloc : memref<!tpu.dma_semaphore, #tpu.memory_space<semaphore_mem>>
      %dma_start3A = arith.constant 0 : i32
      %dma_start3A_58 = tpu.memref_slice %arg10[%add3A_27, %dma_start3A] : memref<10240x64xf32, #tpu.memory_space<vmem_shared>> -> memref<64x64xf32, #tpu.memory_space<vmem_shared>>
      %dma_start3A_59 = arith.constant 0 : i32
      %dma_start3A_60 = tpu.memref_slice %arg2[%add3A_27, %dma_start3A_59] : memref<10240x64xf32, #tpu.memory_space<hbm>> -> memref<64x64xf32, #tpu.memory_space<hbm>>
      tpu.enqueue_dma source(%dma_start3A_60 : memref<64x64xf32, #tpu.memory_space<hbm>>) target(%dma_start3A_58 : memref<64x64xf32, #tpu.memory_space<vmem_shared>>) target_semaphore(%run_scoped3A : memref<!tpu.dma_semaphore, #tpu.memory_space<semaphore_mem>>)
      %dma_wait3A = arith.constant 0 : i32
      %dma_wait3A_61 = tpu.memref_slice %arg10[%add3A_27, %dma_wait3A] : memref<10240x64xf32, #tpu.memory_space<vmem_shared>> -> memref<64x64xf32, #tpu.memory_space<vmem_shared>>
      %dma_wait3A_62 = arith.constant 0 : i32
      %dma_wait3A_63 = tpu.memref_slice %arg2[%add3A_27, %dma_wait3A_62] : memref<10240x64xf32, #tpu.memory_space<hbm>> -> memref<64x64xf32, #tpu.memory_space<hbm>>
      tpu.wait_dma2 semaphore(%run_scoped3A : memref<!tpu.dma_semaphore, #tpu.memory_space<semaphore_mem>>) src(%dma_wait3A_63 : memref<64x64xf32, #tpu.memory_space<hbm>>) dst(%dma_wait3A_61 : memref<64x64xf32, #tpu.memory_space<vmem_shared>>)
      tpu.yield
    }) : () -> ()
    "tpu.region"() ({
      %run_scoped3A = tpu.sem_alloc : memref<!tpu.dma_semaphore, #tpu.memory_space<semaphore_mem>>
      %dma_start3A = arith.constant 0 : i32
      %dma_start3A_58 = tpu.memref_slice %arg11[%add3A_27, %dma_start3A] : memref<10240x64xf32, #tpu.memory_space<vmem_shared>> -> memref<64x64xf32, #tpu.memory_space<vmem_shared>>
      %dma_start3A_59 = arith.constant 0 : i32
      %dma_start3A_60 = tpu.memref_slice %arg11[%add3A_27, %dma_start3A_59] : memref<10240x64xf32, #tpu.memory_space<vmem_shared>> -> memref<64x64xf32, #tpu.memory_space<vmem_shared>>
      tpu.enqueue_dma source(%arg9 : memref<64x64xf32, #tpu.memory_space<vmem>>) target(%dma_start3A_60 : memref<64x64xf32, #tpu.memory_space<vmem_shared>>) target_semaphore(%run_scoped3A : memref<!tpu.dma_semaphore, #tpu.memory_space<semaphore_mem>>)
      %dma_wait3A = arith.constant 0 : i32
      %dma_wait3A_61 = tpu.memref_slice %arg11[%add3A_27, %dma_wait3A] : memref<10240x64xf32, #tpu.memory_space<vmem_shared>> -> memref<64x64xf32, #tpu.memory_space<vmem_shared>>
      %dma_wait3A_62 = arith.constant 0 : i32
      %dma_wait3A_63 = tpu.memref_slice %arg11[%add3A_27, %dma_wait3A_62] : memref<10240x64xf32, #tpu.memory_space<vmem_shared>> -> memref<64x64xf32, #tpu.memory_space<vmem_shared>>
      tpu.wait_dma2 semaphore(%run_scoped3A : memref<!tpu.dma_semaphore, #tpu.memory_space<semaphore_mem>>) src(%arg9 : memref<64x64xf32, #tpu.memory_space<vmem>>) dst(%dma_wait3A_63 : memref<64x64xf32, #tpu.memory_space<vmem_shared>>)
      tpu.yield
    }) : () -> ()
    %add3A_28 = arith.constant 576 : i32
    %add3A_29 = arith.addi %mul3A_9, %add3A_28 : i32
    "tpu.region"() ({
      %run_scoped3A = tpu.sem_alloc : memref<!tpu.dma_semaphore, #tpu.memory_space<semaphore_mem>>
      %dma_start3A = arith.constant 0 : i32
      %dma_start3A_58 = tpu.memref_slice %arg10[%add3A_29, %dma_start3A] : memref<10240x64xf32, #tpu.memory_space<vmem_shared>> -> memref<64x64xf32, #tpu.memory_space<vmem_shared>>
      %dma_start3A_59 = arith.constant 0 : i32
      %dma_start3A_60 = tpu.memref_slice %arg2[%add3A_29, %dma_start3A_59] : memref<10240x64xf32, #tpu.memory_space<hbm>> -> memref<64x64xf32, #tpu.memory_space<hbm>>
      tpu.enqueue_dma source(%dma_start3A_60 : memref<64x64xf32, #tpu.memory_space<hbm>>) target(%dma_start3A_58 : memref<64x64xf32, #tpu.memory_space<vmem_shared>>) target_semaphore(%run_scoped3A : memref<!tpu.dma_semaphore, #tpu.memory_space<semaphore_mem>>)
      %dma_wait3A = arith.constant 0 : i32
      %dma_wait3A_61 = tpu.memref_slice %arg10[%add3A_29, %dma_wait3A] : memref<10240x64xf32, #tpu.memory_space<vmem_shared>> -> memref<64x64xf32, #tpu.memory_space<vmem_shared>>
      %dma_wait3A_62 = arith.constant 0 : i32
      %dma_wait3A_63 = tpu.memref_slice %arg2[%add3A_29, %dma_wait3A_62] : memref<10240x64xf32, #tpu.memory_space<hbm>> -> memref<64x64xf32, #tpu.memory_space<hbm>>
      tpu.wait_dma2 semaphore(%run_scoped3A : memref<!tpu.dma_semaphore, #tpu.memory_space<semaphore_mem>>) src(%dma_wait3A_63 : memref<64x64xf32, #tpu.memory_space<hbm>>) dst(%dma_wait3A_61 : memref<64x64xf32, #tpu.memory_space<vmem_shared>>)
      tpu.yield
    }) : () -> ()
    "tpu.region"() ({
      %run_scoped3A = tpu.sem_alloc : memref<!tpu.dma_semaphore, #tpu.memory_space<semaphore_mem>>
      %dma_start3A = arith.constant 0 : i32
      %dma_start3A_58 = tpu.memref_slice %arg11[%add3A_29, %dma_start3A] : memref<10240x64xf32, #tpu.memory_space<vmem_shared>> -> memref<64x64xf32, #tpu.memory_space<vmem_shared>>
      %dma_start3A_59 = arith.constant 0 : i32
      %dma_start3A_60 = tpu.memref_slice %arg11[%add3A_29, %dma_start3A_59] : memref<10240x64xf32, #tpu.memory_space<vmem_shared>> -> memref<64x64xf32, #tpu.memory_space<vmem_shared>>
      tpu.enqueue_dma source(%arg9 : memref<64x64xf32, #tpu.memory_space<vmem>>) target(%dma_start3A_60 : memref<64x64xf32, #tpu.memory_space<vmem_shared>>) target_semaphore(%run_scoped3A : memref<!tpu.dma_semaphore, #tpu.memory_space<semaphore_mem>>)
      %dma_wait3A = arith.constant 0 : i32
      %dma_wait3A_61 = tpu.memref_slice %arg11[%add3A_29, %dma_wait3A] : memref<10240x64xf32, #tpu.memory_space<vmem_shared>> -> memref<64x64xf32, #tpu.memory_space<vmem_shared>>
      %dma_wait3A_62 = arith.constant 0 : i32
      %dma_wait3A_63 = tpu.memref_slice %arg11[%add3A_29, %dma_wait3A_62] : memref<10240x64xf32, #tpu.memory_space<vmem_shared>> -> memref<64x64xf32, #tpu.memory_space<vmem_shared>>
      tpu.wait_dma2 semaphore(%run_scoped3A : memref<!tpu.dma_semaphore, #tpu.memory_space<semaphore_mem>>) src(%arg9 : memref<64x64xf32, #tpu.memory_space<vmem>>) dst(%dma_wait3A_63 : memref<64x64xf32, #tpu.memory_space<vmem_shared>>)
      tpu.yield
    }) : () -> ()
    %barrier3A = arith.constant 0 : index
    tpu.barrier barrier_id(%barrier3A)
    %scan3A_30 = arith.constant 0 : i32
    %scan3A_31 = arith.constant 0 : i32
    %scan3A_32 = arith.constant 25 : i32
    %scan3A_33 = arith.addi %scan3A_31, %scan3A_32 : i32
    %scan3A_34 = arith.constant 1 : i32
    %scan3A_35 = scf.for %scan3A_58 = %scan3A_31 to %scan3A_33 step %scan3A_34 iter_args(%scan3A_59 = %scan3A_30) -> (i32)  : i32 {
      %mul3A_60 = arith.constant 25 : i32
      %mul3A_61 = arith.muli %add3A, %mul3A_60 : i32
      %mul3A_62 = arith.constant 1 : i32
      %mul3A_63 = arith.muli %scan3A_58, %mul3A_62 : i32
      %add3A_64 = arith.addi %mul3A_61, %mul3A_63 : i32
      "tpu.region"() ({
        %run_scoped3A_69 = tpu.sem_alloc : memref<!tpu.dma_semaphore, #tpu.memory_space<semaphore_mem>>
        %dma_start3A = arith.constant 0 : i32
        %dma_start3A_70 = tpu.memref_slice %arg3[%add3A_64, %dma_start3A] : memref<800x400xi32, #tpu.memory_space<hbm>> -> memref<1x400xi32, #tpu.memory_space<hbm>>
        %dma_start3A_71 = arith.constant 0 : i32
        %dma_start3A_72 = tpu.memref_slice %arg3[%add3A_64, %dma_start3A_71] : memref<800x400xi32, #tpu.memory_space<hbm>> -> memref<1x400xi32, #tpu.memory_space<hbm>>
        tpu.enqueue_dma source(%dma_start3A_72 : memref<1x400xi32, #tpu.memory_space<hbm>>) target(%arg6 : memref<1x400xi32, #tpu.memory_space<vmem>>) target_semaphore(%run_scoped3A_69 : memref<!tpu.dma_semaphore, #tpu.memory_space<semaphore_mem>>)
        %dma_wait3A = arith.constant 0 : i32
        %dma_wait3A_73 = tpu.memref_slice %arg3[%add3A_64, %dma_wait3A] : memref<800x400xi32, #tpu.memory_space<hbm>> -> memref<1x400xi32, #tpu.memory_space<hbm>>
        %dma_wait3A_74 = arith.constant 0 : i32
        %dma_wait3A_75 = tpu.memref_slice %arg3[%add3A_64, %dma_wait3A_74] : memref<800x400xi32, #tpu.memory_space<hbm>> -> memref<1x400xi32, #tpu.memory_space<hbm>>
        tpu.wait_dma2 semaphore(%run_scoped3A_69 : memref<!tpu.dma_semaphore, #tpu.memory_space<semaphore_mem>>) src(%dma_wait3A_75 : memref<1x400xi32, #tpu.memory_space<hbm>>) dst(%arg6 : memref<1x400xi32, #tpu.memory_space<vmem>>)
        tpu.yield
      }) : () -> ()
      "tpu.region"() ({
        %run_scoped3A_69 = tpu.sem_alloc : memref<!tpu.dma_semaphore, #tpu.memory_space<semaphore_mem>>
        %dma_start3A = arith.constant 0 : i32
        %dma_start3A_70 = tpu.memref_slice %arg4[%add3A_64, %dma_start3A] : memref<800x400xi32, #tpu.memory_space<hbm>> -> memref<1x400xi32, #tpu.memory_space<hbm>>
        %dma_start3A_71 = arith.constant 0 : i32
        %dma_start3A_72 = tpu.memref_slice %arg4[%add3A_64, %dma_start3A_71] : memref<800x400xi32, #tpu.memory_space<hbm>> -> memref<1x400xi32, #tpu.memory_space<hbm>>
        tpu.enqueue_dma source(%dma_start3A_72 : memref<1x400xi32, #tpu.memory_space<hbm>>) target(%arg7 : memref<1x400xi32, #tpu.memory_space<vmem>>) target_semaphore(%run_scoped3A_69 : memref<!tpu.dma_semaphore, #tpu.memory_space<semaphore_mem>>)
        %dma_wait3A = arith.constant 0 : i32
        %dma_wait3A_73 = tpu.memref_slice %arg4[%add3A_64, %dma_wait3A] : memref<800x400xi32, #tpu.memory_space<hbm>> -> memref<1x400xi32, #tpu.memory_space<hbm>>
        %dma_wait3A_74 = arith.constant 0 : i32
        %dma_wait3A_75 = tpu.memref_slice %arg4[%add3A_64, %dma_wait3A_74] : memref<800x400xi32, #tpu.memory_space<hbm>> -> memref<1x400xi32, #tpu.memory_space<hbm>>
        tpu.wait_dma2 semaphore(%run_scoped3A_69 : memref<!tpu.dma_semaphore, #tpu.memory_space<semaphore_mem>>) src(%dma_wait3A_75 : memref<1x400xi32, #tpu.memory_space<hbm>>) dst(%arg7 : memref<1x400xi32, #tpu.memory_space<vmem>>)
        tpu.yield
      }) : () -> ()
      %run_scoped3A = arith.constant 0 : i32
      %run_scoped3A_65 = arith.constant 0 : i32
      "tpu.region"() ({
        %run_scoped3A_69 = tpu.sem_alloc : memref<!tpu.dma_semaphore, #tpu.memory_space<semaphore_mem>>
        %dma_start3A = arith.constant 0 : i32
        %dma_start3A_70 = arith.constant 0 : i32
        %dma_start3A_71 = tpu.memref_slice %arg8[%run_scoped3A_65, %dma_start3A, %dma_start3A_70] : memref<1x400x64xf32, #tpu.memory_space<vmem>> -> memref<1x400x64xf32, #tpu.memory_space<vmem>>
        %dma_start3A_72 = tpu.memref_squeeze %dma_start3A_71 : memref<1x400x64xf32, #tpu.memory_space<vmem>> -> memref<400x64xf32, #tpu.memory_space<vmem>>
        %dma_start3A_73 = arith.constant 0 : i32
        %dma_start3A_74 = tpu.memref_slice %arg6[%run_scoped3A, %dma_start3A_73] : memref<1x400xi32, #tpu.memory_space<vmem>> -> memref<1x400xi32, #tpu.memory_space<vmem>>
        %dma_start3A_75 = tpu.memref_squeeze %dma_start3A_74 : memref<1x400xi32, #tpu.memory_space<vmem>> -> memref<400xi32, #tpu.memory_space<vmem>>
        %dma_start3A_76 = arith.constant 0 : i32
        %dma_start3A_77 = arith.constant 0 : i32
        %dma_start3A_78 = tpu.memref_slice %arg10[%dma_start3A_76, %dma_start3A_77] : memref<10240x64xf32, #tpu.memory_space<vmem_shared>> -> memref<10240x64xf32, #tpu.memory_space<vmem_shared>>
        tpu.enqueue_indirect_dma source(%dma_start3A_78 : memref<10240x64xf32, #tpu.memory_space<vmem_shared>>) target(%dma_start3A_72 : memref<400x64xf32, #tpu.memory_space<vmem>>) offsets(%dma_start3A_75 : memref<400xi32, #tpu.memory_space<vmem>>) semaphore(%run_scoped3A_69 : memref<!tpu.dma_semaphore, #tpu.memory_space<semaphore_mem>>)
        %dma_wait3A = arith.constant 0 : i32
        %dma_wait3A_79 = arith.constant 0 : i32
        %dma_wait3A_80 = tpu.memref_slice %arg8[%run_scoped3A_65, %dma_wait3A, %dma_wait3A_79] : memref<1x400x64xf32, #tpu.memory_space<vmem>> -> memref<1x400x64xf32, #tpu.memory_space<vmem>>
        %dma_wait3A_81 = tpu.memref_squeeze %dma_wait3A_80 : memref<1x400x64xf32, #tpu.memory_space<vmem>> -> memref<400x64xf32, #tpu.memory_space<vmem>>
        %dma_wait3A_82 = arith.constant 0 : i32
        %dma_wait3A_83 = tpu.memref_slice %arg6[%run_scoped3A, %dma_wait3A_82] : memref<1x400xi32, #tpu.memory_space<vmem>> -> memref<1x400xi32, #tpu.memory_space<vmem>>
        %dma_wait3A_84 = tpu.memref_squeeze %dma_wait3A_83 : memref<1x400xi32, #tpu.memory_space<vmem>> -> memref<400xi32, #tpu.memory_space<vmem>>
        %dma_wait3A_85 = arith.constant 0 : i32
        %dma_wait3A_86 = arith.constant 0 : i32
        %dma_wait3A_87 = tpu.memref_slice %arg10[%dma_wait3A_85, %dma_wait3A_86] : memref<10240x64xf32, #tpu.memory_space<vmem_shared>> -> memref<10240x64xf32, #tpu.memory_space<vmem_shared>>
        tpu.wait_indirect_dma semaphore(%run_scoped3A_69 : memref<!tpu.dma_semaphore, #tpu.memory_space<semaphore_mem>>) src(%dma_wait3A_87 : memref<10240x64xf32, #tpu.memory_space<vmem_shared>>) dst(%dma_wait3A_81 : memref<400x64xf32, #tpu.memory_space<vmem>>)
        tpu.yield
      }) : () -> ()
      %run_scoped3A_66 = arith.constant 0 : i32
      %run_scoped3A_67 = arith.constant 0 : i32
      "tpu.region"() ({
        %run_scoped3A_69 = tpu.sem_alloc : memref<!tpu.dma_semaphore, #tpu.memory_space<semaphore_mem>>
        %dma_start3A = arith.constant 0 : i32
        %dma_start3A_70 = arith.constant 0 : i32
        %dma_start3A_71 = tpu.memref_slice %arg8[%run_scoped3A_66, %dma_start3A, %dma_start3A_70] : memref<1x400x64xf32, #tpu.memory_space<vmem>> -> memref<1x400x64xf32, #tpu.memory_space<vmem>>
        %dma_start3A_72 = tpu.memref_squeeze %dma_start3A_71 : memref<1x400x64xf32, #tpu.memory_space<vmem>> -> memref<400x64xf32, #tpu.memory_space<vmem>>
        %dma_start3A_73 = arith.constant 0 : i32
        %dma_start3A_74 = tpu.memref_slice %arg7[%run_scoped3A_67, %dma_start3A_73] : memref<1x400xi32, #tpu.memory_space<vmem>> -> memref<1x400xi32, #tpu.memory_space<vmem>>
        %dma_start3A_75 = tpu.memref_squeeze %dma_start3A_74 : memref<1x400xi32, #tpu.memory_space<vmem>> -> memref<400xi32, #tpu.memory_space<vmem>>
        %dma_start3A_76 = arith.constant 0 : i32
        %dma_start3A_77 = arith.constant 0 : i32
        %dma_start3A_78 = tpu.memref_slice %arg11[%dma_start3A_76, %dma_start3A_77] : memref<10240x64xf32, #tpu.memory_space<vmem_shared>> -> memref<10240x64xf32, #tpu.memory_space<vmem_shared>>
        tpu.enqueue_indirect_dma source(%dma_start3A_72 : memref<400x64xf32, #tpu.memory_space<vmem>>) target(%dma_start3A_78 : memref<10240x64xf32, #tpu.memory_space<vmem_shared>>) offsets(%dma_start3A_75 : memref<400xi32, #tpu.memory_space<vmem>>) semaphore(%run_scoped3A_69 : memref<!tpu.dma_semaphore, #tpu.memory_space<semaphore_mem>>) {add = true}
        %dma_wait3A = arith.constant 0 : i32
        %dma_wait3A_79 = arith.constant 0 : i32
        %dma_wait3A_80 = tpu.memref_slice %arg8[%run_scoped3A_66, %dma_wait3A, %dma_wait3A_79] : memref<1x400x64xf32, #tpu.memory_space<vmem>> -> memref<1x400x64xf32, #tpu.memory_space<vmem>>
        %dma_wait3A_81 = tpu.memref_squeeze %dma_wait3A_80 : memref<1x400x64xf32, #tpu.memory_space<vmem>> -> memref<400x64xf32, #tpu.memory_space<vmem>>
        %dma_wait3A_82 = arith.constant 0 : i32
        %dma_wait3A_83 = tpu.memref_slice %arg7[%run_scoped3A_67, %dma_wait3A_82] : memref<1x400xi32, #tpu.memory_space<vmem>> -> memref<1x400xi32, #tpu.memory_space<vmem>>
        %dma_wait3A_84 = tpu.memref_squeeze %dma_wait3A_83 : memref<1x400xi32, #tpu.memory_space<vmem>> -> memref<400xi32, #tpu.memory_space<vmem>>
        %dma_wait3A_85 = arith.constant 0 : i32
        %dma_wait3A_86 = arith.constant 0 : i32
        %dma_wait3A_87 = tpu.memref_slice %arg11[%dma_wait3A_85, %dma_wait3A_86] : memref<10240x64xf32, #tpu.memory_space<vmem_shared>> -> memref<10240x64xf32, #tpu.memory_space<vmem_shared>>
        tpu.wait_indirect_dma semaphore(%run_scoped3A_69 : memref<!tpu.dma_semaphore, #tpu.memory_space<semaphore_mem>>) src(%dma_wait3A_81 : memref<400x64xf32, #tpu.memory_space<vmem>>) dst(%dma_wait3A_87 : memref<10240x64xf32, #tpu.memory_space<vmem_shared>>)
        tpu.yield
      }) : () -> ()
      %scan3A_68 = arith.constant 0 : i32
      scf.yield %scan3A_68 : i32
    }
    %scan3A_36 = arith.constant 25 : i32
    %barrier3A_37 = arith.constant 0 : index
    tpu.barrier barrier_id(%barrier3A_37)
    %add3A_38 = arith.constant 0 : i32
    %add3A_39 = arith.addi %mul3A_9, %add3A_38 : i32
    "tpu.region"() ({
      %run_scoped3A = tpu.sem_alloc : memref<!tpu.dma_semaphore, #tpu.memory_space<semaphore_mem>>
      %dma_start3A = arith.constant 0 : i32
      %dma_start3A_58 = tpu.memref_slice %arg5[%arg0, %add3A_39, %dma_start3A] : memref<2x10240x64xf32, #tpu.memory_space<hbm>> -> memref<1x64x64xf32, #tpu.memory_space<hbm>>
      %dma_start3A_59 = tpu.memref_squeeze %dma_start3A_58 : memref<1x64x64xf32, #tpu.memory_space<hbm>> -> memref<64x64xf32, #tpu.memory_space<hbm>>
      %dma_start3A_60 = arith.constant 0 : i32
      %dma_start3A_61 = tpu.memref_slice %arg11[%add3A_39, %dma_start3A_60] : memref<10240x64xf32, #tpu.memory_space<vmem_shared>> -> memref<64x64xf32, #tpu.memory_space<vmem_shared>>
      tpu.enqueue_dma source(%dma_start3A_61 : memref<64x64xf32, #tpu.memory_space<vmem_shared>>) target(%dma_start3A_59 : memref<64x64xf32, #tpu.memory_space<hbm>>) target_semaphore(%run_scoped3A : memref<!tpu.dma_semaphore, #tpu.memory_space<semaphore_mem>>)
      %dma_wait3A = arith.constant 0 : i32
      %dma_wait3A_62 = tpu.memref_slice %arg5[%arg0, %add3A_39, %dma_wait3A] : memref<2x10240x64xf32, #tpu.memory_space<hbm>> -> memref<1x64x64xf32, #tpu.memory_space<hbm>>
      %dma_wait3A_63 = tpu.memref_squeeze %dma_wait3A_62 : memref<1x64x64xf32, #tpu.memory_space<hbm>> -> memref<64x64xf32, #tpu.memory_space<hbm>>
      %dma_wait3A_64 = arith.constant 0 : i32
      %dma_wait3A_65 = tpu.memref_slice %arg11[%add3A_39, %dma_wait3A_64] : memref<10240x64xf32, #tpu.memory_space<vmem_shared>> -> memref<64x64xf32, #tpu.memory_space<vmem_shared>>
      tpu.wait_dma2 semaphore(%run_scoped3A : memref<!tpu.dma_semaphore, #tpu.memory_space<semaphore_mem>>) src(%dma_wait3A_65 : memref<64x64xf32, #tpu.memory_space<vmem_shared>>) dst(%dma_wait3A_63 : memref<64x64xf32, #tpu.memory_space<hbm>>)
      tpu.yield
    }) : () -> ()
    %add3A_40 = arith.constant 64 : i32
    %add3A_41 = arith.addi %mul3A_9, %add3A_40 : i32
    "tpu.region"() ({
      %run_scoped3A = tpu.sem_alloc : memref<!tpu.dma_semaphore, #tpu.memory_space<semaphore_mem>>
      %dma_start3A = arith.constant 0 : i32
      %dma_start3A_58 = tpu.memref_slice %arg5[%arg0, %add3A_41, %dma_start3A] : memref<2x10240x64xf32, #tpu.memory_space<hbm>> -> memref<1x64x64xf32, #tpu.memory_space<hbm>>
      %dma_start3A_59 = tpu.memref_squeeze %dma_start3A_58 : memref<1x64x64xf32, #tpu.memory_space<hbm>> -> memref<64x64xf32, #tpu.memory_space<hbm>>
      %dma_start3A_60 = arith.constant 0 : i32
      %dma_start3A_61 = tpu.memref_slice %arg11[%add3A_41, %dma_start3A_60] : memref<10240x64xf32, #tpu.memory_space<vmem_shared>> -> memref<64x64xf32, #tpu.memory_space<vmem_shared>>
      tpu.enqueue_dma source(%dma_start3A_61 : memref<64x64xf32, #tpu.memory_space<vmem_shared>>) target(%dma_start3A_59 : memref<64x64xf32, #tpu.memory_space<hbm>>) target_semaphore(%run_scoped3A : memref<!tpu.dma_semaphore, #tpu.memory_space<semaphore_mem>>)
      %dma_wait3A = arith.constant 0 : i32
      %dma_wait3A_62 = tpu.memref_slice %arg5[%arg0, %add3A_41, %dma_wait3A] : memref<2x10240x64xf32, #tpu.memory_space<hbm>> -> memref<1x64x64xf32, #tpu.memory_space<hbm>>
      %dma_wait3A_63 = tpu.memref_squeeze %dma_wait3A_62 : memref<1x64x64xf32, #tpu.memory_space<hbm>> -> memref<64x64xf32, #tpu.memory_space<hbm>>
      %dma_wait3A_64 = arith.constant 0 : i32
      %dma_wait3A_65 = tpu.memref_slice %arg11[%add3A_41, %dma_wait3A_64] : memref<10240x64xf32, #tpu.memory_space<vmem_shared>> -> memref<64x64xf32, #tpu.memory_space<vmem_shared>>
      tpu.wait_dma2 semaphore(%run_scoped3A : memref<!tpu.dma_semaphore, #tpu.memory_space<semaphore_mem>>) src(%dma_wait3A_65 : memref<64x64xf32, #tpu.memory_space<vmem_shared>>) dst(%dma_wait3A_63 : memref<64x64xf32, #tpu.memory_space<hbm>>)
      tpu.yield
    }) : () -> ()
    %add3A_42 = arith.constant 128 : i32
    %add3A_43 = arith.addi %mul3A_9, %add3A_42 : i32
    "tpu.region"() ({
      %run_scoped3A = tpu.sem_alloc : memref<!tpu.dma_semaphore, #tpu.memory_space<semaphore_mem>>
      %dma_start3A = arith.constant 0 : i32
      %dma_start3A_58 = tpu.memref_slice %arg5[%arg0, %add3A_43, %dma_start3A] : memref<2x10240x64xf32, #tpu.memory_space<hbm>> -> memref<1x64x64xf32, #tpu.memory_space<hbm>>
      %dma_start3A_59 = tpu.memref_squeeze %dma_start3A_58 : memref<1x64x64xf32, #tpu.memory_space<hbm>> -> memref<64x64xf32, #tpu.memory_space<hbm>>
      %dma_start3A_60 = arith.constant 0 : i32
      %dma_start3A_61 = tpu.memref_slice %arg11[%add3A_43, %dma_start3A_60] : memref<10240x64xf32, #tpu.memory_space<vmem_shared>> -> memref<64x64xf32, #tpu.memory_space<vmem_shared>>
      tpu.enqueue_dma source(%dma_start3A_61 : memref<64x64xf32, #tpu.memory_space<vmem_shared>>) target(%dma_start3A_59 : memref<64x64xf32, #tpu.memory_space<hbm>>) target_semaphore(%run_scoped3A : memref<!tpu.dma_semaphore, #tpu.memory_space<semaphore_mem>>)
      %dma_wait3A = arith.constant 0 : i32
      %dma_wait3A_62 = tpu.memref_slice %arg5[%arg0, %add3A_43, %dma_wait3A] : memref<2x10240x64xf32, #tpu.memory_space<hbm>> -> memref<1x64x64xf32, #tpu.memory_space<hbm>>
      %dma_wait3A_63 = tpu.memref_squeeze %dma_wait3A_62 : memref<1x64x64xf32, #tpu.memory_space<hbm>> -> memref<64x64xf32, #tpu.memory_space<hbm>>
      %dma_wait3A_64 = arith.constant 0 : i32
      %dma_wait3A_65 = tpu.memref_slice %arg11[%add3A_43, %dma_wait3A_64] : memref<10240x64xf32, #tpu.memory_space<vmem_shared>> -> memref<64x64xf32, #tpu.memory_space<vmem_shared>>
      tpu.wait_dma2 semaphore(%run_scoped3A : memref<!tpu.dma_semaphore, #tpu.memory_space<semaphore_mem>>) src(%dma_wait3A_65 : memref<64x64xf32, #tpu.memory_space<vmem_shared>>) dst(%dma_wait3A_63 : memref<64x64xf32, #tpu.memory_space<hbm>>)
      tpu.yield
    }) : () -> ()
    %add3A_44 = arith.constant 192 : i32
    %add3A_45 = arith.addi %mul3A_9, %add3A_44 : i32
    "tpu.region"() ({
      %run_scoped3A = tpu.sem_alloc : memref<!tpu.dma_semaphore, #tpu.memory_space<semaphore_mem>>
      %dma_start3A = arith.constant 0 : i32
      %dma_start3A_58 = tpu.memref_slice %arg5[%arg0, %add3A_45, %dma_start3A] : memref<2x10240x64xf32, #tpu.memory_space<hbm>> -> memref<1x64x64xf32, #tpu.memory_space<hbm>>
      %dma_start3A_59 = tpu.memref_squeeze %dma_start3A_58 : memref<1x64x64xf32, #tpu.memory_space<hbm>> -> memref<64x64xf32, #tpu.memory_space<hbm>>
      %dma_start3A_60 = arith.constant 0 : i32
      %dma_start3A_61 = tpu.memref_slice %arg11[%add3A_45, %dma_start3A_60] : memref<10240x64xf32, #tpu.memory_space<vmem_shared>> -> memref<64x64xf32, #tpu.memory_space<vmem_shared>>
      tpu.enqueue_dma source(%dma_start3A_61 : memref<64x64xf32, #tpu.memory_space<vmem_shared>>) target(%dma_start3A_59 : memref<64x64xf32, #tpu.memory_space<hbm>>) target_semaphore(%run_scoped3A : memref<!tpu.dma_semaphore, #tpu.memory_space<semaphore_mem>>)
      %dma_wait3A = arith.constant 0 : i32
      %dma_wait3A_62 = tpu.memref_slice %arg5[%arg0, %add3A_45, %dma_wait3A] : memref<2x10240x64xf32, #tpu.memory_space<hbm>> -> memref<1x64x64xf32, #tpu.memory_space<hbm>>
      %dma_wait3A_63 = tpu.memref_squeeze %dma_wait3A_62 : memref<1x64x64xf32, #tpu.memory_space<hbm>> -> memref<64x64xf32, #tpu.memory_space<hbm>>
      %dma_wait3A_64 = arith.constant 0 : i32
      %dma_wait3A_65 = tpu.memref_slice %arg11[%add3A_45, %dma_wait3A_64] : memref<10240x64xf32, #tpu.memory_space<vmem_shared>> -> memref<64x64xf32, #tpu.memory_space<vmem_shared>>
      tpu.wait_dma2 semaphore(%run_scoped3A : memref<!tpu.dma_semaphore, #tpu.memory_space<semaphore_mem>>) src(%dma_wait3A_65 : memref<64x64xf32, #tpu.memory_space<vmem_shared>>) dst(%dma_wait3A_63 : memref<64x64xf32, #tpu.memory_space<hbm>>)
      tpu.yield
    }) : () -> ()
    %add3A_46 = arith.constant 256 : i32
    %add3A_47 = arith.addi %mul3A_9, %add3A_46 : i32
    "tpu.region"() ({
      %run_scoped3A = tpu.sem_alloc : memref<!tpu.dma_semaphore, #tpu.memory_space<semaphore_mem>>
      %dma_start3A = arith.constant 0 : i32
      %dma_start3A_58 = tpu.memref_slice %arg5[%arg0, %add3A_47, %dma_start3A] : memref<2x10240x64xf32, #tpu.memory_space<hbm>> -> memref<1x64x64xf32, #tpu.memory_space<hbm>>
      %dma_start3A_59 = tpu.memref_squeeze %dma_start3A_58 : memref<1x64x64xf32, #tpu.memory_space<hbm>> -> memref<64x64xf32, #tpu.memory_space<hbm>>
      %dma_start3A_60 = arith.constant 0 : i32
      %dma_start3A_61 = tpu.memref_slice %arg11[%add3A_47, %dma_start3A_60] : memref<10240x64xf32, #tpu.memory_space<vmem_shared>> -> memref<64x64xf32, #tpu.memory_space<vmem_shared>>
      tpu.enqueue_dma source(%dma_start3A_61 : memref<64x64xf32, #tpu.memory_space<vmem_shared>>) target(%dma_start3A_59 : memref<64x64xf32, #tpu.memory_space<hbm>>) target_semaphore(%run_scoped3A : memref<!tpu.dma_semaphore, #tpu.memory_space<semaphore_mem>>)
      %dma_wait3A = arith.constant 0 : i32
      %dma_wait3A_62 = tpu.memref_slice %arg5[%arg0, %add3A_47, %dma_wait3A] : memref<2x10240x64xf32, #tpu.memory_space<hbm>> -> memref<1x64x64xf32, #tpu.memory_space<hbm>>
      %dma_wait3A_63 = tpu.memref_squeeze %dma_wait3A_62 : memref<1x64x64xf32, #tpu.memory_space<hbm>> -> memref<64x64xf32, #tpu.memory_space<hbm>>
      %dma_wait3A_64 = arith.constant 0 : i32
      %dma_wait3A_65 = tpu.memref_slice %arg11[%add3A_47, %dma_wait3A_64] : memref<10240x64xf32, #tpu.memory_space<vmem_shared>> -> memref<64x64xf32, #tpu.memory_space<vmem_shared>>
      tpu.wait_dma2 semaphore(%run_scoped3A : memref<!tpu.dma_semaphore, #tpu.memory_space<semaphore_mem>>) src(%dma_wait3A_65 : memref<64x64xf32, #tpu.memory_space<vmem_shared>>) dst(%dma_wait3A_63 : memref<64x64xf32, #tpu.memory_space<hbm>>)
      tpu.yield
    }) : () -> ()
    %add3A_48 = arith.constant 320 : i32
    %add3A_49 = arith.addi %mul3A_9, %add3A_48 : i32
    "tpu.region"() ({
      %run_scoped3A = tpu.sem_alloc : memref<!tpu.dma_semaphore, #tpu.memory_space<semaphore_mem>>
      %dma_start3A = arith.constant 0 : i32
      %dma_start3A_58 = tpu.memref_slice %arg5[%arg0, %add3A_49, %dma_start3A] : memref<2x10240x64xf32, #tpu.memory_space<hbm>> -> memref<1x64x64xf32, #tpu.memory_space<hbm>>
      %dma_start3A_59 = tpu.memref_squeeze %dma_start3A_58 : memref<1x64x64xf32, #tpu.memory_space<hbm>> -> memref<64x64xf32, #tpu.memory_space<hbm>>
      %dma_start3A_60 = arith.constant 0 : i32
      %dma_start3A_61 = tpu.memref_slice %arg11[%add3A_49, %dma_start3A_60] : memref<10240x64xf32, #tpu.memory_space<vmem_shared>> -> memref<64x64xf32, #tpu.memory_space<vmem_shared>>
      tpu.enqueue_dma source(%dma_start3A_61 : memref<64x64xf32, #tpu.memory_space<vmem_shared>>) target(%dma_start3A_59 : memref<64x64xf32, #tpu.memory_space<hbm>>) target_semaphore(%run_scoped3A : memref<!tpu.dma_semaphore, #tpu.memory_space<semaphore_mem>>)
      %dma_wait3A = arith.constant 0 : i32
      %dma_wait3A_62 = tpu.memref_slice %arg5[%arg0, %add3A_49, %dma_wait3A] : memref<2x10240x64xf32, #tpu.memory_space<hbm>> -> memref<1x64x64xf32, #tpu.memory_space<hbm>>
      %dma_wait3A_63 = tpu.memref_squeeze %dma_wait3A_62 : memref<1x64x64xf32, #tpu.memory_space<hbm>> -> memref<64x64xf32, #tpu.memory_space<hbm>>
      %dma_wait3A_64 = arith.constant 0 : i32
      %dma_wait3A_65 = tpu.memref_slice %arg11[%add3A_49, %dma_wait3A_64] : memref<10240x64xf32, #tpu.memory_space<vmem_shared>> -> memref<64x64xf32, #tpu.memory_space<vmem_shared>>
      tpu.wait_dma2 semaphore(%run_scoped3A : memref<!tpu.dma_semaphore, #tpu.memory_space<semaphore_mem>>) src(%dma_wait3A_65 : memref<64x64xf32, #tpu.memory_space<vmem_shared>>) dst(%dma_wait3A_63 : memref<64x64xf32, #tpu.memory_space<hbm>>)
      tpu.yield
    }) : () -> ()
    %add3A_50 = arith.constant 384 : i32
    %add3A_51 = arith.addi %mul3A_9, %add3A_50 : i32
    "tpu.region"() ({
      %run_scoped3A = tpu.sem_alloc : memref<!tpu.dma_semaphore, #tpu.memory_space<semaphore_mem>>
      %dma_start3A = arith.constant 0 : i32
      %dma_start3A_58 = tpu.memref_slice %arg5[%arg0, %add3A_51, %dma_start3A] : memref<2x10240x64xf32, #tpu.memory_space<hbm>> -> memref<1x64x64xf32, #tpu.memory_space<hbm>>
      %dma_start3A_59 = tpu.memref_squeeze %dma_start3A_58 : memref<1x64x64xf32, #tpu.memory_space<hbm>> -> memref<64x64xf32, #tpu.memory_space<hbm>>
      %dma_start3A_60 = arith.constant 0 : i32
      %dma_start3A_61 = tpu.memref_slice %arg11[%add3A_51, %dma_start3A_60] : memref<10240x64xf32, #tpu.memory_space<vmem_shared>> -> memref<64x64xf32, #tpu.memory_space<vmem_shared>>
      tpu.enqueue_dma source(%dma_start3A_61 : memref<64x64xf32, #tpu.memory_space<vmem_shared>>) target(%dma_start3A_59 : memref<64x64xf32, #tpu.memory_space<hbm>>) target_semaphore(%run_scoped3A : memref<!tpu.dma_semaphore, #tpu.memory_space<semaphore_mem>>)
      %dma_wait3A = arith.constant 0 : i32
      %dma_wait3A_62 = tpu.memref_slice %arg5[%arg0, %add3A_51, %dma_wait3A] : memref<2x10240x64xf32, #tpu.memory_space<hbm>> -> memref<1x64x64xf32, #tpu.memory_space<hbm>>
      %dma_wait3A_63 = tpu.memref_squeeze %dma_wait3A_62 : memref<1x64x64xf32, #tpu.memory_space<hbm>> -> memref<64x64xf32, #tpu.memory_space<hbm>>
      %dma_wait3A_64 = arith.constant 0 : i32
      %dma_wait3A_65 = tpu.memref_slice %arg11[%add3A_51, %dma_wait3A_64] : memref<10240x64xf32, #tpu.memory_space<vmem_shared>> -> memref<64x64xf32, #tpu.memory_space<vmem_shared>>
      tpu.wait_dma2 semaphore(%run_scoped3A : memref<!tpu.dma_semaphore, #tpu.memory_space<semaphore_mem>>) src(%dma_wait3A_65 : memref<64x64xf32, #tpu.memory_space<vmem_shared>>) dst(%dma_wait3A_63 : memref<64x64xf32, #tpu.memory_space<hbm>>)
      tpu.yield
    }) : () -> ()
    %add3A_52 = arith.constant 448 : i32
    %add3A_53 = arith.addi %mul3A_9, %add3A_52 : i32
    "tpu.region"() ({
      %run_scoped3A = tpu.sem_alloc : memref<!tpu.dma_semaphore, #tpu.memory_space<semaphore_mem>>
      %dma_start3A = arith.constant 0 : i32
      %dma_start3A_58 = tpu.memref_slice %arg5[%arg0, %add3A_53, %dma_start3A] : memref<2x10240x64xf32, #tpu.memory_space<hbm>> -> memref<1x64x64xf32, #tpu.memory_space<hbm>>
      %dma_start3A_59 = tpu.memref_squeeze %dma_start3A_58 : memref<1x64x64xf32, #tpu.memory_space<hbm>> -> memref<64x64xf32, #tpu.memory_space<hbm>>
      %dma_start3A_60 = arith.constant 0 : i32
      %dma_start3A_61 = tpu.memref_slice %arg11[%add3A_53, %dma_start3A_60] : memref<10240x64xf32, #tpu.memory_space<vmem_shared>> -> memref<64x64xf32, #tpu.memory_space<vmem_shared>>
      tpu.enqueue_dma source(%dma_start3A_61 : memref<64x64xf32, #tpu.memory_space<vmem_shared>>) target(%dma_start3A_59 : memref<64x64xf32, #tpu.memory_space<hbm>>) target_semaphore(%run_scoped3A : memref<!tpu.dma_semaphore, #tpu.memory_space<semaphore_mem>>)
      %dma_wait3A = arith.constant 0 : i32
      %dma_wait3A_62 = tpu.memref_slice %arg5[%arg0, %add3A_53, %dma_wait3A] : memref<2x10240x64xf32, #tpu.memory_space<hbm>> -> memref<1x64x64xf32, #tpu.memory_space<hbm>>
      %dma_wait3A_63 = tpu.memref_squeeze %dma_wait3A_62 : memref<1x64x64xf32, #tpu.memory_space<hbm>> -> memref<64x64xf32, #tpu.memory_space<hbm>>
      %dma_wait3A_64 = arith.constant 0 : i32
      %dma_wait3A_65 = tpu.memref_slice %arg11[%add3A_53, %dma_wait3A_64] : memref<10240x64xf32, #tpu.memory_space<vmem_shared>> -> memref<64x64xf32, #tpu.memory_space<vmem_shared>>
      tpu.wait_dma2 semaphore(%run_scoped3A : memref<!tpu.dma_semaphore, #tpu.memory_space<semaphore_mem>>) src(%dma_wait3A_65 : memref<64x64xf32, #tpu.memory_space<vmem_shared>>) dst(%dma_wait3A_63 : memref<64x64xf32, #tpu.memory_space<hbm>>)
      tpu.yield
    }) : () -> ()
    %add3A_54 = arith.constant 512 : i32
    %add3A_55 = arith.addi %mul3A_9, %add3A_54 : i32
    "tpu.region"() ({
      %run_scoped3A = tpu.sem_alloc : memref<!tpu.dma_semaphore, #tpu.memory_space<semaphore_mem>>
      %dma_start3A = arith.constant 0 : i32
      %dma_start3A_58 = tpu.memref_slice %arg5[%arg0, %add3A_55, %dma_start3A] : memref<2x10240x64xf32, #tpu.memory_space<hbm>> -> memref<1x64x64xf32, #tpu.memory_space<hbm>>
      %dma_start3A_59 = tpu.memref_squeeze %dma_start3A_58 : memref<1x64x64xf32, #tpu.memory_space<hbm>> -> memref<64x64xf32, #tpu.memory_space<hbm>>
      %dma_start3A_60 = arith.constant 0 : i32
      %dma_start3A_61 = tpu.memref_slice %arg11[%add3A_55, %dma_start3A_60] : memref<10240x64xf32, #tpu.memory_space<vmem_shared>> -> memref<64x64xf32, #tpu.memory_space<vmem_shared>>
      tpu.enqueue_dma source(%dma_start3A_61 : memref<64x64xf32, #tpu.memory_space<vmem_shared>>) target(%dma_start3A_59 : memref<64x64xf32, #tpu.memory_space<hbm>>) target_semaphore(%run_scoped3A : memref<!tpu.dma_semaphore, #tpu.memory_space<semaphore_mem>>)
      %dma_wait3A = arith.constant 0 : i32
      %dma_wait3A_62 = tpu.memref_slice %arg5[%arg0, %add3A_55, %dma_wait3A] : memref<2x10240x64xf32, #tpu.memory_space<hbm>> -> memref<1x64x64xf32, #tpu.memory_space<hbm>>
      %dma_wait3A_63 = tpu.memref_squeeze %dma_wait3A_62 : memref<1x64x64xf32, #tpu.memory_space<hbm>> -> memref<64x64xf32, #tpu.memory_space<hbm>>
      %dma_wait3A_64 = arith.constant 0 : i32
      %dma_wait3A_65 = tpu.memref_slice %arg11[%add3A_55, %dma_wait3A_64] : memref<10240x64xf32, #tpu.memory_space<vmem_shared>> -> memref<64x64xf32, #tpu.memory_space<vmem_shared>>
      tpu.wait_dma2 semaphore(%run_scoped3A : memref<!tpu.dma_semaphore, #tpu.memory_space<semaphore_mem>>) src(%dma_wait3A_65 : memref<64x64xf32, #tpu.memory_space<vmem_shared>>) dst(%dma_wait3A_63 : memref<64x64xf32, #tpu.memory_space<hbm>>)
      tpu.yield
    }) : () -> ()
    %add3A_56 = arith.constant 576 : i32
    %add3A_57 = arith.addi %mul3A_9, %add3A_56 : i32
    "tpu.region"() ({
      %run_scoped3A = tpu.sem_alloc : memref<!tpu.dma_semaphore, #tpu.memory_space<semaphore_mem>>
      %dma_start3A = arith.constant 0 : i32
      %dma_start3A_58 = tpu.memref_slice %arg5[%arg0, %add3A_57, %dma_start3A] : memref<2x10240x64xf32, #tpu.memory_space<hbm>> -> memref<1x64x64xf32, #tpu.memory_space<hbm>>
      %dma_start3A_59 = tpu.memref_squeeze %dma_start3A_58 : memref<1x64x64xf32, #tpu.memory_space<hbm>> -> memref<64x64xf32, #tpu.memory_space<hbm>>
      %dma_start3A_60 = arith.constant 0 : i32
      %dma_start3A_61 = tpu.memref_slice %arg11[%add3A_57, %dma_start3A_60] : memref<10240x64xf32, #tpu.memory_space<vmem_shared>> -> memref<64x64xf32, #tpu.memory_space<vmem_shared>>
      tpu.enqueue_dma source(%dma_start3A_61 : memref<64x64xf32, #tpu.memory_space<vmem_shared>>) target(%dma_start3A_59 : memref<64x64xf32, #tpu.memory_space<hbm>>) target_semaphore(%run_scoped3A : memref<!tpu.dma_semaphore, #tpu.memory_space<semaphore_mem>>)
      %dma_wait3A = arith.constant 0 : i32
      %dma_wait3A_62 = tpu.memref_slice %arg5[%arg0, %add3A_57, %dma_wait3A] : memref<2x10240x64xf32, #tpu.memory_space<hbm>> -> memref<1x64x64xf32, #tpu.memory_space<hbm>>
      %dma_wait3A_63 = tpu.memref_squeeze %dma_wait3A_62 : memref<1x64x64xf32, #tpu.memory_space<hbm>> -> memref<64x64xf32, #tpu.memory_space<hbm>>
      %dma_wait3A_64 = arith.constant 0 : i32
      %dma_wait3A_65 = tpu.memref_slice %arg11[%add3A_57, %dma_wait3A_64] : memref<10240x64xf32, #tpu.memory_space<vmem_shared>> -> memref<64x64xf32, #tpu.memory_space<vmem_shared>>
      tpu.wait_dma2 semaphore(%run_scoped3A : memref<!tpu.dma_semaphore, #tpu.memory_space<semaphore_mem>>) src(%dma_wait3A_65 : memref<64x64xf32, #tpu.memory_space<vmem_shared>>) dst(%dma_wait3A_63 : memref<64x64xf32, #tpu.memory_space<hbm>>)
      tpu.yield
    }) : () -> ()
    return
  }
}

#map = affine_map<(d0, d1) -> (0, 0)>
#map1 = affine_map<(d0, d1) -> (0, 0, 0)>
module attributes {stable_mosaic.version = 14 : i64} {
  func.func @body(%arg0: i32, %arg1: i32, %arg2: memref<10240x64xf32, #tpu.memory_space<hbm>>, %arg3: memref<800x400xi32, #tpu.memory_space<hbm>>, %arg4: memref<800x400xi32, #tpu.memory_space<hbm>>, %arg5: memref<2x10240x64xf32, #tpu.memory_space<hbm>>, %arg6: memref<2x10240x16xf32, #tpu.memory_space<hbm>>, %arg7: memref<1x400xi32, #tpu.memory_space<vmem>>, %arg8: memref<1x400xi32, #tpu.memory_space<vmem>>, %arg9: memref<1x400x64xf32, #tpu.memory_space<vmem>>, %arg10: memref<64x64xf32, #tpu.memory_space<vmem>>, %arg11: memref<10240x64xf32, #tpu.memory_space<vmem_shared>>, %arg12: memref<10240x64xf32, #tpu.memory_space<vmem_shared>>, %arg13: memref<400x16xf32, #tpu.memory_space<vmem>>, %arg14: memref<64x16xf32, #tpu.memory_space<vmem>>, %arg15: memref<10240x16xf32, #tpu.memory_space<vmem_shared>>) attributes {dimension_semantics = [#tpu.dimension_semantics<core_parallel>, #tpu.dimension_semantics<subcore_parallel>], iteration_bounds = array<i64: 2, 16>, scalar_prefetch = 0 : i64, scratch_operands = 9 : i64, tpu.core_type = #tpu.core_type<sc_vector_subcore>, window_params = [{transform_indices = #map}, {transform_indices = #map}, {transform_indices = #map}, {transform_indices = #map1}, {transform_indices = #map1}]} {
    %mul3A = arith.constant 2 : i32
    %mul3A_0 = arith.muli %arg1, %mul3A : i32
    %add3A = arith.addi %mul3A_0, %arg0 : i32
    %broadcast_in_dim3A = arith.constant 0.000000e+00 : f32
    %broadcast_in_dim3A_1 = vector.broadcast %broadcast_in_dim3A : f32 to vector<16xf32>
    %scan3A = arith.constant 0 : i32
    %scan3A_2 = arith.constant 0 : i32
    %scan3A_3 = arith.constant 64 : i32
    %scan3A_4 = arith.addi %scan3A_2, %scan3A_3 : i32
    %scan3A_5 = arith.constant 1 : i32
    %scan3A_6 = scf.for %scan3A_65 = %scan3A_2 to %scan3A_4 step %scan3A_5 iter_args(%scan3A_66 = %scan3A) -> (i32)  : i32 {
      %swap3A = arith.index_cast %scan3A_65 : i32 to index
      %swap3A_67 = arith.constant 0 : index
      %swap3A_68 = tpu.vector_load %arg10[%swap3A, %swap3A_67] {strides = array<i32>} : memref<64x64xf32, #tpu.memory_space<vmem>>, vector<1x16xf32>,
      %swap3A_69 = vector.shape_cast %swap3A_68 : vector<1x16xf32> to vector<16xf32>
      %swap3A_70 = vector.shape_cast %broadcast_in_dim3A_1 : vector<16xf32> to vector<1x16xf32>
      tpu.vector_store %arg10[%swap3A, %swap3A_67], %swap3A_70 {strides = array<i32>} : memref<64x64xf32, #tpu.memory_space<vmem>>, vector<1x16xf32>,
      %swap3A_71 = arith.index_cast %scan3A_65 : i32 to index
      %swap3A_72 = arith.constant 16 : index
      %swap3A_73 = tpu.vector_load %arg10[%swap3A_71, %swap3A_72] {strides = array<i32>} : memref<64x64xf32, #tpu.memory_space<vmem>>, vector<1x16xf32>,
      %swap3A_74 = vector.shape_cast %swap3A_73 : vector<1x16xf32> to vector<16xf32>
      %swap3A_75 = vector.shape_cast %broadcast_in_dim3A_1 : vector<16xf32> to vector<1x16xf32>
      tpu.vector_store %arg10[%swap3A_71, %swap3A_72], %swap3A_75 {strides = array<i32>} : memref<64x64xf32, #tpu.memory_space<vmem>>, vector<1x16xf32>,
      %swap3A_76 = arith.index_cast %scan3A_65 : i32 to index
      %swap3A_77 = arith.constant 32 : index
      %swap3A_78 = tpu.vector_load %arg10[%swap3A_76, %swap3A_77] {strides = array<i32>} : memref<64x64xf32, #tpu.memory_space<vmem>>, vector<1x16xf32>,
      %swap3A_79 = vector.shape_cast %swap3A_78 : vector<1x16xf32> to vector<16xf32>
      %swap3A_80 = vector.shape_cast %broadcast_in_dim3A_1 : vector<16xf32> to vector<1x16xf32>
      tpu.vector_store %arg10[%swap3A_76, %swap3A_77], %swap3A_80 {strides = array<i32>} : memref<64x64xf32, #tpu.memory_space<vmem>>, vector<1x16xf32>,
      %swap3A_81 = arith.index_cast %scan3A_65 : i32 to index
      %swap3A_82 = arith.constant 48 : index
      %swap3A_83 = tpu.vector_load %arg10[%swap3A_81, %swap3A_82] {strides = array<i32>} : memref<64x64xf32, #tpu.memory_space<vmem>>, vector<1x16xf32>,
      %swap3A_84 = vector.shape_cast %swap3A_83 : vector<1x16xf32> to vector<16xf32>
      %swap3A_85 = vector.shape_cast %broadcast_in_dim3A_1 : vector<16xf32> to vector<1x16xf32>
      tpu.vector_store %arg10[%swap3A_81, %swap3A_82], %swap3A_85 {strides = array<i32>} : memref<64x64xf32, #tpu.memory_space<vmem>>, vector<1x16xf32>,
      %swap3A_86 = arith.index_cast %scan3A_65 : i32 to index
      %swap3A_87 = arith.constant 0 : index
      %swap3A_88 = tpu.vector_load %arg14[%swap3A_86, %swap3A_87] {strides = array<i32>} : memref<64x16xf32, #tpu.memory_space<vmem>>, vector<1x16xf32>,
      %swap3A_89 = vector.shape_cast %swap3A_88 : vector<1x16xf32> to vector<16xf32>
      %swap3A_90 = vector.shape_cast %broadcast_in_dim3A_1 : vector<16xf32> to vector<1x16xf32>
      tpu.vector_store %arg14[%swap3A_86, %swap3A_87], %swap3A_90 {strides = array<i32>} : memref<64x16xf32, #tpu.memory_space<vmem>>, vector<1x16xf32>,
      %scan3A_91 = arith.constant 0 : i32
      scf.yield %scan3A_91 : i32
    }
    %scan3A_7 = arith.constant 64 : i32
    %scan3A_8 = arith.constant 0 : i32
    %scan3A_9 = arith.constant 0 : i32
    %scan3A_10 = arith.constant 400 : i32
    %scan3A_11 = arith.addi %scan3A_9, %scan3A_10 : i32
    %scan3A_12 = arith.constant 1 : i32
    %scan3A_13 = scf.for %scan3A_65 = %scan3A_9 to %scan3A_11 step %scan3A_12 iter_args(%scan3A_66 = %scan3A_8) -> (i32)  : i32 {
      %add3A_67 = arith.constant 1.000000e+00 : f32
      %add3A_68 = vector.broadcast %add3A_67 : f32 to vector<16xf32>
      %add3A_69 = arith.addf %broadcast_in_dim3A_1, %add3A_68 : vector<16xf32>
      %swap3A = arith.index_cast %scan3A_65 : i32 to index
      %swap3A_70 = arith.constant 0 : index
      %swap3A_71 = tpu.vector_load %arg13[%swap3A, %swap3A_70] {strides = array<i32>} : memref<400x16xf32, #tpu.memory_space<vmem>>, vector<1x16xf32>,
      %swap3A_72 = vector.shape_cast %swap3A_71 : vector<1x16xf32> to vector<16xf32>
      %swap3A_73 = vector.shape_cast %add3A_69 : vector<16xf32> to vector<1x16xf32>
      tpu.vector_store %arg13[%swap3A, %swap3A_70], %swap3A_73 {strides = array<i32>} : memref<400x16xf32, #tpu.memory_space<vmem>>, vector<1x16xf32>,
      %scan3A_74 = arith.constant 0 : i32
      scf.yield %scan3A_74 : i32
    }
    %scan3A_14 = arith.constant 400 : i32
    %mul3A_15 = arith.constant 640 : i32
    %mul3A_16 = arith.muli %arg1, %mul3A_15 : i32
    %add3A_17 = arith.constant 0 : i32
    %add3A_18 = arith.addi %mul3A_16, %add3A_17 : i32
    "tpu.region"() ({
      %run_scoped3A = tpu.sem_alloc : memref<!tpu.dma_semaphore, #tpu.memory_space<semaphore_mem>>
      %dma_start3A = arith.constant 0 : i32
      %dma_start3A_65 = tpu.memref_slice %arg11[%add3A_18, %dma_start3A] : memref<10240x64xf32, #tpu.memory_space<vmem_shared>> -> memref<64x64xf32, #tpu.memory_space<vmem_shared>>
      %dma_start3A_66 = arith.constant 0 : i32
      %dma_start3A_67 = tpu.memref_slice %arg2[%add3A_18, %dma_start3A_66] : memref<10240x64xf32, #tpu.memory_space<hbm>> -> memref<64x64xf32, #tpu.memory_space<hbm>>
      tpu.enqueue_dma source(%dma_start3A_67 : memref<64x64xf32, #tpu.memory_space<hbm>>) target(%dma_start3A_65 : memref<64x64xf32, #tpu.memory_space<vmem_shared>>) target_semaphore(%run_scoped3A : memref<!tpu.dma_semaphore, #tpu.memory_space<semaphore_mem>>)
      %dma_wait3A = arith.constant 0 : i32
      %dma_wait3A_68 = tpu.memref_slice %arg11[%add3A_18, %dma_wait3A] : memref<10240x64xf32, #tpu.memory_space<vmem_shared>> -> memref<64x64xf32, #tpu.memory_space<vmem_shared>>
      %dma_wait3A_69 = arith.constant 0 : i32
      %dma_wait3A_70 = tpu.memref_slice %arg2[%add3A_18, %dma_wait3A_69] : memref<10240x64xf32, #tpu.memory_space<hbm>> -> memref<64x64xf32, #tpu.memory_space<hbm>>
      tpu.wait_dma2 semaphore(%run_scoped3A : memref<!tpu.dma_semaphore, #tpu.memory_space<semaphore_mem>>) src(%dma_wait3A_70 : memref<64x64xf32, #tpu.memory_space<hbm>>) dst(%dma_wait3A_68 : memref<64x64xf32, #tpu.memory_space<vmem_shared>>)
      tpu.yield
    }) : () -> ()
    "tpu.region"() ({
      %run_scoped3A = tpu.sem_alloc : memref<!tpu.dma_semaphore, #tpu.memory_space<semaphore_mem>>
      %dma_start3A = arith.constant 0 : i32
      %dma_start3A_65 = tpu.memref_slice %arg12[%add3A_18, %dma_start3A] : memref<10240x64xf32, #tpu.memory_space<vmem_shared>> -> memref<64x64xf32, #tpu.memory_space<vmem_shared>>
      %dma_start3A_66 = arith.constant 0 : i32
      %dma_start3A_67 = tpu.memref_slice %arg12[%add3A_18, %dma_start3A_66] : memref<10240x64xf32, #tpu.memory_space<vmem_shared>> -> memref<64x64xf32, #tpu.memory_space<vmem_shared>>
      tpu.enqueue_dma source(%arg10 : memref<64x64xf32, #tpu.memory_space<vmem>>) target(%dma_start3A_67 : memref<64x64xf32, #tpu.memory_space<vmem_shared>>) target_semaphore(%run_scoped3A : memref<!tpu.dma_semaphore, #tpu.memory_space<semaphore_mem>>)
      %dma_wait3A = arith.constant 0 : i32
      %dma_wait3A_68 = tpu.memref_slice %arg12[%add3A_18, %dma_wait3A] : memref<10240x64xf32, #tpu.memory_space<vmem_shared>> -> memref<64x64xf32, #tpu.memory_space<vmem_shared>>
      %dma_wait3A_69 = arith.constant 0 : i32
      %dma_wait3A_70 = tpu.memref_slice %arg12[%add3A_18, %dma_wait3A_69] : memref<10240x64xf32, #tpu.memory_space<vmem_shared>> -> memref<64x64xf32, #tpu.memory_space<vmem_shared>>
      tpu.wait_dma2 semaphore(%run_scoped3A : memref<!tpu.dma_semaphore, #tpu.memory_space<semaphore_mem>>) src(%arg10 : memref<64x64xf32, #tpu.memory_space<vmem>>) dst(%dma_wait3A_70 : memref<64x64xf32, #tpu.memory_space<vmem_shared>>)
      tpu.yield
    }) : () -> ()
    "tpu.region"() ({
      %run_scoped3A = tpu.sem_alloc : memref<!tpu.dma_semaphore, #tpu.memory_space<semaphore_mem>>
      %dma_start3A = arith.constant 0 : i32
      %dma_start3A_65 = tpu.memref_slice %arg15[%add3A_18, %dma_start3A] : memref<10240x16xf32, #tpu.memory_space<vmem_shared>> -> memref<64x16xf32, #tpu.memory_space<vmem_shared>>
      %dma_start3A_66 = arith.constant 0 : i32
      %dma_start3A_67 = tpu.memref_slice %arg15[%add3A_18, %dma_start3A_66] : memref<10240x16xf32, #tpu.memory_space<vmem_shared>> -> memref<64x16xf32, #tpu.memory_space<vmem_shared>>
      tpu.enqueue_dma source(%arg14 : memref<64x16xf32, #tpu.memory_space<vmem>>) target(%dma_start3A_67 : memref<64x16xf32, #tpu.memory_space<vmem_shared>>) target_semaphore(%run_scoped3A : memref<!tpu.dma_semaphore, #tpu.memory_space<semaphore_mem>>)
      %dma_wait3A = arith.constant 0 : i32
      %dma_wait3A_68 = tpu.memref_slice %arg15[%add3A_18, %dma_wait3A] : memref<10240x16xf32, #tpu.memory_space<vmem_shared>> -> memref<64x16xf32, #tpu.memory_space<vmem_shared>>
      %dma_wait3A_69 = arith.constant 0 : i32
      %dma_wait3A_70 = tpu.memref_slice %arg15[%add3A_18, %dma_wait3A_69] : memref<10240x16xf32, #tpu.memory_space<vmem_shared>> -> memref<64x16xf32, #tpu.memory_space<vmem_shared>>
      tpu.wait_dma2 semaphore(%run_scoped3A : memref<!tpu.dma_semaphore, #tpu.memory_space<semaphore_mem>>) src(%arg14 : memref<64x16xf32, #tpu.memory_space<vmem>>) dst(%dma_wait3A_70 : memref<64x16xf32, #tpu.memory_space<vmem_shared>>)
      tpu.yield
    }) : () -> ()
    %add3A_19 = arith.constant 64 : i32
    %add3A_20 = arith.addi %mul3A_16, %add3A_19 : i32
    "tpu.region"() ({
      %run_scoped3A = tpu.sem_alloc : memref<!tpu.dma_semaphore, #tpu.memory_space<semaphore_mem>>
      %dma_start3A = arith.constant 0 : i32
      %dma_start3A_65 = tpu.memref_slice %arg11[%add3A_20, %dma_start3A] : memref<10240x64xf32, #tpu.memory_space<vmem_shared>> -> memref<64x64xf32, #tpu.memory_space<vmem_shared>>
      %dma_start3A_66 = arith.constant 0 : i32
      %dma_start3A_67 = tpu.memref_slice %arg2[%add3A_20, %dma_start3A_66] : memref<10240x64xf32, #tpu.memory_space<hbm>> -> memref<64x64xf32, #tpu.memory_space<hbm>>
      tpu.enqueue_dma source(%dma_start3A_67 : memref<64x64xf32, #tpu.memory_space<hbm>>) target(%dma_start3A_65 : memref<64x64xf32, #tpu.memory_space<vmem_shared>>) target_semaphore(%run_scoped3A : memref<!tpu.dma_semaphore, #tpu.memory_space<semaphore_mem>>)
      %dma_wait3A = arith.constant 0 : i32
      %dma_wait3A_68 = tpu.memref_slice %arg11[%add3A_20, %dma_wait3A] : memref<10240x64xf32, #tpu.memory_space<vmem_shared>> -> memref<64x64xf32, #tpu.memory_space<vmem_shared>>
      %dma_wait3A_69 = arith.constant 0 : i32
      %dma_wait3A_70 = tpu.memref_slice %arg2[%add3A_20, %dma_wait3A_69] : memref<10240x64xf32, #tpu.memory_space<hbm>> -> memref<64x64xf32, #tpu.memory_space<hbm>>
      tpu.wait_dma2 semaphore(%run_scoped3A : memref<!tpu.dma_semaphore, #tpu.memory_space<semaphore_mem>>) src(%dma_wait3A_70 : memref<64x64xf32, #tpu.memory_space<hbm>>) dst(%dma_wait3A_68 : memref<64x64xf32, #tpu.memory_space<vmem_shared>>)
      tpu.yield
    }) : () -> ()
    "tpu.region"() ({
      %run_scoped3A = tpu.sem_alloc : memref<!tpu.dma_semaphore, #tpu.memory_space<semaphore_mem>>
      %dma_start3A = arith.constant 0 : i32
      %dma_start3A_65 = tpu.memref_slice %arg12[%add3A_20, %dma_start3A] : memref<10240x64xf32, #tpu.memory_space<vmem_shared>> -> memref<64x64xf32, #tpu.memory_space<vmem_shared>>
      %dma_start3A_66 = arith.constant 0 : i32
      %dma_start3A_67 = tpu.memref_slice %arg12[%add3A_20, %dma_start3A_66] : memref<10240x64xf32, #tpu.memory_space<vmem_shared>> -> memref<64x64xf32, #tpu.memory_space<vmem_shared>>
      tpu.enqueue_dma source(%arg10 : memref<64x64xf32, #tpu.memory_space<vmem>>) target(%dma_start3A_67 : memref<64x64xf32, #tpu.memory_space<vmem_shared>>) target_semaphore(%run_scoped3A : memref<!tpu.dma_semaphore, #tpu.memory_space<semaphore_mem>>)
      %dma_wait3A = arith.constant 0 : i32
      %dma_wait3A_68 = tpu.memref_slice %arg12[%add3A_20, %dma_wait3A] : memref<10240x64xf32, #tpu.memory_space<vmem_shared>> -> memref<64x64xf32, #tpu.memory_space<vmem_shared>>
      %dma_wait3A_69 = arith.constant 0 : i32
      %dma_wait3A_70 = tpu.memref_slice %arg12[%add3A_20, %dma_wait3A_69] : memref<10240x64xf32, #tpu.memory_space<vmem_shared>> -> memref<64x64xf32, #tpu.memory_space<vmem_shared>>
      tpu.wait_dma2 semaphore(%run_scoped3A : memref<!tpu.dma_semaphore, #tpu.memory_space<semaphore_mem>>) src(%arg10 : memref<64x64xf32, #tpu.memory_space<vmem>>) dst(%dma_wait3A_70 : memref<64x64xf32, #tpu.memory_space<vmem_shared>>)
      tpu.yield
    }) : () -> ()
    "tpu.region"() ({
      %run_scoped3A = tpu.sem_alloc : memref<!tpu.dma_semaphore, #tpu.memory_space<semaphore_mem>>
      %dma_start3A = arith.constant 0 : i32
      %dma_start3A_65 = tpu.memref_slice %arg15[%add3A_20, %dma_start3A] : memref<10240x16xf32, #tpu.memory_space<vmem_shared>> -> memref<64x16xf32, #tpu.memory_space<vmem_shared>>
      %dma_start3A_66 = arith.constant 0 : i32
      %dma_start3A_67 = tpu.memref_slice %arg15[%add3A_20, %dma_start3A_66] : memref<10240x16xf32, #tpu.memory_space<vmem_shared>> -> memref<64x16xf32, #tpu.memory_space<vmem_shared>>
      tpu.enqueue_dma source(%arg14 : memref<64x16xf32, #tpu.memory_space<vmem>>) target(%dma_start3A_67 : memref<64x16xf32, #tpu.memory_space<vmem_shared>>) target_semaphore(%run_scoped3A : memref<!tpu.dma_semaphore, #tpu.memory_space<semaphore_mem>>)
      %dma_wait3A = arith.constant 0 : i32
      %dma_wait3A_68 = tpu.memref_slice %arg15[%add3A_20, %dma_wait3A] : memref<10240x16xf32, #tpu.memory_space<vmem_shared>> -> memref<64x16xf32, #tpu.memory_space<vmem_shared>>
      %dma_wait3A_69 = arith.constant 0 : i32
      %dma_wait3A_70 = tpu.memref_slice %arg15[%add3A_20, %dma_wait3A_69] : memref<10240x16xf32, #tpu.memory_space<vmem_shared>> -> memref<64x16xf32, #tpu.memory_space<vmem_shared>>
      tpu.wait_dma2 semaphore(%run_scoped3A : memref<!tpu.dma_semaphore, #tpu.memory_space<semaphore_mem>>) src(%arg14 : memref<64x16xf32, #tpu.memory_space<vmem>>) dst(%dma_wait3A_70 : memref<64x16xf32, #tpu.memory_space<vmem_shared>>)
      tpu.yield
    }) : () -> ()
    %add3A_21 = arith.constant 128 : i32
    %add3A_22 = arith.addi %mul3A_16, %add3A_21 : i32
    "tpu.region"() ({
      %run_scoped3A = tpu.sem_alloc : memref<!tpu.dma_semaphore, #tpu.memory_space<semaphore_mem>>
      %dma_start3A = arith.constant 0 : i32
      %dma_start3A_65 = tpu.memref_slice %arg11[%add3A_22, %dma_start3A] : memref<10240x64xf32, #tpu.memory_space<vmem_shared>> -> memref<64x64xf32, #tpu.memory_space<vmem_shared>>
      %dma_start3A_66 = arith.constant 0 : i32
      %dma_start3A_67 = tpu.memref_slice %arg2[%add3A_22, %dma_start3A_66] : memref<10240x64xf32, #tpu.memory_space<hbm>> -> memref<64x64xf32, #tpu.memory_space<hbm>>
      tpu.enqueue_dma source(%dma_start3A_67 : memref<64x64xf32, #tpu.memory_space<hbm>>) target(%dma_start3A_65 : memref<64x64xf32, #tpu.memory_space<vmem_shared>>) target_semaphore(%run_scoped3A : memref<!tpu.dma_semaphore, #tpu.memory_space<semaphore_mem>>)
      %dma_wait3A = arith.constant 0 : i32
      %dma_wait3A_68 = tpu.memref_slice %arg11[%add3A_22, %dma_wait3A] : memref<10240x64xf32, #tpu.memory_space<vmem_shared>> -> memref<64x64xf32, #tpu.memory_space<vmem_shared>>
      %dma_wait3A_69 = arith.constant 0 : i32
      %dma_wait3A_70 = tpu.memref_slice %arg2[%add3A_22, %dma_wait3A_69] : memref<10240x64xf32, #tpu.memory_space<hbm>> -> memref<64x64xf32, #tpu.memory_space<hbm>>
      tpu.wait_dma2 semaphore(%run_scoped3A : memref<!tpu.dma_semaphore, #tpu.memory_space<semaphore_mem>>) src(%dma_wait3A_70 : memref<64x64xf32, #tpu.memory_space<hbm>>) dst(%dma_wait3A_68 : memref<64x64xf32, #tpu.memory_space<vmem_shared>>)
      tpu.yield
    }) : () -> ()
    "tpu.region"() ({
      %run_scoped3A = tpu.sem_alloc : memref<!tpu.dma_semaphore, #tpu.memory_space<semaphore_mem>>
      %dma_start3A = arith.constant 0 : i32
      %dma_start3A_65 = tpu.memref_slice %arg12[%add3A_22, %dma_start3A] : memref<10240x64xf32, #tpu.memory_space<vmem_shared>> -> memref<64x64xf32, #tpu.memory_space<vmem_shared>>
      %dma_start3A_66 = arith.constant 0 : i32
      %dma_start3A_67 = tpu.memref_slice %arg12[%add3A_22, %dma_start3A_66] : memref<10240x64xf32, #tpu.memory_space<vmem_shared>> -> memref<64x64xf32, #tpu.memory_space<vmem_shared>>
      tpu.enqueue_dma source(%arg10 : memref<64x64xf32, #tpu.memory_space<vmem>>) target(%dma_start3A_67 : memref<64x64xf32, #tpu.memory_space<vmem_shared>>) target_semaphore(%run_scoped3A : memref<!tpu.dma_semaphore, #tpu.memory_space<semaphore_mem>>)
      %dma_wait3A = arith.constant 0 : i32
      %dma_wait3A_68 = tpu.memref_slice %arg12[%add3A_22, %dma_wait3A] : memref<10240x64xf32, #tpu.memory_space<vmem_shared>> -> memref<64x64xf32, #tpu.memory_space<vmem_shared>>
      %dma_wait3A_69 = arith.constant 0 : i32
      %dma_wait3A_70 = tpu.memref_slice %arg12[%add3A_22, %dma_wait3A_69] : memref<10240x64xf32, #tpu.memory_space<vmem_shared>> -> memref<64x64xf32, #tpu.memory_space<vmem_shared>>
      tpu.wait_dma2 semaphore(%run_scoped3A : memref<!tpu.dma_semaphore, #tpu.memory_space<semaphore_mem>>) src(%arg10 : memref<64x64xf32, #tpu.memory_space<vmem>>) dst(%dma_wait3A_70 : memref<64x64xf32, #tpu.memory_space<vmem_shared>>)
      tpu.yield
    }) : () -> ()
    "tpu.region"() ({
      %run_scoped3A = tpu.sem_alloc : memref<!tpu.dma_semaphore, #tpu.memory_space<semaphore_mem>>
      %dma_start3A = arith.constant 0 : i32
      %dma_start3A_65 = tpu.memref_slice %arg15[%add3A_22, %dma_start3A] : memref<10240x16xf32, #tpu.memory_space<vmem_shared>> -> memref<64x16xf32, #tpu.memory_space<vmem_shared>>
      %dma_start3A_66 = arith.constant 0 : i32
      %dma_start3A_67 = tpu.memref_slice %arg15[%add3A_22, %dma_start3A_66] : memref<10240x16xf32, #tpu.memory_space<vmem_shared>> -> memref<64x16xf32, #tpu.memory_space<vmem_shared>>
      tpu.enqueue_dma source(%arg14 : memref<64x16xf32, #tpu.memory_space<vmem>>) target(%dma_start3A_67 : memref<64x16xf32, #tpu.memory_space<vmem_shared>>) target_semaphore(%run_scoped3A : memref<!tpu.dma_semaphore, #tpu.memory_space<semaphore_mem>>)
      %dma_wait3A = arith.constant 0 : i32
      %dma_wait3A_68 = tpu.memref_slice %arg15[%add3A_22, %dma_wait3A] : memref<10240x16xf32, #tpu.memory_space<vmem_shared>> -> memref<64x16xf32, #tpu.memory_space<vmem_shared>>
      %dma_wait3A_69 = arith.constant 0 : i32
      %dma_wait3A_70 = tpu.memref_slice %arg15[%add3A_22, %dma_wait3A_69] : memref<10240x16xf32, #tpu.memory_space<vmem_shared>> -> memref<64x16xf32, #tpu.memory_space<vmem_shared>>
      tpu.wait_dma2 semaphore(%run_scoped3A : memref<!tpu.dma_semaphore, #tpu.memory_space<semaphore_mem>>) src(%arg14 : memref<64x16xf32, #tpu.memory_space<vmem>>) dst(%dma_wait3A_70 : memref<64x16xf32, #tpu.memory_space<vmem_shared>>)
      tpu.yield
    }) : () -> ()
    %add3A_23 = arith.constant 192 : i32
    %add3A_24 = arith.addi %mul3A_16, %add3A_23 : i32
    "tpu.region"() ({
      %run_scoped3A = tpu.sem_alloc : memref<!tpu.dma_semaphore, #tpu.memory_space<semaphore_mem>>
      %dma_start3A = arith.constant 0 : i32
      %dma_start3A_65 = tpu.memref_slice %arg11[%add3A_24, %dma_start3A] : memref<10240x64xf32, #tpu.memory_space<vmem_shared>> -> memref<64x64xf32, #tpu.memory_space<vmem_shared>>
      %dma_start3A_66 = arith.constant 0 : i32
      %dma_start3A_67 = tpu.memref_slice %arg2[%add3A_24, %dma_start3A_66] : memref<10240x64xf32, #tpu.memory_space<hbm>> -> memref<64x64xf32, #tpu.memory_space<hbm>>
      tpu.enqueue_dma source(%dma_start3A_67 : memref<64x64xf32, #tpu.memory_space<hbm>>) target(%dma_start3A_65 : memref<64x64xf32, #tpu.memory_space<vmem_shared>>) target_semaphore(%run_scoped3A : memref<!tpu.dma_semaphore, #tpu.memory_space<semaphore_mem>>)
      %dma_wait3A = arith.constant 0 : i32
      %dma_wait3A_68 = tpu.memref_slice %arg11[%add3A_24, %dma_wait3A] : memref<10240x64xf32, #tpu.memory_space<vmem_shared>> -> memref<64x64xf32, #tpu.memory_space<vmem_shared>>
      %dma_wait3A_69 = arith.constant 0 : i32
      %dma_wait3A_70 = tpu.memref_slice %arg2[%add3A_24, %dma_wait3A_69] : memref<10240x64xf32, #tpu.memory_space<hbm>> -> memref<64x64xf32, #tpu.memory_space<hbm>>
      tpu.wait_dma2 semaphore(%run_scoped3A : memref<!tpu.dma_semaphore, #tpu.memory_space<semaphore_mem>>) src(%dma_wait3A_70 : memref<64x64xf32, #tpu.memory_space<hbm>>) dst(%dma_wait3A_68 : memref<64x64xf32, #tpu.memory_space<vmem_shared>>)
      tpu.yield
    }) : () -> ()
    "tpu.region"() ({
      %run_scoped3A = tpu.sem_alloc : memref<!tpu.dma_semaphore, #tpu.memory_space<semaphore_mem>>
      %dma_start3A = arith.constant 0 : i32
      %dma_start3A_65 = tpu.memref_slice %arg12[%add3A_24, %dma_start3A] : memref<10240x64xf32, #tpu.memory_space<vmem_shared>> -> memref<64x64xf32, #tpu.memory_space<vmem_shared>>
      %dma_start3A_66 = arith.constant 0 : i32
      %dma_start3A_67 = tpu.memref_slice %arg12[%add3A_24, %dma_start3A_66] : memref<10240x64xf32, #tpu.memory_space<vmem_shared>> -> memref<64x64xf32, #tpu.memory_space<vmem_shared>>
      tpu.enqueue_dma source(%arg10 : memref<64x64xf32, #tpu.memory_space<vmem>>) target(%dma_start3A_67 : memref<64x64xf32, #tpu.memory_space<vmem_shared>>) target_semaphore(%run_scoped3A : memref<!tpu.dma_semaphore, #tpu.memory_space<semaphore_mem>>)
      %dma_wait3A = arith.constant 0 : i32
      %dma_wait3A_68 = tpu.memref_slice %arg12[%add3A_24, %dma_wait3A] : memref<10240x64xf32, #tpu.memory_space<vmem_shared>> -> memref<64x64xf32, #tpu.memory_space<vmem_shared>>
      %dma_wait3A_69 = arith.constant 0 : i32
      %dma_wait3A_70 = tpu.memref_slice %arg12[%add3A_24, %dma_wait3A_69] : memref<10240x64xf32, #tpu.memory_space<vmem_shared>> -> memref<64x64xf32, #tpu.memory_space<vmem_shared>>
      tpu.wait_dma2 semaphore(%run_scoped3A : memref<!tpu.dma_semaphore, #tpu.memory_space<semaphore_mem>>) src(%arg10 : memref<64x64xf32, #tpu.memory_space<vmem>>) dst(%dma_wait3A_70 : memref<64x64xf32, #tpu.memory_space<vmem_shared>>)
      tpu.yield
    }) : () -> ()
    "tpu.region"() ({
      %run_scoped3A = tpu.sem_alloc : memref<!tpu.dma_semaphore, #tpu.memory_space<semaphore_mem>>
      %dma_start3A = arith.constant 0 : i32
      %dma_start3A_65 = tpu.memref_slice %arg15[%add3A_24, %dma_start3A] : memref<10240x16xf32, #tpu.memory_space<vmem_shared>> -> memref<64x16xf32, #tpu.memory_space<vmem_shared>>
      %dma_start3A_66 = arith.constant 0 : i32
      %dma_start3A_67 = tpu.memref_slice %arg15[%add3A_24, %dma_start3A_66] : memref<10240x16xf32, #tpu.memory_space<vmem_shared>> -> memref<64x16xf32, #tpu.memory_space<vmem_shared>>
      tpu.enqueue_dma source(%arg14 : memref<64x16xf32, #tpu.memory_space<vmem>>) target(%dma_start3A_67 : memref<64x16xf32, #tpu.memory_space<vmem_shared>>) target_semaphore(%run_scoped3A : memref<!tpu.dma_semaphore, #tpu.memory_space<semaphore_mem>>)
      %dma_wait3A = arith.constant 0 : i32
      %dma_wait3A_68 = tpu.memref_slice %arg15[%add3A_24, %dma_wait3A] : memref<10240x16xf32, #tpu.memory_space<vmem_shared>> -> memref<64x16xf32, #tpu.memory_space<vmem_shared>>
      %dma_wait3A_69 = arith.constant 0 : i32
      %dma_wait3A_70 = tpu.memref_slice %arg15[%add3A_24, %dma_wait3A_69] : memref<10240x16xf32, #tpu.memory_space<vmem_shared>> -> memref<64x16xf32, #tpu.memory_space<vmem_shared>>
      tpu.wait_dma2 semaphore(%run_scoped3A : memref<!tpu.dma_semaphore, #tpu.memory_space<semaphore_mem>>) src(%arg14 : memref<64x16xf32, #tpu.memory_space<vmem>>) dst(%dma_wait3A_70 : memref<64x16xf32, #tpu.memory_space<vmem_shared>>)
      tpu.yield
    }) : () -> ()
    %add3A_25 = arith.constant 256 : i32
    %add3A_26 = arith.addi %mul3A_16, %add3A_25 : i32
    "tpu.region"() ({
      %run_scoped3A = tpu.sem_alloc : memref<!tpu.dma_semaphore, #tpu.memory_space<semaphore_mem>>
      %dma_start3A = arith.constant 0 : i32
      %dma_start3A_65 = tpu.memref_slice %arg11[%add3A_26, %dma_start3A] : memref<10240x64xf32, #tpu.memory_space<vmem_shared>> -> memref<64x64xf32, #tpu.memory_space<vmem_shared>>
      %dma_start3A_66 = arith.constant 0 : i32
      %dma_start3A_67 = tpu.memref_slice %arg2[%add3A_26, %dma_start3A_66] : memref<10240x64xf32, #tpu.memory_space<hbm>> -> memref<64x64xf32, #tpu.memory_space<hbm>>
      tpu.enqueue_dma source(%dma_start3A_67 : memref<64x64xf32, #tpu.memory_space<hbm>>) target(%dma_start3A_65 : memref<64x64xf32, #tpu.memory_space<vmem_shared>>) target_semaphore(%run_scoped3A : memref<!tpu.dma_semaphore, #tpu.memory_space<semaphore_mem>>)
      %dma_wait3A = arith.constant 0 : i32
      %dma_wait3A_68 = tpu.memref_slice %arg11[%add3A_26, %dma_wait3A] : memref<10240x64xf32, #tpu.memory_space<vmem_shared>> -> memref<64x64xf32, #tpu.memory_space<vmem_shared>>
      %dma_wait3A_69 = arith.constant 0 : i32
      %dma_wait3A_70 = tpu.memref_slice %arg2[%add3A_26, %dma_wait3A_69] : memref<10240x64xf32, #tpu.memory_space<hbm>> -> memref<64x64xf32, #tpu.memory_space<hbm>>
      tpu.wait_dma2 semaphore(%run_scoped3A : memref<!tpu.dma_semaphore, #tpu.memory_space<semaphore_mem>>) src(%dma_wait3A_70 : memref<64x64xf32, #tpu.memory_space<hbm>>) dst(%dma_wait3A_68 : memref<64x64xf32, #tpu.memory_space<vmem_shared>>)
      tpu.yield
    }) : () -> ()
    "tpu.region"() ({
      %run_scoped3A = tpu.sem_alloc : memref<!tpu.dma_semaphore, #tpu.memory_space<semaphore_mem>>
      %dma_start3A = arith.constant 0 : i32
      %dma_start3A_65 = tpu.memref_slice %arg12[%add3A_26, %dma_start3A] : memref<10240x64xf32, #tpu.memory_space<vmem_shared>> -> memref<64x64xf32, #tpu.memory_space<vmem_shared>>
      %dma_start3A_66 = arith.constant 0 : i32
      %dma_start3A_67 = tpu.memref_slice %arg12[%add3A_26, %dma_start3A_66] : memref<10240x64xf32, #tpu.memory_space<vmem_shared>> -> memref<64x64xf32, #tpu.memory_space<vmem_shared>>
      tpu.enqueue_dma source(%arg10 : memref<64x64xf32, #tpu.memory_space<vmem>>) target(%dma_start3A_67 : memref<64x64xf32, #tpu.memory_space<vmem_shared>>) target_semaphore(%run_scoped3A : memref<!tpu.dma_semaphore, #tpu.memory_space<semaphore_mem>>)
      %dma_wait3A = arith.constant 0 : i32
      %dma_wait3A_68 = tpu.memref_slice %arg12[%add3A_26, %dma_wait3A] : memref<10240x64xf32, #tpu.memory_space<vmem_shared>> -> memref<64x64xf32, #tpu.memory_space<vmem_shared>>
      %dma_wait3A_69 = arith.constant 0 : i32
      %dma_wait3A_70 = tpu.memref_slice %arg12[%add3A_26, %dma_wait3A_69] : memref<10240x64xf32, #tpu.memory_space<vmem_shared>> -> memref<64x64xf32, #tpu.memory_space<vmem_shared>>
      tpu.wait_dma2 semaphore(%run_scoped3A : memref<!tpu.dma_semaphore, #tpu.memory_space<semaphore_mem>>) src(%arg10 : memref<64x64xf32, #tpu.memory_space<vmem>>) dst(%dma_wait3A_70 : memref<64x64xf32, #tpu.memory_space<vmem_shared>>)
      tpu.yield
    }) : () -> ()
    "tpu.region"() ({
      %run_scoped3A = tpu.sem_alloc : memref<!tpu.dma_semaphore, #tpu.memory_space<semaphore_mem>>
      %dma_start3A = arith.constant 0 : i32
      %dma_start3A_65 = tpu.memref_slice %arg15[%add3A_26, %dma_start3A] : memref<10240x16xf32, #tpu.memory_space<vmem_shared>> -> memref<64x16xf32, #tpu.memory_space<vmem_shared>>
      %dma_start3A_66 = arith.constant 0 : i32
      %dma_start3A_67 = tpu.memref_slice %arg15[%add3A_26, %dma_start3A_66] : memref<10240x16xf32, #tpu.memory_space<vmem_shared>> -> memref<64x16xf32, #tpu.memory_space<vmem_shared>>
      tpu.enqueue_dma source(%arg14 : memref<64x16xf32, #tpu.memory_space<vmem>>) target(%dma_start3A_67 : memref<64x16xf32, #tpu.memory_space<vmem_shared>>) target_semaphore(%run_scoped3A : memref<!tpu.dma_semaphore, #tpu.memory_space<semaphore_mem>>)
      %dma_wait3A = arith.constant 0 : i32
      %dma_wait3A_68 = tpu.memref_slice %arg15[%add3A_26, %dma_wait3A] : memref<10240x16xf32, #tpu.memory_space<vmem_shared>> -> memref<64x16xf32, #tpu.memory_space<vmem_shared>>
      %dma_wait3A_69 = arith.constant 0 : i32
      %dma_wait3A_70 = tpu.memref_slice %arg15[%add3A_26, %dma_wait3A_69] : memref<10240x16xf32, #tpu.memory_space<vmem_shared>> -> memref<64x16xf32, #tpu.memory_space<vmem_shared>>
      tpu.wait_dma2 semaphore(%run_scoped3A : memref<!tpu.dma_semaphore, #tpu.memory_space<semaphore_mem>>) src(%arg14 : memref<64x16xf32, #tpu.memory_space<vmem>>) dst(%dma_wait3A_70 : memref<64x16xf32, #tpu.memory_space<vmem_shared>>)
      tpu.yield
    }) : () -> ()
    %add3A_27 = arith.constant 320 : i32
    %add3A_28 = arith.addi %mul3A_16, %add3A_27 : i32
    "tpu.region"() ({
      %run_scoped3A = tpu.sem_alloc : memref<!tpu.dma_semaphore, #tpu.memory_space<semaphore_mem>>
      %dma_start3A = arith.constant 0 : i32
      %dma_start3A_65 = tpu.memref_slice %arg11[%add3A_28, %dma_start3A] : memref<10240x64xf32, #tpu.memory_space<vmem_shared>> -> memref<64x64xf32, #tpu.memory_space<vmem_shared>>
      %dma_start3A_66 = arith.constant 0 : i32
      %dma_start3A_67 = tpu.memref_slice %arg2[%add3A_28, %dma_start3A_66] : memref<10240x64xf32, #tpu.memory_space<hbm>> -> memref<64x64xf32, #tpu.memory_space<hbm>>
      tpu.enqueue_dma source(%dma_start3A_67 : memref<64x64xf32, #tpu.memory_space<hbm>>) target(%dma_start3A_65 : memref<64x64xf32, #tpu.memory_space<vmem_shared>>) target_semaphore(%run_scoped3A : memref<!tpu.dma_semaphore, #tpu.memory_space<semaphore_mem>>)
      %dma_wait3A = arith.constant 0 : i32
      %dma_wait3A_68 = tpu.memref_slice %arg11[%add3A_28, %dma_wait3A] : memref<10240x64xf32, #tpu.memory_space<vmem_shared>> -> memref<64x64xf32, #tpu.memory_space<vmem_shared>>
      %dma_wait3A_69 = arith.constant 0 : i32
      %dma_wait3A_70 = tpu.memref_slice %arg2[%add3A_28, %dma_wait3A_69] : memref<10240x64xf32, #tpu.memory_space<hbm>> -> memref<64x64xf32, #tpu.memory_space<hbm>>
      tpu.wait_dma2 semaphore(%run_scoped3A : memref<!tpu.dma_semaphore, #tpu.memory_space<semaphore_mem>>) src(%dma_wait3A_70 : memref<64x64xf32, #tpu.memory_space<hbm>>) dst(%dma_wait3A_68 : memref<64x64xf32, #tpu.memory_space<vmem_shared>>)
      tpu.yield
    }) : () -> ()
    "tpu.region"() ({
      %run_scoped3A = tpu.sem_alloc : memref<!tpu.dma_semaphore, #tpu.memory_space<semaphore_mem>>
      %dma_start3A = arith.constant 0 : i32
      %dma_start3A_65 = tpu.memref_slice %arg12[%add3A_28, %dma_start3A] : memref<10240x64xf32, #tpu.memory_space<vmem_shared>> -> memref<64x64xf32, #tpu.memory_space<vmem_shared>>
      %dma_start3A_66 = arith.constant 0 : i32
      %dma_start3A_67 = tpu.memref_slice %arg12[%add3A_28, %dma_start3A_66] : memref<10240x64xf32, #tpu.memory_space<vmem_shared>> -> memref<64x64xf32, #tpu.memory_space<vmem_shared>>
      tpu.enqueue_dma source(%arg10 : memref<64x64xf32, #tpu.memory_space<vmem>>) target(%dma_start3A_67 : memref<64x64xf32, #tpu.memory_space<vmem_shared>>) target_semaphore(%run_scoped3A : memref<!tpu.dma_semaphore, #tpu.memory_space<semaphore_mem>>)
      %dma_wait3A = arith.constant 0 : i32
      %dma_wait3A_68 = tpu.memref_slice %arg12[%add3A_28, %dma_wait3A] : memref<10240x64xf32, #tpu.memory_space<vmem_shared>> -> memref<64x64xf32, #tpu.memory_space<vmem_shared>>
      %dma_wait3A_69 = arith.constant 0 : i32
      %dma_wait3A_70 = tpu.memref_slice %arg12[%add3A_28, %dma_wait3A_69] : memref<10240x64xf32, #tpu.memory_space<vmem_shared>> -> memref<64x64xf32, #tpu.memory_space<vmem_shared>>
      tpu.wait_dma2 semaphore(%run_scoped3A : memref<!tpu.dma_semaphore, #tpu.memory_space<semaphore_mem>>) src(%arg10 : memref<64x64xf32, #tpu.memory_space<vmem>>) dst(%dma_wait3A_70 : memref<64x64xf32, #tpu.memory_space<vmem_shared>>)
      tpu.yield
    }) : () -> ()
    "tpu.region"() ({
      %run_scoped3A = tpu.sem_alloc : memref<!tpu.dma_semaphore, #tpu.memory_space<semaphore_mem>>
      %dma_start3A = arith.constant 0 : i32
      %dma_start3A_65 = tpu.memref_slice %arg15[%add3A_28, %dma_start3A] : memref<10240x16xf32, #tpu.memory_space<vmem_shared>> -> memref<64x16xf32, #tpu.memory_space<vmem_shared>>
      %dma_start3A_66 = arith.constant 0 : i32
      %dma_start3A_67 = tpu.memref_slice %arg15[%add3A_28, %dma_start3A_66] : memref<10240x16xf32, #tpu.memory_space<vmem_shared>> -> memref<64x16xf32, #tpu.memory_space<vmem_shared>>
      tpu.enqueue_dma source(%arg14 : memref<64x16xf32, #tpu.memory_space<vmem>>) target(%dma_start3A_67 : memref<64x16xf32, #tpu.memory_space<vmem_shared>>) target_semaphore(%run_scoped3A : memref<!tpu.dma_semaphore, #tpu.memory_space<semaphore_mem>>)
      %dma_wait3A = arith.constant 0 : i32
      %dma_wait3A_68 = tpu.memref_slice %arg15[%add3A_28, %dma_wait3A] : memref<10240x16xf32, #tpu.memory_space<vmem_shared>> -> memref<64x16xf32, #tpu.memory_space<vmem_shared>>
      %dma_wait3A_69 = arith.constant 0 : i32
      %dma_wait3A_70 = tpu.memref_slice %arg15[%add3A_28, %dma_wait3A_69] : memref<10240x16xf32, #tpu.memory_space<vmem_shared>> -> memref<64x16xf32, #tpu.memory_space<vmem_shared>>
      tpu.wait_dma2 semaphore(%run_scoped3A : memref<!tpu.dma_semaphore, #tpu.memory_space<semaphore_mem>>) src(%arg14 : memref<64x16xf32, #tpu.memory_space<vmem>>) dst(%dma_wait3A_70 : memref<64x16xf32, #tpu.memory_space<vmem_shared>>)
      tpu.yield
    }) : () -> ()
    %add3A_29 = arith.constant 384 : i32
    %add3A_30 = arith.addi %mul3A_16, %add3A_29 : i32
    "tpu.region"() ({
      %run_scoped3A = tpu.sem_alloc : memref<!tpu.dma_semaphore, #tpu.memory_space<semaphore_mem>>
      %dma_start3A = arith.constant 0 : i32
      %dma_start3A_65 = tpu.memref_slice %arg11[%add3A_30, %dma_start3A] : memref<10240x64xf32, #tpu.memory_space<vmem_shared>> -> memref<64x64xf32, #tpu.memory_space<vmem_shared>>
      %dma_start3A_66 = arith.constant 0 : i32
      %dma_start3A_67 = tpu.memref_slice %arg2[%add3A_30, %dma_start3A_66] : memref<10240x64xf32, #tpu.memory_space<hbm>> -> memref<64x64xf32, #tpu.memory_space<hbm>>
      tpu.enqueue_dma source(%dma_start3A_67 : memref<64x64xf32, #tpu.memory_space<hbm>>) target(%dma_start3A_65 : memref<64x64xf32, #tpu.memory_space<vmem_shared>>) target_semaphore(%run_scoped3A : memref<!tpu.dma_semaphore, #tpu.memory_space<semaphore_mem>>)
      %dma_wait3A = arith.constant 0 : i32
      %dma_wait3A_68 = tpu.memref_slice %arg11[%add3A_30, %dma_wait3A] : memref<10240x64xf32, #tpu.memory_space<vmem_shared>> -> memref<64x64xf32, #tpu.memory_space<vmem_shared>>
      %dma_wait3A_69 = arith.constant 0 : i32
      %dma_wait3A_70 = tpu.memref_slice %arg2[%add3A_30, %dma_wait3A_69] : memref<10240x64xf32, #tpu.memory_space<hbm>> -> memref<64x64xf32, #tpu.memory_space<hbm>>
      tpu.wait_dma2 semaphore(%run_scoped3A : memref<!tpu.dma_semaphore, #tpu.memory_space<semaphore_mem>>) src(%dma_wait3A_70 : memref<64x64xf32, #tpu.memory_space<hbm>>) dst(%dma_wait3A_68 : memref<64x64xf32, #tpu.memory_space<vmem_shared>>)
      tpu.yield
    }) : () -> ()
    "tpu.region"() ({
      %run_scoped3A = tpu.sem_alloc : memref<!tpu.dma_semaphore, #tpu.memory_space<semaphore_mem>>
      %dma_start3A = arith.constant 0 : i32
      %dma_start3A_65 = tpu.memref_slice %arg12[%add3A_30, %dma_start3A] : memref<10240x64xf32, #tpu.memory_space<vmem_shared>> -> memref<64x64xf32, #tpu.memory_space<vmem_shared>>
      %dma_start3A_66 = arith.constant 0 : i32
      %dma_start3A_67 = tpu.memref_slice %arg12[%add3A_30, %dma_start3A_66] : memref<10240x64xf32, #tpu.memory_space<vmem_shared>> -> memref<64x64xf32, #tpu.memory_space<vmem_shared>>
      tpu.enqueue_dma source(%arg10 : memref<64x64xf32, #tpu.memory_space<vmem>>) target(%dma_start3A_67 : memref<64x64xf32, #tpu.memory_space<vmem_shared>>) target_semaphore(%run_scoped3A : memref<!tpu.dma_semaphore, #tpu.memory_space<semaphore_mem>>)
      %dma_wait3A = arith.constant 0 : i32
      %dma_wait3A_68 = tpu.memref_slice %arg12[%add3A_30, %dma_wait3A] : memref<10240x64xf32, #tpu.memory_space<vmem_shared>> -> memref<64x64xf32, #tpu.memory_space<vmem_shared>>
      %dma_wait3A_69 = arith.constant 0 : i32
      %dma_wait3A_70 = tpu.memref_slice %arg12[%add3A_30, %dma_wait3A_69] : memref<10240x64xf32, #tpu.memory_space<vmem_shared>> -> memref<64x64xf32, #tpu.memory_space<vmem_shared>>
      tpu.wait_dma2 semaphore(%run_scoped3A : memref<!tpu.dma_semaphore, #tpu.memory_space<semaphore_mem>>) src(%arg10 : memref<64x64xf32, #tpu.memory_space<vmem>>) dst(%dma_wait3A_70 : memref<64x64xf32, #tpu.memory_space<vmem_shared>>)
      tpu.yield
    }) : () -> ()
    "tpu.region"() ({
      %run_scoped3A = tpu.sem_alloc : memref<!tpu.dma_semaphore, #tpu.memory_space<semaphore_mem>>
      %dma_start3A = arith.constant 0 : i32
      %dma_start3A_65 = tpu.memref_slice %arg15[%add3A_30, %dma_start3A] : memref<10240x16xf32, #tpu.memory_space<vmem_shared>> -> memref<64x16xf32, #tpu.memory_space<vmem_shared>>
      %dma_start3A_66 = arith.constant 0 : i32
      %dma_start3A_67 = tpu.memref_slice %arg15[%add3A_30, %dma_start3A_66] : memref<10240x16xf32, #tpu.memory_space<vmem_shared>> -> memref<64x16xf32, #tpu.memory_space<vmem_shared>>
      tpu.enqueue_dma source(%arg14 : memref<64x16xf32, #tpu.memory_space<vmem>>) target(%dma_start3A_67 : memref<64x16xf32, #tpu.memory_space<vmem_shared>>) target_semaphore(%run_scoped3A : memref<!tpu.dma_semaphore, #tpu.memory_space<semaphore_mem>>)
      %dma_wait3A = arith.constant 0 : i32
      %dma_wait3A_68 = tpu.memref_slice %arg15[%add3A_30, %dma_wait3A] : memref<10240x16xf32, #tpu.memory_space<vmem_shared>> -> memref<64x16xf32, #tpu.memory_space<vmem_shared>>
      %dma_wait3A_69 = arith.constant 0 : i32
      %dma_wait3A_70 = tpu.memref_slice %arg15[%add3A_30, %dma_wait3A_69] : memref<10240x16xf32, #tpu.memory_space<vmem_shared>> -> memref<64x16xf32, #tpu.memory_space<vmem_shared>>
      tpu.wait_dma2 semaphore(%run_scoped3A : memref<!tpu.dma_semaphore, #tpu.memory_space<semaphore_mem>>) src(%arg14 : memref<64x16xf32, #tpu.memory_space<vmem>>) dst(%dma_wait3A_70 : memref<64x16xf32, #tpu.memory_space<vmem_shared>>)
      tpu.yield
    }) : () -> ()
    %add3A_31 = arith.constant 448 : i32
    %add3A_32 = arith.addi %mul3A_16, %add3A_31 : i32
    "tpu.region"() ({
      %run_scoped3A = tpu.sem_alloc : memref<!tpu.dma_semaphore, #tpu.memory_space<semaphore_mem>>
      %dma_start3A = arith.constant 0 : i32
      %dma_start3A_65 = tpu.memref_slice %arg11[%add3A_32, %dma_start3A] : memref<10240x64xf32, #tpu.memory_space<vmem_shared>> -> memref<64x64xf32, #tpu.memory_space<vmem_shared>>
      %dma_start3A_66 = arith.constant 0 : i32
      %dma_start3A_67 = tpu.memref_slice %arg2[%add3A_32, %dma_start3A_66] : memref<10240x64xf32, #tpu.memory_space<hbm>> -> memref<64x64xf32, #tpu.memory_space<hbm>>
      tpu.enqueue_dma source(%dma_start3A_67 : memref<64x64xf32, #tpu.memory_space<hbm>>) target(%dma_start3A_65 : memref<64x64xf32, #tpu.memory_space<vmem_shared>>) target_semaphore(%run_scoped3A : memref<!tpu.dma_semaphore, #tpu.memory_space<semaphore_mem>>)
      %dma_wait3A = arith.constant 0 : i32
      %dma_wait3A_68 = tpu.memref_slice %arg11[%add3A_32, %dma_wait3A] : memref<10240x64xf32, #tpu.memory_space<vmem_shared>> -> memref<64x64xf32, #tpu.memory_space<vmem_shared>>
      %dma_wait3A_69 = arith.constant 0 : i32
      %dma_wait3A_70 = tpu.memref_slice %arg2[%add3A_32, %dma_wait3A_69] : memref<10240x64xf32, #tpu.memory_space<hbm>> -> memref<64x64xf32, #tpu.memory_space<hbm>>
      tpu.wait_dma2 semaphore(%run_scoped3A : memref<!tpu.dma_semaphore, #tpu.memory_space<semaphore_mem>>) src(%dma_wait3A_70 : memref<64x64xf32, #tpu.memory_space<hbm>>) dst(%dma_wait3A_68 : memref<64x64xf32, #tpu.memory_space<vmem_shared>>)
      tpu.yield
    }) : () -> ()
    "tpu.region"() ({
      %run_scoped3A = tpu.sem_alloc : memref<!tpu.dma_semaphore, #tpu.memory_space<semaphore_mem>>
      %dma_start3A = arith.constant 0 : i32
      %dma_start3A_65 = tpu.memref_slice %arg12[%add3A_32, %dma_start3A] : memref<10240x64xf32, #tpu.memory_space<vmem_shared>> -> memref<64x64xf32, #tpu.memory_space<vmem_shared>>
      %dma_start3A_66 = arith.constant 0 : i32
      %dma_start3A_67 = tpu.memref_slice %arg12[%add3A_32, %dma_start3A_66] : memref<10240x64xf32, #tpu.memory_space<vmem_shared>> -> memref<64x64xf32, #tpu.memory_space<vmem_shared>>
      tpu.enqueue_dma source(%arg10 : memref<64x64xf32, #tpu.memory_space<vmem>>) target(%dma_start3A_67 : memref<64x64xf32, #tpu.memory_space<vmem_shared>>) target_semaphore(%run_scoped3A : memref<!tpu.dma_semaphore, #tpu.memory_space<semaphore_mem>>)
      %dma_wait3A = arith.constant 0 : i32
      %dma_wait3A_68 = tpu.memref_slice %arg12[%add3A_32, %dma_wait3A] : memref<10240x64xf32, #tpu.memory_space<vmem_shared>> -> memref<64x64xf32, #tpu.memory_space<vmem_shared>>
      %dma_wait3A_69 = arith.constant 0 : i32
      %dma_wait3A_70 = tpu.memref_slice %arg12[%add3A_32, %dma_wait3A_69] : memref<10240x64xf32, #tpu.memory_space<vmem_shared>> -> memref<64x64xf32, #tpu.memory_space<vmem_shared>>
      tpu.wait_dma2 semaphore(%run_scoped3A : memref<!tpu.dma_semaphore, #tpu.memory_space<semaphore_mem>>) src(%arg10 : memref<64x64xf32, #tpu.memory_space<vmem>>) dst(%dma_wait3A_70 : memref<64x64xf32, #tpu.memory_space<vmem_shared>>)
      tpu.yield
    }) : () -> ()
    "tpu.region"() ({
      %run_scoped3A = tpu.sem_alloc : memref<!tpu.dma_semaphore, #tpu.memory_space<semaphore_mem>>
      %dma_start3A = arith.constant 0 : i32
      %dma_start3A_65 = tpu.memref_slice %arg15[%add3A_32, %dma_start3A] : memref<10240x16xf32, #tpu.memory_space<vmem_shared>> -> memref<64x16xf32, #tpu.memory_space<vmem_shared>>
      %dma_start3A_66 = arith.constant 0 : i32
      %dma_start3A_67 = tpu.memref_slice %arg15[%add3A_32, %dma_start3A_66] : memref<10240x16xf32, #tpu.memory_space<vmem_shared>> -> memref<64x16xf32, #tpu.memory_space<vmem_shared>>
      tpu.enqueue_dma source(%arg14 : memref<64x16xf32, #tpu.memory_space<vmem>>) target(%dma_start3A_67 : memref<64x16xf32, #tpu.memory_space<vmem_shared>>) target_semaphore(%run_scoped3A : memref<!tpu.dma_semaphore, #tpu.memory_space<semaphore_mem>>)
      %dma_wait3A = arith.constant 0 : i32
      %dma_wait3A_68 = tpu.memref_slice %arg15[%add3A_32, %dma_wait3A] : memref<10240x16xf32, #tpu.memory_space<vmem_shared>> -> memref<64x16xf32, #tpu.memory_space<vmem_shared>>
      %dma_wait3A_69 = arith.constant 0 : i32
      %dma_wait3A_70 = tpu.memref_slice %arg15[%add3A_32, %dma_wait3A_69] : memref<10240x16xf32, #tpu.memory_space<vmem_shared>> -> memref<64x16xf32, #tpu.memory_space<vmem_shared>>
      tpu.wait_dma2 semaphore(%run_scoped3A : memref<!tpu.dma_semaphore, #tpu.memory_space<semaphore_mem>>) src(%arg14 : memref<64x16xf32, #tpu.memory_space<vmem>>) dst(%dma_wait3A_70 : memref<64x16xf32, #tpu.memory_space<vmem_shared>>)
      tpu.yield
    }) : () -> ()
    %add3A_33 = arith.constant 512 : i32
    %add3A_34 = arith.addi %mul3A_16, %add3A_33 : i32
    "tpu.region"() ({
      %run_scoped3A = tpu.sem_alloc : memref<!tpu.dma_semaphore, #tpu.memory_space<semaphore_mem>>
      %dma_start3A = arith.constant 0 : i32
      %dma_start3A_65 = tpu.memref_slice %arg11[%add3A_34, %dma_start3A] : memref<10240x64xf32, #tpu.memory_space<vmem_shared>> -> memref<64x64xf32, #tpu.memory_space<vmem_shared>>
      %dma_start3A_66 = arith.constant 0 : i32
      %dma_start3A_67 = tpu.memref_slice %arg2[%add3A_34, %dma_start3A_66] : memref<10240x64xf32, #tpu.memory_space<hbm>> -> memref<64x64xf32, #tpu.memory_space<hbm>>
      tpu.enqueue_dma source(%dma_start3A_67 : memref<64x64xf32, #tpu.memory_space<hbm>>) target(%dma_start3A_65 : memref<64x64xf32, #tpu.memory_space<vmem_shared>>) target_semaphore(%run_scoped3A : memref<!tpu.dma_semaphore, #tpu.memory_space<semaphore_mem>>)
      %dma_wait3A = arith.constant 0 : i32
      %dma_wait3A_68 = tpu.memref_slice %arg11[%add3A_34, %dma_wait3A] : memref<10240x64xf32, #tpu.memory_space<vmem_shared>> -> memref<64x64xf32, #tpu.memory_space<vmem_shared>>
      %dma_wait3A_69 = arith.constant 0 : i32
      %dma_wait3A_70 = tpu.memref_slice %arg2[%add3A_34, %dma_wait3A_69] : memref<10240x64xf32, #tpu.memory_space<hbm>> -> memref<64x64xf32, #tpu.memory_space<hbm>>
      tpu.wait_dma2 semaphore(%run_scoped3A : memref<!tpu.dma_semaphore, #tpu.memory_space<semaphore_mem>>) src(%dma_wait3A_70 : memref<64x64xf32, #tpu.memory_space<hbm>>) dst(%dma_wait3A_68 : memref<64x64xf32, #tpu.memory_space<vmem_shared>>)
      tpu.yield
    }) : () -> ()
    "tpu.region"() ({
      %run_scoped3A = tpu.sem_alloc : memref<!tpu.dma_semaphore, #tpu.memory_space<semaphore_mem>>
      %dma_start3A = arith.constant 0 : i32
      %dma_start3A_65 = tpu.memref_slice %arg12[%add3A_34, %dma_start3A] : memref<10240x64xf32, #tpu.memory_space<vmem_shared>> -> memref<64x64xf32, #tpu.memory_space<vmem_shared>>
      %dma_start3A_66 = arith.constant 0 : i32
      %dma_start3A_67 = tpu.memref_slice %arg12[%add3A_34, %dma_start3A_66] : memref<10240x64xf32, #tpu.memory_space<vmem_shared>> -> memref<64x64xf32, #tpu.memory_space<vmem_shared>>
      tpu.enqueue_dma source(%arg10 : memref<64x64xf32, #tpu.memory_space<vmem>>) target(%dma_start3A_67 : memref<64x64xf32, #tpu.memory_space<vmem_shared>>) target_semaphore(%run_scoped3A : memref<!tpu.dma_semaphore, #tpu.memory_space<semaphore_mem>>)
      %dma_wait3A = arith.constant 0 : i32
      %dma_wait3A_68 = tpu.memref_slice %arg12[%add3A_34, %dma_wait3A] : memref<10240x64xf32, #tpu.memory_space<vmem_shared>> -> memref<64x64xf32, #tpu.memory_space<vmem_shared>>
      %dma_wait3A_69 = arith.constant 0 : i32
      %dma_wait3A_70 = tpu.memref_slice %arg12[%add3A_34, %dma_wait3A_69] : memref<10240x64xf32, #tpu.memory_space<vmem_shared>> -> memref<64x64xf32, #tpu.memory_space<vmem_shared>>
      tpu.wait_dma2 semaphore(%run_scoped3A : memref<!tpu.dma_semaphore, #tpu.memory_space<semaphore_mem>>) src(%arg10 : memref<64x64xf32, #tpu.memory_space<vmem>>) dst(%dma_wait3A_70 : memref<64x64xf32, #tpu.memory_space<vmem_shared>>)
      tpu.yield
    }) : () -> ()
    "tpu.region"() ({
      %run_scoped3A = tpu.sem_alloc : memref<!tpu.dma_semaphore, #tpu.memory_space<semaphore_mem>>
      %dma_start3A = arith.constant 0 : i32
      %dma_start3A_65 = tpu.memref_slice %arg15[%add3A_34, %dma_start3A] : memref<10240x16xf32, #tpu.memory_space<vmem_shared>> -> memref<64x16xf32, #tpu.memory_space<vmem_shared>>
      %dma_start3A_66 = arith.constant 0 : i32
      %dma_start3A_67 = tpu.memref_slice %arg15[%add3A_34, %dma_start3A_66] : memref<10240x16xf32, #tpu.memory_space<vmem_shared>> -> memref<64x16xf32, #tpu.memory_space<vmem_shared>>
      tpu.enqueue_dma source(%arg14 : memref<64x16xf32, #tpu.memory_space<vmem>>) target(%dma_start3A_67 : memref<64x16xf32, #tpu.memory_space<vmem_shared>>) target_semaphore(%run_scoped3A : memref<!tpu.dma_semaphore, #tpu.memory_space<semaphore_mem>>)
      %dma_wait3A = arith.constant 0 : i32
      %dma_wait3A_68 = tpu.memref_slice %arg15[%add3A_34, %dma_wait3A] : memref<10240x16xf32, #tpu.memory_space<vmem_shared>> -> memref<64x16xf32, #tpu.memory_space<vmem_shared>>
      %dma_wait3A_69 = arith.constant 0 : i32
      %dma_wait3A_70 = tpu.memref_slice %arg15[%add3A_34, %dma_wait3A_69] : memref<10240x16xf32, #tpu.memory_space<vmem_shared>> -> memref<64x16xf32, #tpu.memory_space<vmem_shared>>
      tpu.wait_dma2 semaphore(%run_scoped3A : memref<!tpu.dma_semaphore, #tpu.memory_space<semaphore_mem>>) src(%arg14 : memref<64x16xf32, #tpu.memory_space<vmem>>) dst(%dma_wait3A_70 : memref<64x16xf32, #tpu.memory_space<vmem_shared>>)
      tpu.yield
    }) : () -> ()
    %add3A_35 = arith.constant 576 : i32
    %add3A_36 = arith.addi %mul3A_16, %add3A_35 : i32
    "tpu.region"() ({
      %run_scoped3A = tpu.sem_alloc : memref<!tpu.dma_semaphore, #tpu.memory_space<semaphore_mem>>
      %dma_start3A = arith.constant 0 : i32
      %dma_start3A_65 = tpu.memref_slice %arg11[%add3A_36, %dma_start3A] : memref<10240x64xf32, #tpu.memory_space<vmem_shared>> -> memref<64x64xf32, #tpu.memory_space<vmem_shared>>
      %dma_start3A_66 = arith.constant 0 : i32
      %dma_start3A_67 = tpu.memref_slice %arg2[%add3A_36, %dma_start3A_66] : memref<10240x64xf32, #tpu.memory_space<hbm>> -> memref<64x64xf32, #tpu.memory_space<hbm>>
      tpu.enqueue_dma source(%dma_start3A_67 : memref<64x64xf32, #tpu.memory_space<hbm>>) target(%dma_start3A_65 : memref<64x64xf32, #tpu.memory_space<vmem_shared>>) target_semaphore(%run_scoped3A : memref<!tpu.dma_semaphore, #tpu.memory_space<semaphore_mem>>)
      %dma_wait3A = arith.constant 0 : i32
      %dma_wait3A_68 = tpu.memref_slice %arg11[%add3A_36, %dma_wait3A] : memref<10240x64xf32, #tpu.memory_space<vmem_shared>> -> memref<64x64xf32, #tpu.memory_space<vmem_shared>>
      %dma_wait3A_69 = arith.constant 0 : i32
      %dma_wait3A_70 = tpu.memref_slice %arg2[%add3A_36, %dma_wait3A_69] : memref<10240x64xf32, #tpu.memory_space<hbm>> -> memref<64x64xf32, #tpu.memory_space<hbm>>
      tpu.wait_dma2 semaphore(%run_scoped3A : memref<!tpu.dma_semaphore, #tpu.memory_space<semaphore_mem>>) src(%dma_wait3A_70 : memref<64x64xf32, #tpu.memory_space<hbm>>) dst(%dma_wait3A_68 : memref<64x64xf32, #tpu.memory_space<vmem_shared>>)
      tpu.yield
    }) : () -> ()
    "tpu.region"() ({
      %run_scoped3A = tpu.sem_alloc : memref<!tpu.dma_semaphore, #tpu.memory_space<semaphore_mem>>
      %dma_start3A = arith.constant 0 : i32
      %dma_start3A_65 = tpu.memref_slice %arg12[%add3A_36, %dma_start3A] : memref<10240x64xf32, #tpu.memory_space<vmem_shared>> -> memref<64x64xf32, #tpu.memory_space<vmem_shared>>
      %dma_start3A_66 = arith.constant 0 : i32
      %dma_start3A_67 = tpu.memref_slice %arg12[%add3A_36, %dma_start3A_66] : memref<10240x64xf32, #tpu.memory_space<vmem_shared>> -> memref<64x64xf32, #tpu.memory_space<vmem_shared>>
      tpu.enqueue_dma source(%arg10 : memref<64x64xf32, #tpu.memory_space<vmem>>) target(%dma_start3A_67 : memref<64x64xf32, #tpu.memory_space<vmem_shared>>) target_semaphore(%run_scoped3A : memref<!tpu.dma_semaphore, #tpu.memory_space<semaphore_mem>>)
      %dma_wait3A = arith.constant 0 : i32
      %dma_wait3A_68 = tpu.memref_slice %arg12[%add3A_36, %dma_wait3A] : memref<10240x64xf32, #tpu.memory_space<vmem_shared>> -> memref<64x64xf32, #tpu.memory_space<vmem_shared>>
      %dma_wait3A_69 = arith.constant 0 : i32
      %dma_wait3A_70 = tpu.memref_slice %arg12[%add3A_36, %dma_wait3A_69] : memref<10240x64xf32, #tpu.memory_space<vmem_shared>> -> memref<64x64xf32, #tpu.memory_space<vmem_shared>>
      tpu.wait_dma2 semaphore(%run_scoped3A : memref<!tpu.dma_semaphore, #tpu.memory_space<semaphore_mem>>) src(%arg10 : memref<64x64xf32, #tpu.memory_space<vmem>>) dst(%dma_wait3A_70 : memref<64x64xf32, #tpu.memory_space<vmem_shared>>)
      tpu.yield
    }) : () -> ()
    "tpu.region"() ({
      %run_scoped3A = tpu.sem_alloc : memref<!tpu.dma_semaphore, #tpu.memory_space<semaphore_mem>>
      %dma_start3A = arith.constant 0 : i32
      %dma_start3A_65 = tpu.memref_slice %arg15[%add3A_36, %dma_start3A] : memref<10240x16xf32, #tpu.memory_space<vmem_shared>> -> memref<64x16xf32, #tpu.memory_space<vmem_shared>>
      %dma_start3A_66 = arith.constant 0 : i32
      %dma_start3A_67 = tpu.memref_slice %arg15[%add3A_36, %dma_start3A_66] : memref<10240x16xf32, #tpu.memory_space<vmem_shared>> -> memref<64x16xf32, #tpu.memory_space<vmem_shared>>
      tpu.enqueue_dma source(%arg14 : memref<64x16xf32, #tpu.memory_space<vmem>>) target(%dma_start3A_67 : memref<64x16xf32, #tpu.memory_space<vmem_shared>>) target_semaphore(%run_scoped3A : memref<!tpu.dma_semaphore, #tpu.memory_space<semaphore_mem>>)
      %dma_wait3A = arith.constant 0 : i32
      %dma_wait3A_68 = tpu.memref_slice %arg15[%add3A_36, %dma_wait3A] : memref<10240x16xf32, #tpu.memory_space<vmem_shared>> -> memref<64x16xf32, #tpu.memory_space<vmem_shared>>
      %dma_wait3A_69 = arith.constant 0 : i32
      %dma_wait3A_70 = tpu.memref_slice %arg15[%add3A_36, %dma_wait3A_69] : memref<10240x16xf32, #tpu.memory_space<vmem_shared>> -> memref<64x16xf32, #tpu.memory_space<vmem_shared>>
      tpu.wait_dma2 semaphore(%run_scoped3A : memref<!tpu.dma_semaphore, #tpu.memory_space<semaphore_mem>>) src(%arg14 : memref<64x16xf32, #tpu.memory_space<vmem>>) dst(%dma_wait3A_70 : memref<64x16xf32, #tpu.memory_space<vmem_shared>>)
      tpu.yield
    }) : () -> ()
    %barrier3A = arith.constant 0 : index
    tpu.barrier barrier_id(%barrier3A)
    %scan3A_37 = arith.constant 0 : i32
    %scan3A_38 = arith.constant 0 : i32
    %scan3A_39 = arith.constant 25 : i32
    %scan3A_40 = arith.addi %scan3A_38, %scan3A_39 : i32
    %scan3A_41 = arith.constant 1 : i32
    %scan3A_42 = scf.for %scan3A_65 = %scan3A_38 to %scan3A_40 step %scan3A_41 iter_args(%scan3A_66 = %scan3A_37) -> (i32)  : i32 {
      %mul3A_67 = arith.constant 25 : i32
      %mul3A_68 = arith.muli %add3A, %mul3A_67 : i32
      %mul3A_69 = arith.constant 1 : i32
      %mul3A_70 = arith.muli %scan3A_65, %mul3A_69 : i32
      %add3A_71 = arith.addi %mul3A_68, %mul3A_70 : i32
      "tpu.region"() ({
        %run_scoped3A_77 = tpu.sem_alloc : memref<!tpu.dma_semaphore, #tpu.memory_space<semaphore_mem>>
        %dma_start3A = arith.constant 0 : i32
        %dma_start3A_78 = tpu.memref_slice %arg3[%add3A_71, %dma_start3A] : memref<800x400xi32, #tpu.memory_space<hbm>> -> memref<1x400xi32, #tpu.memory_space<hbm>>
        %dma_start3A_79 = arith.constant 0 : i32
        %dma_start3A_80 = tpu.memref_slice %arg3[%add3A_71, %dma_start3A_79] : memref<800x400xi32, #tpu.memory_space<hbm>> -> memref<1x400xi32, #tpu.memory_space<hbm>>
        tpu.enqueue_dma source(%dma_start3A_80 : memref<1x400xi32, #tpu.memory_space<hbm>>) target(%arg7 : memref<1x400xi32, #tpu.memory_space<vmem>>) target_semaphore(%run_scoped3A_77 : memref<!tpu.dma_semaphore, #tpu.memory_space<semaphore_mem>>)
        %dma_wait3A = arith.constant 0 : i32
        %dma_wait3A_81 = tpu.memref_slice %arg3[%add3A_71, %dma_wait3A] : memref<800x400xi32, #tpu.memory_space<hbm>> -> memref<1x400xi32, #tpu.memory_space<hbm>>
        %dma_wait3A_82 = arith.constant 0 : i32
        %dma_wait3A_83 = tpu.memref_slice %arg3[%add3A_71, %dma_wait3A_82] : memref<800x400xi32, #tpu.memory_space<hbm>> -> memref<1x400xi32, #tpu.memory_space<hbm>>
        tpu.wait_dma2 semaphore(%run_scoped3A_77 : memref<!tpu.dma_semaphore, #tpu.memory_space<semaphore_mem>>) src(%dma_wait3A_83 : memref<1x400xi32, #tpu.memory_space<hbm>>) dst(%arg7 : memref<1x400xi32, #tpu.memory_space<vmem>>)
        tpu.yield
      }) : () -> ()
      "tpu.region"() ({
        %run_scoped3A_77 = tpu.sem_alloc : memref<!tpu.dma_semaphore, #tpu.memory_space<semaphore_mem>>
        %dma_start3A = arith.constant 0 : i32
        %dma_start3A_78 = tpu.memref_slice %arg4[%add3A_71, %dma_start3A] : memref<800x400xi32, #tpu.memory_space<hbm>> -> memref<1x400xi32, #tpu.memory_space<hbm>>
        %dma_start3A_79 = arith.constant 0 : i32
        %dma_start3A_80 = tpu.memref_slice %arg4[%add3A_71, %dma_start3A_79] : memref<800x400xi32, #tpu.memory_space<hbm>> -> memref<1x400xi32, #tpu.memory_space<hbm>>
        tpu.enqueue_dma source(%dma_start3A_80 : memref<1x400xi32, #tpu.memory_space<hbm>>) target(%arg8 : memref<1x400xi32, #tpu.memory_space<vmem>>) target_semaphore(%run_scoped3A_77 : memref<!tpu.dma_semaphore, #tpu.memory_space<semaphore_mem>>)
        %dma_wait3A = arith.constant 0 : i32
        %dma_wait3A_81 = tpu.memref_slice %arg4[%add3A_71, %dma_wait3A] : memref<800x400xi32, #tpu.memory_space<hbm>> -> memref<1x400xi32, #tpu.memory_space<hbm>>
        %dma_wait3A_82 = arith.constant 0 : i32
        %dma_wait3A_83 = tpu.memref_slice %arg4[%add3A_71, %dma_wait3A_82] : memref<800x400xi32, #tpu.memory_space<hbm>> -> memref<1x400xi32, #tpu.memory_space<hbm>>
        tpu.wait_dma2 semaphore(%run_scoped3A_77 : memref<!tpu.dma_semaphore, #tpu.memory_space<semaphore_mem>>) src(%dma_wait3A_83 : memref<1x400xi32, #tpu.memory_space<hbm>>) dst(%arg8 : memref<1x400xi32, #tpu.memory_space<vmem>>)
        tpu.yield
      }) : () -> ()
      %run_scoped3A = arith.constant 0 : i32
      %run_scoped3A_72 = arith.constant 0 : i32
      "tpu.region"() ({
        %run_scoped3A_77 = tpu.sem_alloc : memref<!tpu.dma_semaphore, #tpu.memory_space<semaphore_mem>>
        %dma_start3A = arith.constant 0 : i32
        %dma_start3A_78 = arith.constant 0 : i32
        %dma_start3A_79 = tpu.memref_slice %arg9[%run_scoped3A_72, %dma_start3A, %dma_start3A_78] : memref<1x400x64xf32, #tpu.memory_space<vmem>> -> memref<1x400x64xf32, #tpu.memory_space<vmem>>
        %dma_start3A_80 = tpu.memref_squeeze %dma_start3A_79 : memref<1x400x64xf32, #tpu.memory_space<vmem>> -> memref<400x64xf32, #tpu.memory_space<vmem>>
        %dma_start3A_81 = arith.constant 0 : i32
        %dma_start3A_82 = tpu.memref_slice %arg7[%run_scoped3A, %dma_start3A_81] : memref<1x400xi32, #tpu.memory_space<vmem>> -> memref<1x400xi32, #tpu.memory_space<vmem>>
        %dma_start3A_83 = tpu.memref_squeeze %dma_start3A_82 : memref<1x400xi32, #tpu.memory_space<vmem>> -> memref<400xi32, #tpu.memory_space<vmem>>
        %dma_start3A_84 = arith.constant 0 : i32
        %dma_start3A_85 = arith.constant 0 : i32
        %dma_start3A_86 = tpu.memref_slice %arg11[%dma_start3A_84, %dma_start3A_85] : memref<10240x64xf32, #tpu.memory_space<vmem_shared>> -> memref<10240x64xf32, #tpu.memory_space<vmem_shared>>
        tpu.enqueue_indirect_dma source(%dma_start3A_86 : memref<10240x64xf32, #tpu.memory_space<vmem_shared>>) target(%dma_start3A_80 : memref<400x64xf32, #tpu.memory_space<vmem>>) offsets(%dma_start3A_83 : memref<400xi32, #tpu.memory_space<vmem>>) semaphore(%run_scoped3A_77 : memref<!tpu.dma_semaphore, #tpu.memory_space<semaphore_mem>>)
        %dma_wait3A = arith.constant 0 : i32
        %dma_wait3A_87 = arith.constant 0 : i32
        %dma_wait3A_88 = tpu.memref_slice %arg9[%run_scoped3A_72, %dma_wait3A, %dma_wait3A_87] : memref<1x400x64xf32, #tpu.memory_space<vmem>> -> memref<1x400x64xf32, #tpu.memory_space<vmem>>
        %dma_wait3A_89 = tpu.memref_squeeze %dma_wait3A_88 : memref<1x400x64xf32, #tpu.memory_space<vmem>> -> memref<400x64xf32, #tpu.memory_space<vmem>>
        %dma_wait3A_90 = arith.constant 0 : i32
        %dma_wait3A_91 = tpu.memref_slice %arg7[%run_scoped3A, %dma_wait3A_90] : memref<1x400xi32, #tpu.memory_space<vmem>> -> memref<1x400xi32, #tpu.memory_space<vmem>>
        %dma_wait3A_92 = tpu.memref_squeeze %dma_wait3A_91 : memref<1x400xi32, #tpu.memory_space<vmem>> -> memref<400xi32, #tpu.memory_space<vmem>>
        %dma_wait3A_93 = arith.constant 0 : i32
        %dma_wait3A_94 = arith.constant 0 : i32
        %dma_wait3A_95 = tpu.memref_slice %arg11[%dma_wait3A_93, %dma_wait3A_94] : memref<10240x64xf32, #tpu.memory_space<vmem_shared>> -> memref<10240x64xf32, #tpu.memory_space<vmem_shared>>
        tpu.wait_indirect_dma semaphore(%run_scoped3A_77 : memref<!tpu.dma_semaphore, #tpu.memory_space<semaphore_mem>>) src(%dma_wait3A_95 : memref<10240x64xf32, #tpu.memory_space<vmem_shared>>) dst(%dma_wait3A_89 : memref<400x64xf32, #tpu.memory_space<vmem>>)
        tpu.yield
      }) : () -> ()
      %run_scoped3A_73 = arith.constant 0 : i32
      %run_scoped3A_74 = arith.constant 0 : i32
      "tpu.region"() ({
        %run_scoped3A_77 = tpu.sem_alloc : memref<!tpu.dma_semaphore, #tpu.memory_space<semaphore_mem>>
        %dma_start3A = arith.constant 0 : i32
        %dma_start3A_78 = arith.constant 0 : i32
        %dma_start3A_79 = tpu.memref_slice %arg9[%run_scoped3A_73, %dma_start3A, %dma_start3A_78] : memref<1x400x64xf32, #tpu.memory_space<vmem>> -> memref<1x400x64xf32, #tpu.memory_space<vmem>>
        %dma_start3A_80 = tpu.memref_squeeze %dma_start3A_79 : memref<1x400x64xf32, #tpu.memory_space<vmem>> -> memref<400x64xf32, #tpu.memory_space<vmem>>
        %dma_start3A_81 = arith.constant 0 : i32
        %dma_start3A_82 = tpu.memref_slice %arg8[%run_scoped3A_74, %dma_start3A_81] : memref<1x400xi32, #tpu.memory_space<vmem>> -> memref<1x400xi32, #tpu.memory_space<vmem>>
        %dma_start3A_83 = tpu.memref_squeeze %dma_start3A_82 : memref<1x400xi32, #tpu.memory_space<vmem>> -> memref<400xi32, #tpu.memory_space<vmem>>
        %dma_start3A_84 = arith.constant 0 : i32
        %dma_start3A_85 = arith.constant 0 : i32
        %dma_start3A_86 = tpu.memref_slice %arg12[%dma_start3A_84, %dma_start3A_85] : memref<10240x64xf32, #tpu.memory_space<vmem_shared>> -> memref<10240x64xf32, #tpu.memory_space<vmem_shared>>
        tpu.enqueue_indirect_dma source(%dma_start3A_80 : memref<400x64xf32, #tpu.memory_space<vmem>>) target(%dma_start3A_86 : memref<10240x64xf32, #tpu.memory_space<vmem_shared>>) offsets(%dma_start3A_83 : memref<400xi32, #tpu.memory_space<vmem>>) semaphore(%run_scoped3A_77 : memref<!tpu.dma_semaphore, #tpu.memory_space<semaphore_mem>>) {add = true}
        %dma_wait3A = arith.constant 0 : i32
        %dma_wait3A_87 = arith.constant 0 : i32
        %dma_wait3A_88 = tpu.memref_slice %arg9[%run_scoped3A_73, %dma_wait3A, %dma_wait3A_87] : memref<1x400x64xf32, #tpu.memory_space<vmem>> -> memref<1x400x64xf32, #tpu.memory_space<vmem>>
        %dma_wait3A_89 = tpu.memref_squeeze %dma_wait3A_88 : memref<1x400x64xf32, #tpu.memory_space<vmem>> -> memref<400x64xf32, #tpu.memory_space<vmem>>
        %dma_wait3A_90 = arith.constant 0 : i32
        %dma_wait3A_91 = tpu.memref_slice %arg8[%run_scoped3A_74, %dma_wait3A_90] : memref<1x400xi32, #tpu.memory_space<vmem>> -> memref<1x400xi32, #tpu.memory_space<vmem>>
        %dma_wait3A_92 = tpu.memref_squeeze %dma_wait3A_91 : memref<1x400xi32, #tpu.memory_space<vmem>> -> memref<400xi32, #tpu.memory_space<vmem>>
        %dma_wait3A_93 = arith.constant 0 : i32
        %dma_wait3A_94 = arith.constant 0 : i32
        %dma_wait3A_95 = tpu.memref_slice %arg12[%dma_wait3A_93, %dma_wait3A_94] : memref<10240x64xf32, #tpu.memory_space<vmem_shared>> -> memref<10240x64xf32, #tpu.memory_space<vmem_shared>>
        tpu.wait_indirect_dma semaphore(%run_scoped3A_77 : memref<!tpu.dma_semaphore, #tpu.memory_space<semaphore_mem>>) src(%dma_wait3A_89 : memref<400x64xf32, #tpu.memory_space<vmem>>) dst(%dma_wait3A_95 : memref<10240x64xf32, #tpu.memory_space<vmem_shared>>)
        tpu.yield
      }) : () -> ()
      %run_scoped3A_75 = arith.constant 0 : i32
      "tpu.region"() ({
        %run_scoped3A_77 = tpu.sem_alloc : memref<!tpu.dma_semaphore, #tpu.memory_space<semaphore_mem>>
        %dma_start3A = arith.constant 0 : i32
        %dma_start3A_78 = tpu.memref_slice %arg8[%run_scoped3A_75, %dma_start3A] : memref<1x400xi32, #tpu.memory_space<vmem>> -> memref<1x400xi32, #tpu.memory_space<vmem>>
        %dma_start3A_79 = tpu.memref_squeeze %dma_start3A_78 : memref<1x400xi32, #tpu.memory_space<vmem>> -> memref<400xi32, #tpu.memory_space<vmem>>
        %dma_start3A_80 = arith.constant 0 : i32
        %dma_start3A_81 = arith.constant 0 : i32
        %dma_start3A_82 = tpu.memref_slice %arg15[%dma_start3A_80, %dma_start3A_81] : memref<10240x16xf32, #tpu.memory_space<vmem_shared>> -> memref<10240x16xf32, #tpu.memory_space<vmem_shared>>
        tpu.enqueue_indirect_dma source(%arg13 : memref<400x16xf32, #tpu.memory_space<vmem>>) target(%dma_start3A_82 : memref<10240x16xf32, #tpu.memory_space<vmem_shared>>) offsets(%dma_start3A_79 : memref<400xi32, #tpu.memory_space<vmem>>) semaphore(%run_scoped3A_77 : memref<!tpu.dma_semaphore, #tpu.memory_space<semaphore_mem>>) {add = true}
        %dma_wait3A = arith.constant 0 : i32
        %dma_wait3A_83 = tpu.memref_slice %arg8[%run_scoped3A_75, %dma_wait3A] : memref<1x400xi32, #tpu.memory_space<vmem>> -> memref<1x400xi32, #tpu.memory_space<vmem>>
        %dma_wait3A_84 = tpu.memref_squeeze %dma_wait3A_83 : memref<1x400xi32, #tpu.memory_space<vmem>> -> memref<400xi32, #tpu.memory_space<vmem>>
        %dma_wait3A_85 = arith.constant 0 : i32
        %dma_wait3A_86 = arith.constant 0 : i32
        %dma_wait3A_87 = tpu.memref_slice %arg15[%dma_wait3A_85, %dma_wait3A_86] : memref<10240x16xf32, #tpu.memory_space<vmem_shared>> -> memref<10240x16xf32, #tpu.memory_space<vmem_shared>>
        tpu.wait_indirect_dma semaphore(%run_scoped3A_77 : memref<!tpu.dma_semaphore, #tpu.memory_space<semaphore_mem>>) src(%arg13 : memref<400x16xf32, #tpu.memory_space<vmem>>) dst(%dma_wait3A_87 : memref<10240x16xf32, #tpu.memory_space<vmem_shared>>)
        tpu.yield
      }) : () -> ()
      %scan3A_76 = arith.constant 0 : i32
      scf.yield %scan3A_76 : i32
    }
    %scan3A_43 = arith.constant 25 : i32
    %barrier3A_44 = arith.constant 0 : index
    tpu.barrier barrier_id(%barrier3A_44)
    %add3A_45 = arith.constant 0 : i32
    %add3A_46 = arith.addi %mul3A_16, %add3A_45 : i32
    "tpu.region"() ({
      %run_scoped3A = tpu.sem_alloc : memref<!tpu.dma_semaphore, #tpu.memory_space<semaphore_mem>>
      %dma_start3A = arith.constant 0 : i32
      %dma_start3A_65 = tpu.memref_slice %arg5[%arg0, %add3A_46, %dma_start3A] : memref<2x10240x64xf32, #tpu.memory_space<hbm>> -> memref<1x64x64xf32, #tpu.memory_space<hbm>>
      %dma_start3A_66 = tpu.memref_squeeze %dma_start3A_65 : memref<1x64x64xf32, #tpu.memory_space<hbm>> -> memref<64x64xf32, #tpu.memory_space<hbm>>
      %dma_start3A_67 = arith.constant 0 : i32
      %dma_start3A_68 = tpu.memref_slice %arg12[%add3A_46, %dma_start3A_67] : memref<10240x64xf32, #tpu.memory_space<vmem_shared>> -> memref<64x64xf32, #tpu.memory_space<vmem_shared>>
      tpu.enqueue_dma source(%dma_start3A_68 : memref<64x64xf32, #tpu.memory_space<vmem_shared>>) target(%dma_start3A_66 : memref<64x64xf32, #tpu.memory_space<hbm>>) target_semaphore(%run_scoped3A : memref<!tpu.dma_semaphore, #tpu.memory_space<semaphore_mem>>)
      %dma_wait3A = arith.constant 0 : i32
      %dma_wait3A_69 = tpu.memref_slice %arg5[%arg0, %add3A_46, %dma_wait3A] : memref<2x10240x64xf32, #tpu.memory_space<hbm>> -> memref<1x64x64xf32, #tpu.memory_space<hbm>>
      %dma_wait3A_70 = tpu.memref_squeeze %dma_wait3A_69 : memref<1x64x64xf32, #tpu.memory_space<hbm>> -> memref<64x64xf32, #tpu.memory_space<hbm>>
      %dma_wait3A_71 = arith.constant 0 : i32
      %dma_wait3A_72 = tpu.memref_slice %arg12[%add3A_46, %dma_wait3A_71] : memref<10240x64xf32, #tpu.memory_space<vmem_shared>> -> memref<64x64xf32, #tpu.memory_space<vmem_shared>>
      tpu.wait_dma2 semaphore(%run_scoped3A : memref<!tpu.dma_semaphore, #tpu.memory_space<semaphore_mem>>) src(%dma_wait3A_72 : memref<64x64xf32, #tpu.memory_space<vmem_shared>>) dst(%dma_wait3A_70 : memref<64x64xf32, #tpu.memory_space<hbm>>)
      tpu.yield
    }) : () -> ()
    "tpu.region"() ({
      %run_scoped3A = tpu.sem_alloc : memref<!tpu.dma_semaphore, #tpu.memory_space<semaphore_mem>>
      %dma_start3A = arith.constant 0 : i32
      %dma_start3A_65 = tpu.memref_slice %arg6[%arg0, %add3A_46, %dma_start3A] : memref<2x10240x16xf32, #tpu.memory_space<hbm>> -> memref<1x64x16xf32, #tpu.memory_space<hbm>>
      %dma_start3A_66 = tpu.memref_squeeze %dma_start3A_65 : memref<1x64x16xf32, #tpu.memory_space<hbm>> -> memref<64x16xf32, #tpu.memory_space<hbm>>
      %dma_start3A_67 = arith.constant 0 : i32
      %dma_start3A_68 = tpu.memref_slice %arg15[%add3A_46, %dma_start3A_67] : memref<10240x16xf32, #tpu.memory_space<vmem_shared>> -> memref<64x16xf32, #tpu.memory_space<vmem_shared>>
      tpu.enqueue_dma source(%dma_start3A_68 : memref<64x16xf32, #tpu.memory_space<vmem_shared>>) target(%dma_start3A_66 : memref<64x16xf32, #tpu.memory_space<hbm>>) target_semaphore(%run_scoped3A : memref<!tpu.dma_semaphore, #tpu.memory_space<semaphore_mem>>)
      %dma_wait3A = arith.constant 0 : i32
      %dma_wait3A_69 = tpu.memref_slice %arg6[%arg0, %add3A_46, %dma_wait3A] : memref<2x10240x16xf32, #tpu.memory_space<hbm>> -> memref<1x64x16xf32, #tpu.memory_space<hbm>>
      %dma_wait3A_70 = tpu.memref_squeeze %dma_wait3A_69 : memref<1x64x16xf32, #tpu.memory_space<hbm>> -> memref<64x16xf32, #tpu.memory_space<hbm>>
      %dma_wait3A_71 = arith.constant 0 : i32
      %dma_wait3A_72 = tpu.memref_slice %arg15[%add3A_46, %dma_wait3A_71] : memref<10240x16xf32, #tpu.memory_space<vmem_shared>> -> memref<64x16xf32, #tpu.memory_space<vmem_shared>>
      tpu.wait_dma2 semaphore(%run_scoped3A : memref<!tpu.dma_semaphore, #tpu.memory_space<semaphore_mem>>) src(%dma_wait3A_72 : memref<64x16xf32, #tpu.memory_space<vmem_shared>>) dst(%dma_wait3A_70 : memref<64x16xf32, #tpu.memory_space<hbm>>)
      tpu.yield
    }) : () -> ()
    %add3A_47 = arith.constant 64 : i32
    %add3A_48 = arith.addi %mul3A_16, %add3A_47 : i32
    "tpu.region"() ({
      %run_scoped3A = tpu.sem_alloc : memref<!tpu.dma_semaphore, #tpu.memory_space<semaphore_mem>>
      %dma_start3A = arith.constant 0 : i32
      %dma_start3A_65 = tpu.memref_slice %arg5[%arg0, %add3A_48, %dma_start3A] : memref<2x10240x64xf32, #tpu.memory_space<hbm>> -> memref<1x64x64xf32, #tpu.memory_space<hbm>>
      %dma_start3A_66 = tpu.memref_squeeze %dma_start3A_65 : memref<1x64x64xf32, #tpu.memory_space<hbm>> -> memref<64x64xf32, #tpu.memory_space<hbm>>
      %dma_start3A_67 = arith.constant 0 : i32
      %dma_start3A_68 = tpu.memref_slice %arg12[%add3A_48, %dma_start3A_67] : memref<10240x64xf32, #tpu.memory_space<vmem_shared>> -> memref<64x64xf32, #tpu.memory_space<vmem_shared>>
      tpu.enqueue_dma source(%dma_start3A_68 : memref<64x64xf32, #tpu.memory_space<vmem_shared>>) target(%dma_start3A_66 : memref<64x64xf32, #tpu.memory_space<hbm>>) target_semaphore(%run_scoped3A : memref<!tpu.dma_semaphore, #tpu.memory_space<semaphore_mem>>)
      %dma_wait3A = arith.constant 0 : i32
      %dma_wait3A_69 = tpu.memref_slice %arg5[%arg0, %add3A_48, %dma_wait3A] : memref<2x10240x64xf32, #tpu.memory_space<hbm>> -> memref<1x64x64xf32, #tpu.memory_space<hbm>>
      %dma_wait3A_70 = tpu.memref_squeeze %dma_wait3A_69 : memref<1x64x64xf32, #tpu.memory_space<hbm>> -> memref<64x64xf32, #tpu.memory_space<hbm>>
      %dma_wait3A_71 = arith.constant 0 : i32
      %dma_wait3A_72 = tpu.memref_slice %arg12[%add3A_48, %dma_wait3A_71] : memref<10240x64xf32, #tpu.memory_space<vmem_shared>> -> memref<64x64xf32, #tpu.memory_space<vmem_shared>>
      tpu.wait_dma2 semaphore(%run_scoped3A : memref<!tpu.dma_semaphore, #tpu.memory_space<semaphore_mem>>) src(%dma_wait3A_72 : memref<64x64xf32, #tpu.memory_space<vmem_shared>>) dst(%dma_wait3A_70 : memref<64x64xf32, #tpu.memory_space<hbm>>)
      tpu.yield
    }) : () -> ()
    "tpu.region"() ({
      %run_scoped3A = tpu.sem_alloc : memref<!tpu.dma_semaphore, #tpu.memory_space<semaphore_mem>>
      %dma_start3A = arith.constant 0 : i32
      %dma_start3A_65 = tpu.memref_slice %arg6[%arg0, %add3A_48, %dma_start3A] : memref<2x10240x16xf32, #tpu.memory_space<hbm>> -> memref<1x64x16xf32, #tpu.memory_space<hbm>>
      %dma_start3A_66 = tpu.memref_squeeze %dma_start3A_65 : memref<1x64x16xf32, #tpu.memory_space<hbm>> -> memref<64x16xf32, #tpu.memory_space<hbm>>
      %dma_start3A_67 = arith.constant 0 : i32
      %dma_start3A_68 = tpu.memref_slice %arg15[%add3A_48, %dma_start3A_67] : memref<10240x16xf32, #tpu.memory_space<vmem_shared>> -> memref<64x16xf32, #tpu.memory_space<vmem_shared>>
      tpu.enqueue_dma source(%dma_start3A_68 : memref<64x16xf32, #tpu.memory_space<vmem_shared>>) target(%dma_start3A_66 : memref<64x16xf32, #tpu.memory_space<hbm>>) target_semaphore(%run_scoped3A : memref<!tpu.dma_semaphore, #tpu.memory_space<semaphore_mem>>)
      %dma_wait3A = arith.constant 0 : i32
      %dma_wait3A_69 = tpu.memref_slice %arg6[%arg0, %add3A_48, %dma_wait3A] : memref<2x10240x16xf32, #tpu.memory_space<hbm>> -> memref<1x64x16xf32, #tpu.memory_space<hbm>>
      %dma_wait3A_70 = tpu.memref_squeeze %dma_wait3A_69 : memref<1x64x16xf32, #tpu.memory_space<hbm>> -> memref<64x16xf32, #tpu.memory_space<hbm>>
      %dma_wait3A_71 = arith.constant 0 : i32
      %dma_wait3A_72 = tpu.memref_slice %arg15[%add3A_48, %dma_wait3A_71] : memref<10240x16xf32, #tpu.memory_space<vmem_shared>> -> memref<64x16xf32, #tpu.memory_space<vmem_shared>>
      tpu.wait_dma2 semaphore(%run_scoped3A : memref<!tpu.dma_semaphore, #tpu.memory_space<semaphore_mem>>) src(%dma_wait3A_72 : memref<64x16xf32, #tpu.memory_space<vmem_shared>>) dst(%dma_wait3A_70 : memref<64x16xf32, #tpu.memory_space<hbm>>)
      tpu.yield
    }) : () -> ()
    %add3A_49 = arith.constant 128 : i32
    %add3A_50 = arith.addi %mul3A_16, %add3A_49 : i32
    "tpu.region"() ({
      %run_scoped3A = tpu.sem_alloc : memref<!tpu.dma_semaphore, #tpu.memory_space<semaphore_mem>>
      %dma_start3A = arith.constant 0 : i32
      %dma_start3A_65 = tpu.memref_slice %arg5[%arg0, %add3A_50, %dma_start3A] : memref<2x10240x64xf32, #tpu.memory_space<hbm>> -> memref<1x64x64xf32, #tpu.memory_space<hbm>>
      %dma_start3A_66 = tpu.memref_squeeze %dma_start3A_65 : memref<1x64x64xf32, #tpu.memory_space<hbm>> -> memref<64x64xf32, #tpu.memory_space<hbm>>
      %dma_start3A_67 = arith.constant 0 : i32
      %dma_start3A_68 = tpu.memref_slice %arg12[%add3A_50, %dma_start3A_67] : memref<10240x64xf32, #tpu.memory_space<vmem_shared>> -> memref<64x64xf32, #tpu.memory_space<vmem_shared>>
      tpu.enqueue_dma source(%dma_start3A_68 : memref<64x64xf32, #tpu.memory_space<vmem_shared>>) target(%dma_start3A_66 : memref<64x64xf32, #tpu.memory_space<hbm>>) target_semaphore(%run_scoped3A : memref<!tpu.dma_semaphore, #tpu.memory_space<semaphore_mem>>)
      %dma_wait3A = arith.constant 0 : i32
      %dma_wait3A_69 = tpu.memref_slice %arg5[%arg0, %add3A_50, %dma_wait3A] : memref<2x10240x64xf32, #tpu.memory_space<hbm>> -> memref<1x64x64xf32, #tpu.memory_space<hbm>>
      %dma_wait3A_70 = tpu.memref_squeeze %dma_wait3A_69 : memref<1x64x64xf32, #tpu.memory_space<hbm>> -> memref<64x64xf32, #tpu.memory_space<hbm>>
      %dma_wait3A_71 = arith.constant 0 : i32
      %dma_wait3A_72 = tpu.memref_slice %arg12[%add3A_50, %dma_wait3A_71] : memref<10240x64xf32, #tpu.memory_space<vmem_shared>> -> memref<64x64xf32, #tpu.memory_space<vmem_shared>>
      tpu.wait_dma2 semaphore(%run_scoped3A : memref<!tpu.dma_semaphore, #tpu.memory_space<semaphore_mem>>) src(%dma_wait3A_72 : memref<64x64xf32, #tpu.memory_space<vmem_shared>>) dst(%dma_wait3A_70 : memref<64x64xf32, #tpu.memory_space<hbm>>)
      tpu.yield
    }) : () -> ()
    "tpu.region"() ({
      %run_scoped3A = tpu.sem_alloc : memref<!tpu.dma_semaphore, #tpu.memory_space<semaphore_mem>>
      %dma_start3A = arith.constant 0 : i32
      %dma_start3A_65 = tpu.memref_slice %arg6[%arg0, %add3A_50, %dma_start3A] : memref<2x10240x16xf32, #tpu.memory_space<hbm>> -> memref<1x64x16xf32, #tpu.memory_space<hbm>>
      %dma_start3A_66 = tpu.memref_squeeze %dma_start3A_65 : memref<1x64x16xf32, #tpu.memory_space<hbm>> -> memref<64x16xf32, #tpu.memory_space<hbm>>
      %dma_start3A_67 = arith.constant 0 : i32
      %dma_start3A_68 = tpu.memref_slice %arg15[%add3A_50, %dma_start3A_67] : memref<10240x16xf32, #tpu.memory_space<vmem_shared>> -> memref<64x16xf32, #tpu.memory_space<vmem_shared>>
      tpu.enqueue_dma source(%dma_start3A_68 : memref<64x16xf32, #tpu.memory_space<vmem_shared>>) target(%dma_start3A_66 : memref<64x16xf32, #tpu.memory_space<hbm>>) target_semaphore(%run_scoped3A : memref<!tpu.dma_semaphore, #tpu.memory_space<semaphore_mem>>)
      %dma_wait3A = arith.constant 0 : i32
      %dma_wait3A_69 = tpu.memref_slice %arg6[%arg0, %add3A_50, %dma_wait3A] : memref<2x10240x16xf32, #tpu.memory_space<hbm>> -> memref<1x64x16xf32, #tpu.memory_space<hbm>>
      %dma_wait3A_70 = tpu.memref_squeeze %dma_wait3A_69 : memref<1x64x16xf32, #tpu.memory_space<hbm>> -> memref<64x16xf32, #tpu.memory_space<hbm>>
      %dma_wait3A_71 = arith.constant 0 : i32
      %dma_wait3A_72 = tpu.memref_slice %arg15[%add3A_50, %dma_wait3A_71] : memref<10240x16xf32, #tpu.memory_space<vmem_shared>> -> memref<64x16xf32, #tpu.memory_space<vmem_shared>>
      tpu.wait_dma2 semaphore(%run_scoped3A : memref<!tpu.dma_semaphore, #tpu.memory_space<semaphore_mem>>) src(%dma_wait3A_72 : memref<64x16xf32, #tpu.memory_space<vmem_shared>>) dst(%dma_wait3A_70 : memref<64x16xf32, #tpu.memory_space<hbm>>)
      tpu.yield
    }) : () -> ()
    %add3A_51 = arith.constant 192 : i32
    %add3A_52 = arith.addi %mul3A_16, %add3A_51 : i32
    "tpu.region"() ({
      %run_scoped3A = tpu.sem_alloc : memref<!tpu.dma_semaphore, #tpu.memory_space<semaphore_mem>>
      %dma_start3A = arith.constant 0 : i32
      %dma_start3A_65 = tpu.memref_slice %arg5[%arg0, %add3A_52, %dma_start3A] : memref<2x10240x64xf32, #tpu.memory_space<hbm>> -> memref<1x64x64xf32, #tpu.memory_space<hbm>>
      %dma_start3A_66 = tpu.memref_squeeze %dma_start3A_65 : memref<1x64x64xf32, #tpu.memory_space<hbm>> -> memref<64x64xf32, #tpu.memory_space<hbm>>
      %dma_start3A_67 = arith.constant 0 : i32
      %dma_start3A_68 = tpu.memref_slice %arg12[%add3A_52, %dma_start3A_67] : memref<10240x64xf32, #tpu.memory_space<vmem_shared>> -> memref<64x64xf32, #tpu.memory_space<vmem_shared>>
      tpu.enqueue_dma source(%dma_start3A_68 : memref<64x64xf32, #tpu.memory_space<vmem_shared>>) target(%dma_start3A_66 : memref<64x64xf32, #tpu.memory_space<hbm>>) target_semaphore(%run_scoped3A : memref<!tpu.dma_semaphore, #tpu.memory_space<semaphore_mem>>)
      %dma_wait3A = arith.constant 0 : i32
      %dma_wait3A_69 = tpu.memref_slice %arg5[%arg0, %add3A_52, %dma_wait3A] : memref<2x10240x64xf32, #tpu.memory_space<hbm>> -> memref<1x64x64xf32, #tpu.memory_space<hbm>>
      %dma_wait3A_70 = tpu.memref_squeeze %dma_wait3A_69 : memref<1x64x64xf32, #tpu.memory_space<hbm>> -> memref<64x64xf32, #tpu.memory_space<hbm>>
      %dma_wait3A_71 = arith.constant 0 : i32
      %dma_wait3A_72 = tpu.memref_slice %arg12[%add3A_52, %dma_wait3A_71] : memref<10240x64xf32, #tpu.memory_space<vmem_shared>> -> memref<64x64xf32, #tpu.memory_space<vmem_shared>>
      tpu.wait_dma2 semaphore(%run_scoped3A : memref<!tpu.dma_semaphore, #tpu.memory_space<semaphore_mem>>) src(%dma_wait3A_72 : memref<64x64xf32, #tpu.memory_space<vmem_shared>>) dst(%dma_wait3A_70 : memref<64x64xf32, #tpu.memory_space<hbm>>)
      tpu.yield
    }) : () -> ()
    "tpu.region"() ({
      %run_scoped3A = tpu.sem_alloc : memref<!tpu.dma_semaphore, #tpu.memory_space<semaphore_mem>>
      %dma_start3A = arith.constant 0 : i32
      %dma_start3A_65 = tpu.memref_slice %arg6[%arg0, %add3A_52, %dma_start3A] : memref<2x10240x16xf32, #tpu.memory_space<hbm>> -> memref<1x64x16xf32, #tpu.memory_space<hbm>>
      %dma_start3A_66 = tpu.memref_squeeze %dma_start3A_65 : memref<1x64x16xf32, #tpu.memory_space<hbm>> -> memref<64x16xf32, #tpu.memory_space<hbm>>
      %dma_start3A_67 = arith.constant 0 : i32
      %dma_start3A_68 = tpu.memref_slice %arg15[%add3A_52, %dma_start3A_67] : memref<10240x16xf32, #tpu.memory_space<vmem_shared>> -> memref<64x16xf32, #tpu.memory_space<vmem_shared>>
      tpu.enqueue_dma source(%dma_start3A_68 : memref<64x16xf32, #tpu.memory_space<vmem_shared>>) target(%dma_start3A_66 : memref<64x16xf32, #tpu.memory_space<hbm>>) target_semaphore(%run_scoped3A : memref<!tpu.dma_semaphore, #tpu.memory_space<semaphore_mem>>)
      %dma_wait3A = arith.constant 0 : i32
      %dma_wait3A_69 = tpu.memref_slice %arg6[%arg0, %add3A_52, %dma_wait3A] : memref<2x10240x16xf32, #tpu.memory_space<hbm>> -> memref<1x64x16xf32, #tpu.memory_space<hbm>>
      %dma_wait3A_70 = tpu.memref_squeeze %dma_wait3A_69 : memref<1x64x16xf32, #tpu.memory_space<hbm>> -> memref<64x16xf32, #tpu.memory_space<hbm>>
      %dma_wait3A_71 = arith.constant 0 : i32
      %dma_wait3A_72 = tpu.memref_slice %arg15[%add3A_52, %dma_wait3A_71] : memref<10240x16xf32, #tpu.memory_space<vmem_shared>> -> memref<64x16xf32, #tpu.memory_space<vmem_shared>>
      tpu.wait_dma2 semaphore(%run_scoped3A : memref<!tpu.dma_semaphore, #tpu.memory_space<semaphore_mem>>) src(%dma_wait3A_72 : memref<64x16xf32, #tpu.memory_space<vmem_shared>>) dst(%dma_wait3A_70 : memref<64x16xf32, #tpu.memory_space<hbm>>)
      tpu.yield
    }) : () -> ()
    %add3A_53 = arith.constant 256 : i32
    %add3A_54 = arith.addi %mul3A_16, %add3A_53 : i32
    "tpu.region"() ({
      %run_scoped3A = tpu.sem_alloc : memref<!tpu.dma_semaphore, #tpu.memory_space<semaphore_mem>>
      %dma_start3A = arith.constant 0 : i32
      %dma_start3A_65 = tpu.memref_slice %arg5[%arg0, %add3A_54, %dma_start3A] : memref<2x10240x64xf32, #tpu.memory_space<hbm>> -> memref<1x64x64xf32, #tpu.memory_space<hbm>>
      %dma_start3A_66 = tpu.memref_squeeze %dma_start3A_65 : memref<1x64x64xf32, #tpu.memory_space<hbm>> -> memref<64x64xf32, #tpu.memory_space<hbm>>
      %dma_start3A_67 = arith.constant 0 : i32
      %dma_start3A_68 = tpu.memref_slice %arg12[%add3A_54, %dma_start3A_67] : memref<10240x64xf32, #tpu.memory_space<vmem_shared>> -> memref<64x64xf32, #tpu.memory_space<vmem_shared>>
      tpu.enqueue_dma source(%dma_start3A_68 : memref<64x64xf32, #tpu.memory_space<vmem_shared>>) target(%dma_start3A_66 : memref<64x64xf32, #tpu.memory_space<hbm>>) target_semaphore(%run_scoped3A : memref<!tpu.dma_semaphore, #tpu.memory_space<semaphore_mem>>)
      %dma_wait3A = arith.constant 0 : i32
      %dma_wait3A_69 = tpu.memref_slice %arg5[%arg0, %add3A_54, %dma_wait3A] : memref<2x10240x64xf32, #tpu.memory_space<hbm>> -> memref<1x64x64xf32, #tpu.memory_space<hbm>>
      %dma_wait3A_70 = tpu.memref_squeeze %dma_wait3A_69 : memref<1x64x64xf32, #tpu.memory_space<hbm>> -> memref<64x64xf32, #tpu.memory_space<hbm>>
      %dma_wait3A_71 = arith.constant 0 : i32
      %dma_wait3A_72 = tpu.memref_slice %arg12[%add3A_54, %dma_wait3A_71] : memref<10240x64xf32, #tpu.memory_space<vmem_shared>> -> memref<64x64xf32, #tpu.memory_space<vmem_shared>>
      tpu.wait_dma2 semaphore(%run_scoped3A : memref<!tpu.dma_semaphore, #tpu.memory_space<semaphore_mem>>) src(%dma_wait3A_72 : memref<64x64xf32, #tpu.memory_space<vmem_shared>>) dst(%dma_wait3A_70 : memref<64x64xf32, #tpu.memory_space<hbm>>)
      tpu.yield
    }) : () -> ()
    "tpu.region"() ({
      %run_scoped3A = tpu.sem_alloc : memref<!tpu.dma_semaphore, #tpu.memory_space<semaphore_mem>>
      %dma_start3A = arith.constant 0 : i32
      %dma_start3A_65 = tpu.memref_slice %arg6[%arg0, %add3A_54, %dma_start3A] : memref<2x10240x16xf32, #tpu.memory_space<hbm>> -> memref<1x64x16xf32, #tpu.memory_space<hbm>>
      %dma_start3A_66 = tpu.memref_squeeze %dma_start3A_65 : memref<1x64x16xf32, #tpu.memory_space<hbm>> -> memref<64x16xf32, #tpu.memory_space<hbm>>
      %dma_start3A_67 = arith.constant 0 : i32
      %dma_start3A_68 = tpu.memref_slice %arg15[%add3A_54, %dma_start3A_67] : memref<10240x16xf32, #tpu.memory_space<vmem_shared>> -> memref<64x16xf32, #tpu.memory_space<vmem_shared>>
      tpu.enqueue_dma source(%dma_start3A_68 : memref<64x16xf32, #tpu.memory_space<vmem_shared>>) target(%dma_start3A_66 : memref<64x16xf32, #tpu.memory_space<hbm>>) target_semaphore(%run_scoped3A : memref<!tpu.dma_semaphore, #tpu.memory_space<semaphore_mem>>)
      %dma_wait3A = arith.constant 0 : i32
      %dma_wait3A_69 = tpu.memref_slice %arg6[%arg0, %add3A_54, %dma_wait3A] : memref<2x10240x16xf32, #tpu.memory_space<hbm>> -> memref<1x64x16xf32, #tpu.memory_space<hbm>>
      %dma_wait3A_70 = tpu.memref_squeeze %dma_wait3A_69 : memref<1x64x16xf32, #tpu.memory_space<hbm>> -> memref<64x16xf32, #tpu.memory_space<hbm>>
      %dma_wait3A_71 = arith.constant 0 : i32
      %dma_wait3A_72 = tpu.memref_slice %arg15[%add3A_54, %dma_wait3A_71] : memref<10240x16xf32, #tpu.memory_space<vmem_shared>> -> memref<64x16xf32, #tpu.memory_space<vmem_shared>>
      tpu.wait_dma2 semaphore(%run_scoped3A : memref<!tpu.dma_semaphore, #tpu.memory_space<semaphore_mem>>) src(%dma_wait3A_72 : memref<64x16xf32, #tpu.memory_space<vmem_shared>>) dst(%dma_wait3A_70 : memref<64x16xf32, #tpu.memory_space<hbm>>)
      tpu.yield
    }) : () -> ()
    %add3A_55 = arith.constant 320 : i32
    %add3A_56 = arith.addi %mul3A_16, %add3A_55 : i32
    "tpu.region"() ({
      %run_scoped3A = tpu.sem_alloc : memref<!tpu.dma_semaphore, #tpu.memory_space<semaphore_mem>>
      %dma_start3A = arith.constant 0 : i32
      %dma_start3A_65 = tpu.memref_slice %arg5[%arg0, %add3A_56, %dma_start3A] : memref<2x10240x64xf32, #tpu.memory_space<hbm>> -> memref<1x64x64xf32, #tpu.memory_space<hbm>>
      %dma_start3A_66 = tpu.memref_squeeze %dma_start3A_65 : memref<1x64x64xf32, #tpu.memory_space<hbm>> -> memref<64x64xf32, #tpu.memory_space<hbm>>
      %dma_start3A_67 = arith.constant 0 : i32
      %dma_start3A_68 = tpu.memref_slice %arg12[%add3A_56, %dma_start3A_67] : memref<10240x64xf32, #tpu.memory_space<vmem_shared>> -> memref<64x64xf32, #tpu.memory_space<vmem_shared>>
      tpu.enqueue_dma source(%dma_start3A_68 : memref<64x64xf32, #tpu.memory_space<vmem_shared>>) target(%dma_start3A_66 : memref<64x64xf32, #tpu.memory_space<hbm>>) target_semaphore(%run_scoped3A : memref<!tpu.dma_semaphore, #tpu.memory_space<semaphore_mem>>)
      %dma_wait3A = arith.constant 0 : i32
      %dma_wait3A_69 = tpu.memref_slice %arg5[%arg0, %add3A_56, %dma_wait3A] : memref<2x10240x64xf32, #tpu.memory_space<hbm>> -> memref<1x64x64xf32, #tpu.memory_space<hbm>>
      %dma_wait3A_70 = tpu.memref_squeeze %dma_wait3A_69 : memref<1x64x64xf32, #tpu.memory_space<hbm>> -> memref<64x64xf32, #tpu.memory_space<hbm>>
      %dma_wait3A_71 = arith.constant 0 : i32
      %dma_wait3A_72 = tpu.memref_slice %arg12[%add3A_56, %dma_wait3A_71] : memref<10240x64xf32, #tpu.memory_space<vmem_shared>> -> memref<64x64xf32, #tpu.memory_space<vmem_shared>>
      tpu.wait_dma2 semaphore(%run_scoped3A : memref<!tpu.dma_semaphore, #tpu.memory_space<semaphore_mem>>) src(%dma_wait3A_72 : memref<64x64xf32, #tpu.memory_space<vmem_shared>>) dst(%dma_wait3A_70 : memref<64x64xf32, #tpu.memory_space<hbm>>)
      tpu.yield
    }) : () -> ()
    "tpu.region"() ({
      %run_scoped3A = tpu.sem_alloc : memref<!tpu.dma_semaphore, #tpu.memory_space<semaphore_mem>>
      %dma_start3A = arith.constant 0 : i32
      %dma_start3A_65 = tpu.memref_slice %arg6[%arg0, %add3A_56, %dma_start3A] : memref<2x10240x16xf32, #tpu.memory_space<hbm>> -> memref<1x64x16xf32, #tpu.memory_space<hbm>>
      %dma_start3A_66 = tpu.memref_squeeze %dma_start3A_65 : memref<1x64x16xf32, #tpu.memory_space<hbm>> -> memref<64x16xf32, #tpu.memory_space<hbm>>
      %dma_start3A_67 = arith.constant 0 : i32
      %dma_start3A_68 = tpu.memref_slice %arg15[%add3A_56, %dma_start3A_67] : memref<10240x16xf32, #tpu.memory_space<vmem_shared>> -> memref<64x16xf32, #tpu.memory_space<vmem_shared>>
      tpu.enqueue_dma source(%dma_start3A_68 : memref<64x16xf32, #tpu.memory_space<vmem_shared>>) target(%dma_start3A_66 : memref<64x16xf32, #tpu.memory_space<hbm>>) target_semaphore(%run_scoped3A : memref<!tpu.dma_semaphore, #tpu.memory_space<semaphore_mem>>)
      %dma_wait3A = arith.constant 0 : i32
      %dma_wait3A_69 = tpu.memref_slice %arg6[%arg0, %add3A_56, %dma_wait3A] : memref<2x10240x16xf32, #tpu.memory_space<hbm>> -> memref<1x64x16xf32, #tpu.memory_space<hbm>>
      %dma_wait3A_70 = tpu.memref_squeeze %dma_wait3A_69 : memref<1x64x16xf32, #tpu.memory_space<hbm>> -> memref<64x16xf32, #tpu.memory_space<hbm>>
      %dma_wait3A_71 = arith.constant 0 : i32
      %dma_wait3A_72 = tpu.memref_slice %arg15[%add3A_56, %dma_wait3A_71] : memref<10240x16xf32, #tpu.memory_space<vmem_shared>> -> memref<64x16xf32, #tpu.memory_space<vmem_shared>>
      tpu.wait_dma2 semaphore(%run_scoped3A : memref<!tpu.dma_semaphore, #tpu.memory_space<semaphore_mem>>) src(%dma_wait3A_72 : memref<64x16xf32, #tpu.memory_space<vmem_shared>>) dst(%dma_wait3A_70 : memref<64x16xf32, #tpu.memory_space<hbm>>)
      tpu.yield
    }) : () -> ()
    %add3A_57 = arith.constant 384 : i32
    %add3A_58 = arith.addi %mul3A_16, %add3A_57 : i32
    "tpu.region"() ({
      %run_scoped3A = tpu.sem_alloc : memref<!tpu.dma_semaphore, #tpu.memory_space<semaphore_mem>>
      %dma_start3A = arith.constant 0 : i32
      %dma_start3A_65 = tpu.memref_slice %arg5[%arg0, %add3A_58, %dma_start3A] : memref<2x10240x64xf32, #tpu.memory_space<hbm>> -> memref<1x64x64xf32, #tpu.memory_space<hbm>>
      %dma_start3A_66 = tpu.memref_squeeze %dma_start3A_65 : memref<1x64x64xf32, #tpu.memory_space<hbm>> -> memref<64x64xf32, #tpu.memory_space<hbm>>
      %dma_start3A_67 = arith.constant 0 : i32
      %dma_start3A_68 = tpu.memref_slice %arg12[%add3A_58, %dma_start3A_67] : memref<10240x64xf32, #tpu.memory_space<vmem_shared>> -> memref<64x64xf32, #tpu.memory_space<vmem_shared>>
      tpu.enqueue_dma source(%dma_start3A_68 : memref<64x64xf32, #tpu.memory_space<vmem_shared>>) target(%dma_start3A_66 : memref<64x64xf32, #tpu.memory_space<hbm>>) target_semaphore(%run_scoped3A : memref<!tpu.dma_semaphore, #tpu.memory_space<semaphore_mem>>)
      %dma_wait3A = arith.constant 0 : i32
      %dma_wait3A_69 = tpu.memref_slice %arg5[%arg0, %add3A_58, %dma_wait3A] : memref<2x10240x64xf32, #tpu.memory_space<hbm>> -> memref<1x64x64xf32, #tpu.memory_space<hbm>>
      %dma_wait3A_70 = tpu.memref_squeeze %dma_wait3A_69 : memref<1x64x64xf32, #tpu.memory_space<hbm>> -> memref<64x64xf32, #tpu.memory_space<hbm>>
      %dma_wait3A_71 = arith.constant 0 : i32
      %dma_wait3A_72 = tpu.memref_slice %arg12[%add3A_58, %dma_wait3A_71] : memref<10240x64xf32, #tpu.memory_space<vmem_shared>> -> memref<64x64xf32, #tpu.memory_space<vmem_shared>>
      tpu.wait_dma2 semaphore(%run_scoped3A : memref<!tpu.dma_semaphore, #tpu.memory_space<semaphore_mem>>) src(%dma_wait3A_72 : memref<64x64xf32, #tpu.memory_space<vmem_shared>>) dst(%dma_wait3A_70 : memref<64x64xf32, #tpu.memory_space<hbm>>)
      tpu.yield
    }) : () -> ()
    "tpu.region"() ({
      %run_scoped3A = tpu.sem_alloc : memref<!tpu.dma_semaphore, #tpu.memory_space<semaphore_mem>>
      %dma_start3A = arith.constant 0 : i32
      %dma_start3A_65 = tpu.memref_slice %arg6[%arg0, %add3A_58, %dma_start3A] : memref<2x10240x16xf32, #tpu.memory_space<hbm>> -> memref<1x64x16xf32, #tpu.memory_space<hbm>>
      %dma_start3A_66 = tpu.memref_squeeze %dma_start3A_65 : memref<1x64x16xf32, #tpu.memory_space<hbm>> -> memref<64x16xf32, #tpu.memory_space<hbm>>
      %dma_start3A_67 = arith.constant 0 : i32
      %dma_start3A_68 = tpu.memref_slice %arg15[%add3A_58, %dma_start3A_67] : memref<10240x16xf32, #tpu.memory_space<vmem_shared>> -> memref<64x16xf32, #tpu.memory_space<vmem_shared>>
      tpu.enqueue_dma source(%dma_start3A_68 : memref<64x16xf32, #tpu.memory_space<vmem_shared>>) target(%dma_start3A_66 : memref<64x16xf32, #tpu.memory_space<hbm>>) target_semaphore(%run_scoped3A : memref<!tpu.dma_semaphore, #tpu.memory_space<semaphore_mem>>)
      %dma_wait3A = arith.constant 0 : i32
      %dma_wait3A_69 = tpu.memref_slice %arg6[%arg0, %add3A_58, %dma_wait3A] : memref<2x10240x16xf32, #tpu.memory_space<hbm>> -> memref<1x64x16xf32, #tpu.memory_space<hbm>>
      %dma_wait3A_70 = tpu.memref_squeeze %dma_wait3A_69 : memref<1x64x16xf32, #tpu.memory_space<hbm>> -> memref<64x16xf32, #tpu.memory_space<hbm>>
      %dma_wait3A_71 = arith.constant 0 : i32
      %dma_wait3A_72 = tpu.memref_slice %arg15[%add3A_58, %dma_wait3A_71] : memref<10240x16xf32, #tpu.memory_space<vmem_shared>> -> memref<64x16xf32, #tpu.memory_space<vmem_shared>>
      tpu.wait_dma2 semaphore(%run_scoped3A : memref<!tpu.dma_semaphore, #tpu.memory_space<semaphore_mem>>) src(%dma_wait3A_72 : memref<64x16xf32, #tpu.memory_space<vmem_shared>>) dst(%dma_wait3A_70 : memref<64x16xf32, #tpu.memory_space<hbm>>)
      tpu.yield
    }) : () -> ()
    %add3A_59 = arith.constant 448 : i32
    %add3A_60 = arith.addi %mul3A_16, %add3A_59 : i32
    "tpu.region"() ({
      %run_scoped3A = tpu.sem_alloc : memref<!tpu.dma_semaphore, #tpu.memory_space<semaphore_mem>>
      %dma_start3A = arith.constant 0 : i32
      %dma_start3A_65 = tpu.memref_slice %arg5[%arg0, %add3A_60, %dma_start3A] : memref<2x10240x64xf32, #tpu.memory_space<hbm>> -> memref<1x64x64xf32, #tpu.memory_space<hbm>>
      %dma_start3A_66 = tpu.memref_squeeze %dma_start3A_65 : memref<1x64x64xf32, #tpu.memory_space<hbm>> -> memref<64x64xf32, #tpu.memory_space<hbm>>
      %dma_start3A_67 = arith.constant 0 : i32
      %dma_start3A_68 = tpu.memref_slice %arg12[%add3A_60, %dma_start3A_67] : memref<10240x64xf32, #tpu.memory_space<vmem_shared>> -> memref<64x64xf32, #tpu.memory_space<vmem_shared>>
      tpu.enqueue_dma source(%dma_start3A_68 : memref<64x64xf32, #tpu.memory_space<vmem_shared>>) target(%dma_start3A_66 : memref<64x64xf32, #tpu.memory_space<hbm>>) target_semaphore(%run_scoped3A : memref<!tpu.dma_semaphore, #tpu.memory_space<semaphore_mem>>)
      %dma_wait3A = arith.constant 0 : i32
      %dma_wait3A_69 = tpu.memref_slice %arg5[%arg0, %add3A_60, %dma_wait3A] : memref<2x10240x64xf32, #tpu.memory_space<hbm>> -> memref<1x64x64xf32, #tpu.memory_space<hbm>>
      %dma_wait3A_70 = tpu.memref_squeeze %dma_wait3A_69 : memref<1x64x64xf32, #tpu.memory_space<hbm>> -> memref<64x64xf32, #tpu.memory_space<hbm>>
      %dma_wait3A_71 = arith.constant 0 : i32
      %dma_wait3A_72 = tpu.memref_slice %arg12[%add3A_60, %dma_wait3A_71] : memref<10240x64xf32, #tpu.memory_space<vmem_shared>> -> memref<64x64xf32, #tpu.memory_space<vmem_shared>>
      tpu.wait_dma2 semaphore(%run_scoped3A : memref<!tpu.dma_semaphore, #tpu.memory_space<semaphore_mem>>) src(%dma_wait3A_72 : memref<64x64xf32, #tpu.memory_space<vmem_shared>>) dst(%dma_wait3A_70 : memref<64x64xf32, #tpu.memory_space<hbm>>)
      tpu.yield
    }) : () -> ()
    "tpu.region"() ({
      %run_scoped3A = tpu.sem_alloc : memref<!tpu.dma_semaphore, #tpu.memory_space<semaphore_mem>>
      %dma_start3A = arith.constant 0 : i32
      %dma_start3A_65 = tpu.memref_slice %arg6[%arg0, %add3A_60, %dma_start3A] : memref<2x10240x16xf32, #tpu.memory_space<hbm>> -> memref<1x64x16xf32, #tpu.memory_space<hbm>>
      %dma_start3A_66 = tpu.memref_squeeze %dma_start3A_65 : memref<1x64x16xf32, #tpu.memory_space<hbm>> -> memref<64x16xf32, #tpu.memory_space<hbm>>
      %dma_start3A_67 = arith.constant 0 : i32
      %dma_start3A_68 = tpu.memref_slice %arg15[%add3A_60, %dma_start3A_67] : memref<10240x16xf32, #tpu.memory_space<vmem_shared>> -> memref<64x16xf32, #tpu.memory_space<vmem_shared>>
      tpu.enqueue_dma source(%dma_start3A_68 : memref<64x16xf32, #tpu.memory_space<vmem_shared>>) target(%dma_start3A_66 : memref<64x16xf32, #tpu.memory_space<hbm>>) target_semaphore(%run_scoped3A : memref<!tpu.dma_semaphore, #tpu.memory_space<semaphore_mem>>)
      %dma_wait3A = arith.constant 0 : i32
      %dma_wait3A_69 = tpu.memref_slice %arg6[%arg0, %add3A_60, %dma_wait3A] : memref<2x10240x16xf32, #tpu.memory_space<hbm>> -> memref<1x64x16xf32, #tpu.memory_space<hbm>>
      %dma_wait3A_70 = tpu.memref_squeeze %dma_wait3A_69 : memref<1x64x16xf32, #tpu.memory_space<hbm>> -> memref<64x16xf32, #tpu.memory_space<hbm>>
      %dma_wait3A_71 = arith.constant 0 : i32
      %dma_wait3A_72 = tpu.memref_slice %arg15[%add3A_60, %dma_wait3A_71] : memref<10240x16xf32, #tpu.memory_space<vmem_shared>> -> memref<64x16xf32, #tpu.memory_space<vmem_shared>>
      tpu.wait_dma2 semaphore(%run_scoped3A : memref<!tpu.dma_semaphore, #tpu.memory_space<semaphore_mem>>) src(%dma_wait3A_72 : memref<64x16xf32, #tpu.memory_space<vmem_shared>>) dst(%dma_wait3A_70 : memref<64x16xf32, #tpu.memory_space<hbm>>)
      tpu.yield
    }) : () -> ()
    %add3A_61 = arith.constant 512 : i32
    %add3A_62 = arith.addi %mul3A_16, %add3A_61 : i32
    "tpu.region"() ({
      %run_scoped3A = tpu.sem_alloc : memref<!tpu.dma_semaphore, #tpu.memory_space<semaphore_mem>>
      %dma_start3A = arith.constant 0 : i32
      %dma_start3A_65 = tpu.memref_slice %arg5[%arg0, %add3A_62, %dma_start3A] : memref<2x10240x64xf32, #tpu.memory_space<hbm>> -> memref<1x64x64xf32, #tpu.memory_space<hbm>>
      %dma_start3A_66 = tpu.memref_squeeze %dma_start3A_65 : memref<1x64x64xf32, #tpu.memory_space<hbm>> -> memref<64x64xf32, #tpu.memory_space<hbm>>
      %dma_start3A_67 = arith.constant 0 : i32
      %dma_start3A_68 = tpu.memref_slice %arg12[%add3A_62, %dma_start3A_67] : memref<10240x64xf32, #tpu.memory_space<vmem_shared>> -> memref<64x64xf32, #tpu.memory_space<vmem_shared>>
      tpu.enqueue_dma source(%dma_start3A_68 : memref<64x64xf32, #tpu.memory_space<vmem_shared>>) target(%dma_start3A_66 : memref<64x64xf32, #tpu.memory_space<hbm>>) target_semaphore(%run_scoped3A : memref<!tpu.dma_semaphore, #tpu.memory_space<semaphore_mem>>)
      %dma_wait3A = arith.constant 0 : i32
      %dma_wait3A_69 = tpu.memref_slice %arg5[%arg0, %add3A_62, %dma_wait3A] : memref<2x10240x64xf32, #tpu.memory_space<hbm>> -> memref<1x64x64xf32, #tpu.memory_space<hbm>>
      %dma_wait3A_70 = tpu.memref_squeeze %dma_wait3A_69 : memref<1x64x64xf32, #tpu.memory_space<hbm>> -> memref<64x64xf32, #tpu.memory_space<hbm>>
      %dma_wait3A_71 = arith.constant 0 : i32
      %dma_wait3A_72 = tpu.memref_slice %arg12[%add3A_62, %dma_wait3A_71] : memref<10240x64xf32, #tpu.memory_space<vmem_shared>> -> memref<64x64xf32, #tpu.memory_space<vmem_shared>>
      tpu.wait_dma2 semaphore(%run_scoped3A : memref<!tpu.dma_semaphore, #tpu.memory_space<semaphore_mem>>) src(%dma_wait3A_72 : memref<64x64xf32, #tpu.memory_space<vmem_shared>>) dst(%dma_wait3A_70 : memref<64x64xf32, #tpu.memory_space<hbm>>)
      tpu.yield
    }) : () -> ()
    "tpu.region"() ({
      %run_scoped3A = tpu.sem_alloc : memref<!tpu.dma_semaphore, #tpu.memory_space<semaphore_mem>>
      %dma_start3A = arith.constant 0 : i32
      %dma_start3A_65 = tpu.memref_slice %arg6[%arg0, %add3A_62, %dma_start3A] : memref<2x10240x16xf32, #tpu.memory_space<hbm>> -> memref<1x64x16xf32, #tpu.memory_space<hbm>>
      %dma_start3A_66 = tpu.memref_squeeze %dma_start3A_65 : memref<1x64x16xf32, #tpu.memory_space<hbm>> -> memref<64x16xf32, #tpu.memory_space<hbm>>
      %dma_start3A_67 = arith.constant 0 : i32
      %dma_start3A_68 = tpu.memref_slice %arg15[%add3A_62, %dma_start3A_67] : memref<10240x16xf32, #tpu.memory_space<vmem_shared>> -> memref<64x16xf32, #tpu.memory_space<vmem_shared>>
      tpu.enqueue_dma source(%dma_start3A_68 : memref<64x16xf32, #tpu.memory_space<vmem_shared>>) target(%dma_start3A_66 : memref<64x16xf32, #tpu.memory_space<hbm>>) target_semaphore(%run_scoped3A : memref<!tpu.dma_semaphore, #tpu.memory_space<semaphore_mem>>)
      %dma_wait3A = arith.constant 0 : i32
      %dma_wait3A_69 = tpu.memref_slice %arg6[%arg0, %add3A_62, %dma_wait3A] : memref<2x10240x16xf32, #tpu.memory_space<hbm>> -> memref<1x64x16xf32, #tpu.memory_space<hbm>>
      %dma_wait3A_70 = tpu.memref_squeeze %dma_wait3A_69 : memref<1x64x16xf32, #tpu.memory_space<hbm>> -> memref<64x16xf32, #tpu.memory_space<hbm>>
      %dma_wait3A_71 = arith.constant 0 : i32
      %dma_wait3A_72 = tpu.memref_slice %arg15[%add3A_62, %dma_wait3A_71] : memref<10240x16xf32, #tpu.memory_space<vmem_shared>> -> memref<64x16xf32, #tpu.memory_space<vmem_shared>>
      tpu.wait_dma2 semaphore(%run_scoped3A : memref<!tpu.dma_semaphore, #tpu.memory_space<semaphore_mem>>) src(%dma_wait3A_72 : memref<64x16xf32, #tpu.memory_space<vmem_shared>>) dst(%dma_wait3A_70 : memref<64x16xf32, #tpu.memory_space<hbm>>)
      tpu.yield
    }) : () -> ()
    %add3A_63 = arith.constant 576 : i32
    %add3A_64 = arith.addi %mul3A_16, %add3A_63 : i32
    "tpu.region"() ({
      %run_scoped3A = tpu.sem_alloc : memref<!tpu.dma_semaphore, #tpu.memory_space<semaphore_mem>>
      %dma_start3A = arith.constant 0 : i32
      %dma_start3A_65 = tpu.memref_slice %arg5[%arg0, %add3A_64, %dma_start3A] : memref<2x10240x64xf32, #tpu.memory_space<hbm>> -> memref<1x64x64xf32, #tpu.memory_space<hbm>>
      %dma_start3A_66 = tpu.memref_squeeze %dma_start3A_65 : memref<1x64x64xf32, #tpu.memory_space<hbm>> -> memref<64x64xf32, #tpu.memory_space<hbm>>
      %dma_start3A_67 = arith.constant 0 : i32
      %dma_start3A_68 = tpu.memref_slice %arg12[%add3A_64, %dma_start3A_67] : memref<10240x64xf32, #tpu.memory_space<vmem_shared>> -> memref<64x64xf32, #tpu.memory_space<vmem_shared>>
      tpu.enqueue_dma source(%dma_start3A_68 : memref<64x64xf32, #tpu.memory_space<vmem_shared>>) target(%dma_start3A_66 : memref<64x64xf32, #tpu.memory_space<hbm>>) target_semaphore(%run_scoped3A : memref<!tpu.dma_semaphore, #tpu.memory_space<semaphore_mem>>)
      %dma_wait3A = arith.constant 0 : i32
      %dma_wait3A_69 = tpu.memref_slice %arg5[%arg0, %add3A_64, %dma_wait3A] : memref<2x10240x64xf32, #tpu.memory_space<hbm>> -> memref<1x64x64xf32, #tpu.memory_space<hbm>>
      %dma_wait3A_70 = tpu.memref_squeeze %dma_wait3A_69 : memref<1x64x64xf32, #tpu.memory_space<hbm>> -> memref<64x64xf32, #tpu.memory_space<hbm>>
      %dma_wait3A_71 = arith.constant 0 : i32
      %dma_wait3A_72 = tpu.memref_slice %arg12[%add3A_64, %dma_wait3A_71] : memref<10240x64xf32, #tpu.memory_space<vmem_shared>> -> memref<64x64xf32, #tpu.memory_space<vmem_shared>>
      tpu.wait_dma2 semaphore(%run_scoped3A : memref<!tpu.dma_semaphore, #tpu.memory_space<semaphore_mem>>) src(%dma_wait3A_72 : memref<64x64xf32, #tpu.memory_space<vmem_shared>>) dst(%dma_wait3A_70 : memref<64x64xf32, #tpu.memory_space<hbm>>)
      tpu.yield
    }) : () -> ()
    "tpu.region"() ({
      %run_scoped3A = tpu.sem_alloc : memref<!tpu.dma_semaphore, #tpu.memory_space<semaphore_mem>>
      %dma_start3A = arith.constant 0 : i32
      %dma_start3A_65 = tpu.memref_slice %arg6[%arg0, %add3A_64, %dma_start3A] : memref<2x10240x16xf32, #tpu.memory_space<hbm>> -> memref<1x64x16xf32, #tpu.memory_space<hbm>>
      %dma_start3A_66 = tpu.memref_squeeze %dma_start3A_65 : memref<1x64x16xf32, #tpu.memory_space<hbm>> -> memref<64x16xf32, #tpu.memory_space<hbm>>
      %dma_start3A_67 = arith.constant 0 : i32
      %dma_start3A_68 = tpu.memref_slice %arg15[%add3A_64, %dma_start3A_67] : memref<10240x16xf32, #tpu.memory_space<vmem_shared>> -> memref<64x16xf32, #tpu.memory_space<vmem_shared>>
      tpu.enqueue_dma source(%dma_start3A_68 : memref<64x16xf32, #tpu.memory_space<vmem_shared>>) target(%dma_start3A_66 : memref<64x16xf32, #tpu.memory_space<hbm>>) target_semaphore(%run_scoped3A : memref<!tpu.dma_semaphore, #tpu.memory_space<semaphore_mem>>)
      %dma_wait3A = arith.constant 0 : i32
      %dma_wait3A_69 = tpu.memref_slice %arg6[%arg0, %add3A_64, %dma_wait3A] : memref<2x10240x16xf32, #tpu.memory_space<hbm>> -> memref<1x64x16xf32, #tpu.memory_space<hbm>>
      %dma_wait3A_70 = tpu.memref_squeeze %dma_wait3A_69 : memref<1x64x16xf32, #tpu.memory_space<hbm>> -> memref<64x16xf32, #tpu.memory_space<hbm>>
      %dma_wait3A_71 = arith.constant 0 : i32
      %dma_wait3A_72 = tpu.memref_slice %arg15[%add3A_64, %dma_wait3A_71] : memref<10240x16xf32, #tpu.memory_space<vmem_shared>> -> memref<64x16xf32, #tpu.memory_space<vmem_shared>>
      tpu.wait_dma2 semaphore(%run_scoped3A : memref<!tpu.dma_semaphore, #tpu.memory_space<semaphore_mem>>) src(%dma_wait3A_72 : memref<64x16xf32, #tpu.memory_space<vmem_shared>>) dst(%dma_wait3A_70 : memref<64x16xf32, #tpu.memory_space<hbm>>)
      tpu.yield
    }) : () -> ()
    return
  }
}

module attributes {stable_mosaic.version = 14 : i64} {
  func.func @_tc_proj1(%arg0: memref<10000x128xf32, #tpu.memory_space<vmem>>, %arg1: memref<128x128xf32, #tpu.memory_space<vmem>>, %arg2: memref<1x64xf32, #tpu.memory_space<vmem>>, %arg3: memref<10240x64xf32, #tpu.memory_space<vmem>>, %arg4: memref<10000x64xf32, #tpu.memory_space<vmem>>) attributes {dimension_semantics = [], scalar_prefetch = 0 : i64, scratch_operands = 0 : i64, tpu.core_type = #tpu.core_type<tc>} {
    %get3A = arith.constant 0 : index
    %get3A_0 = arith.constant 0 : index
    %get3A_1 = vector.load %arg0[%get3A, %get3A_0] : memref<10000x128xf32, #tpu.memory_space<vmem>>, vector<10000x128xf32>
    %get3A_2 = arith.constant 0 : index
    %get3A_3 = arith.constant 0 : index
    %get3A_4 = vector.load %arg1[%get3A_2, %get3A_3] : memref<128x128xf32, #tpu.memory_space<vmem>>, vector<128x128xf32>
    %dot_general3A = arith.constant dense<0.000000e+00> : vector<10000x128xf32>
    %dot_general3A_5 = tpu.matmul %get3A_1, %get3A_4, %dot_general3A {dimension_numbers = #tpu.dot_dimension_numbers<[1], [0], [0], [1], [0, 0, 1, 1], [], []>, transpose_lhs_hint = false} : vector<10000x128xf32>, vector<128x128xf32>, vector<10000x128xf32> -> vector<10000x128xf32>
    %slice3A = vector.extract_strided_slice %dot_general3A_5 {offsets = [0, 0], sizes = [10000, 64], strides = [1, 1]} : vector<10000x128xf32> to vector<10000x64xf32>
    %jit3A = arith.constant 0 : i32
    %convert_element_type3A = arith.sitofp %jit3A : i32 to f32
    %pad3A = vector.broadcast %convert_element_type3A : f32 to vector<240x64xf32>
    %pad3A_6 = tpu.concatenate %slice3A, %pad3A in 0 : vector<10000x64xf32>, vector<240x64xf32> -> vector<10240x64xf32>
    %swap3A = arith.constant 0 : index
    %swap3A_7 = arith.constant 0 : index
    %swap3A_8 = vector.load %arg3[%swap3A, %swap3A_7] : memref<10240x64xf32, #tpu.memory_space<vmem>>, vector<10240x64xf32>
    tpu.vector_store %arg3[%swap3A, %swap3A_7], %pad3A_6 {strides = array<i32>} : memref<10240x64xf32, #tpu.memory_space<vmem>>, vector<10240x64xf32>,
    %slice3A_9 = vector.extract_strided_slice %dot_general3A_5 {offsets = [0, 64], sizes = [10000, 64], strides = [1, 1]} : vector<10000x128xf32> to vector<10000x64xf32>
    %get3A_10 = arith.constant 0 : index
    %get3A_11 = arith.constant 0 : index
    %get3A_12 = vector.load %arg2[%get3A_10, %get3A_11] : memref<1x64xf32, #tpu.memory_space<vmem>>, vector<1x64xf32>
    %add3A = vector.broadcast %get3A_12 : vector<1x64xf32> to vector<10000x64xf32>
    %add3A_13 = arith.addf %slice3A_9, %add3A : vector<10000x64xf32>
    %swap3A_14 = arith.constant 0 : index
    %swap3A_15 = arith.constant 0 : index
    %swap3A_16 = vector.load %arg4[%swap3A_14, %swap3A_15] : memref<10000x64xf32, #tpu.memory_space<vmem>>, vector<10000x64xf32>
    tpu.vector_store %arg4[%swap3A_14, %swap3A_15], %add3A_13 {strides = array<i32>} : memref<10000x64xf32, #tpu.memory_space<vmem>>, vector<10000x64xf32>,
    return
  }
}

module attributes {stable_mosaic.version = 14 : i64} {
  func.func @_tc_mid(%arg0: memref<2x10240x64xf32, #tpu.memory_space<vmem>>, %arg1: memref<2x10240x16xf32, #tpu.memory_space<vmem>>, %arg2: memref<10000x64xf32, #tpu.memory_space<vmem>>, %arg3: memref<10240x64xf32, #tpu.memory_space<vmem>>) attributes {dimension_semantics = [], scalar_prefetch = 0 : i64, scratch_operands = 0 : i64, tpu.core_type = #tpu.core_type<tc>} {
    %get3A = arith.constant 0 : index
    %get3A_0 = arith.constant 0 : index
    %get3A_1 = arith.constant 0 : index
    %get3A_2 = vector.load %arg0[%get3A, %get3A_0, %get3A_1] : memref<2x10240x64xf32, #tpu.memory_space<vmem>>, vector<1x10000x64xf32>
    %get3A_3 = vector.shape_cast %get3A_2 : vector<1x10000x64xf32> to vector<10000x64xf32>
    %get3A_4 = arith.constant 1 : index
    %get3A_5 = arith.constant 0 : index
    %get3A_6 = arith.constant 0 : index
    %get3A_7 = vector.load %arg0[%get3A_4, %get3A_5, %get3A_6] : memref<2x10240x64xf32, #tpu.memory_space<vmem>>, vector<1x10000x64xf32>
    %get3A_8 = vector.shape_cast %get3A_7 : vector<1x10000x64xf32> to vector<10000x64xf32>
    %add3A = arith.addf %get3A_3, %get3A_8 : vector<10000x64xf32>
    %get3A_9 = arith.constant 0 : index
    %get3A_10 = arith.constant 0 : index
    %get3A_11 = arith.constant 0 : index
    %get3A_12 = vector.load %arg1[%get3A_9, %get3A_10, %get3A_11] : memref<2x10240x16xf32, #tpu.memory_space<vmem>>, vector<1x10000x1xf32>
    %get3A_13 = vector.shape_cast %get3A_12 : vector<1x10000x1xf32> to vector<10000x1xf32>
    %get3A_14 = arith.constant 1 : index
    %get3A_15 = arith.constant 0 : index
    %get3A_16 = arith.constant 0 : index
    %get3A_17 = vector.load %arg1[%get3A_14, %get3A_15, %get3A_16] : memref<2x10240x16xf32, #tpu.memory_space<vmem>>, vector<1x10000x1xf32>
    %get3A_18 = vector.shape_cast %get3A_17 : vector<1x10000x1xf32> to vector<10000x1xf32>
    %add3A_19 = arith.addf %get3A_13, %get3A_18 : vector<10000x1xf32>
    %max3A = arith.constant 1.000000e+00 : f32
    %max3A_20 = vector.broadcast %max3A : f32 to vector<10000x1xf32>
    %max3A_21 = arith.maximumf %add3A_19, %max3A_20 : vector<10000x1xf32>
    %div3A = vector.broadcast %max3A_21 : vector<10000x1xf32> to vector<10000x64xf32>
    %div3A_22 = arith.divf %add3A, %div3A : vector<10000x64xf32>
    %get3A_23 = arith.constant 0 : index
    %get3A_24 = arith.constant 0 : index
    %get3A_25 = vector.load %arg2[%get3A_23, %get3A_24] : memref<10000x64xf32, #tpu.memory_space<vmem>>, vector<10000x64xf32>
    %add3A_26 = arith.addf %div3A_22, %get3A_25 : vector<10000x64xf32>
    %reduce_sum3A = arith.constant dense<0.000000e+00> : vector<64xf32>
    %reduce_sum3A_27 = vector.multi_reduction <add>, %add3A_26, %reduce_sum3A [0] : vector<10000x64xf32> to vector<64xf32>
    %broadcast_in_dim3A = vector.shape_cast %reduce_sum3A_27 : vector<64xf32> to vector<1x64xf32>
    %div3A_28 = arith.constant 1.000000e+04 : f32
    %div3A_29 = vector.broadcast %div3A_28 : f32 to vector<1x64xf32>
    %div3A_30 = arith.divf %broadcast_in_dim3A, %div3A_29 : vector<1x64xf32>
    %mul3A = arith.mulf %add3A_26, %add3A_26 : vector<10000x64xf32>
    %reduce_sum3A_31 = arith.constant dense<0.000000e+00> : vector<10000xf32>
    %reduce_sum3A_32 = vector.multi_reduction <add>, %mul3A, %reduce_sum3A_31 [1] : vector<10000x64xf32> to vector<10000xf32>
    %broadcast_in_dim3A_33 = vector.shape_cast %reduce_sum3A_32 : vector<10000xf32> to vector<10000x1xf32>
    %add3A_34 = arith.constant 9.99999997E-7 : f32
    %add3A_35 = vector.broadcast %add3A_34 : f32 to vector<10000x1xf32>
    %add3A_36 = arith.addf %add3A_35, %broadcast_in_dim3A_33 : vector<10000x1xf32>
    %sqrt3A = math.sqrt %add3A_36 : vector<10000x1xf32>
    %div3A_37 = vector.broadcast %sqrt3A : vector<10000x1xf32> to vector<10000x64xf32>
    %div3A_38 = arith.divf %add3A_26, %div3A_37 : vector<10000x64xf32>
    %sub3A = vector.broadcast %div3A_30 : vector<1x64xf32> to vector<10000x64xf32>
    %sub3A_39 = arith.subf %div3A_38, %sub3A : vector<10000x64xf32>
    %max3A_40 = arith.constant 0.000000e+00 : f32
    %max3A_41 = vector.broadcast %max3A_40 : f32 to vector<10000x64xf32>
    %max3A_42 = arith.maximumf %sub3A_39, %max3A_41 : vector<10000x64xf32>
    %jit3A = arith.constant 0 : i32
    %convert_element_type3A = arith.sitofp %jit3A : i32 to f32
    %pad3A = vector.broadcast %convert_element_type3A : f32 to vector<240x64xf32>
    %pad3A_43 = tpu.concatenate %max3A_42, %pad3A in 0 : vector<10000x64xf32>, vector<240x64xf32> -> vector<10240x64xf32>
    %swap3A = arith.constant 0 : index
    %swap3A_44 = arith.constant 0 : index
    %swap3A_45 = vector.load %arg3[%swap3A, %swap3A_44] : memref<10240x64xf32, #tpu.memory_space<vmem>>, vector<10240x64xf32>
    tpu.vector_store %arg3[%swap3A, %swap3A_44], %pad3A_43 {strides = array<i32>} : memref<10240x64xf32, #tpu.memory_space<vmem>>, vector<10240x64xf32>,
    return
  }
}

module attributes {stable_mosaic.version = 14 : i64} {
  func.func @_tc_out(%arg0: memref<2x10240x64xf32, #tpu.memory_space<vmem>>, %arg1: memref<2x10240x16xf32, #tpu.memory_space<vmem>>, %arg2: memref<10240x64xf32, #tpu.memory_space<vmem>>, %arg3: memref<64x128xf32, #tpu.memory_space<vmem>>, %arg4: memref<64x128xf32, #tpu.memory_space<vmem>>, %arg5: memref<1x128xf32, #tpu.memory_space<vmem>>, %arg6: memref<10000x128xf32, #tpu.memory_space<vmem>>) attributes {dimension_semantics = [], scalar_prefetch = 0 : i64, scratch_operands = 0 : i64, tpu.core_type = #tpu.core_type<tc>} {
    %get3A = arith.constant 0 : index
    %get3A_0 = arith.constant 0 : index
    %get3A_1 = arith.constant 0 : index
    %get3A_2 = vector.load %arg0[%get3A, %get3A_0, %get3A_1] : memref<2x10240x64xf32, #tpu.memory_space<vmem>>, vector<1x10000x64xf32>
    %get3A_3 = vector.shape_cast %get3A_2 : vector<1x10000x64xf32> to vector<10000x64xf32>
    %get3A_4 = arith.constant 1 : index
    %get3A_5 = arith.constant 0 : index
    %get3A_6 = arith.constant 0 : index
    %get3A_7 = vector.load %arg0[%get3A_4, %get3A_5, %get3A_6] : memref<2x10240x64xf32, #tpu.memory_space<vmem>>, vector<1x10000x64xf32>
    %get3A_8 = vector.shape_cast %get3A_7 : vector<1x10000x64xf32> to vector<10000x64xf32>
    %add3A = arith.addf %get3A_3, %get3A_8 : vector<10000x64xf32>
    %get3A_9 = arith.constant 0 : index
    %get3A_10 = arith.constant 0 : index
    %get3A_11 = arith.constant 0 : index
    %get3A_12 = vector.load %arg1[%get3A_9, %get3A_10, %get3A_11] : memref<2x10240x16xf32, #tpu.memory_space<vmem>>, vector<1x10000x1xf32>
    %get3A_13 = vector.shape_cast %get3A_12 : vector<1x10000x1xf32> to vector<10000x1xf32>
    %get3A_14 = arith.constant 1 : index
    %get3A_15 = arith.constant 0 : index
    %get3A_16 = arith.constant 0 : index
    %get3A_17 = vector.load %arg1[%get3A_14, %get3A_15, %get3A_16] : memref<2x10240x16xf32, #tpu.memory_space<vmem>>, vector<1x10000x1xf32>
    %get3A_18 = vector.shape_cast %get3A_17 : vector<1x10000x1xf32> to vector<10000x1xf32>
    %add3A_19 = arith.addf %get3A_13, %get3A_18 : vector<10000x1xf32>
    %max3A = arith.constant 1.000000e+00 : f32
    %max3A_20 = vector.broadcast %max3A : f32 to vector<10000x1xf32>
    %max3A_21 = arith.maximumf %add3A_19, %max3A_20 : vector<10000x1xf32>
    %div3A = vector.broadcast %max3A_21 : vector<10000x1xf32> to vector<10000x64xf32>
    %div3A_22 = arith.divf %add3A, %div3A : vector<10000x64xf32>
    %get3A_23 = arith.constant 0 : index
    %get3A_24 = arith.constant 0 : index
    %get3A_25 = vector.load %arg3[%get3A_23, %get3A_24] : memref<64x128xf32, #tpu.memory_space<vmem>>, vector<64x128xf32>
    %dot_general3A = arith.constant dense<0.000000e+00> : vector<10000x128xf32>
    %dot_general3A_26 = tpu.matmul %div3A_22, %get3A_25, %dot_general3A {dimension_numbers = #tpu.dot_dimension_numbers<[1], [0], [0], [1], [0, 0, 1, 1], [], []>, transpose_lhs_hint = false} : vector<10000x64xf32>, vector<64x128xf32>, vector<10000x128xf32> -> vector<10000x128xf32>
    %get3A_27 = arith.constant 0 : index
    %get3A_28 = arith.constant 0 : index
    %get3A_29 = vector.load %arg2[%get3A_27, %get3A_28] : memref<10240x64xf32, #tpu.memory_space<vmem>>, vector<10000x64xf32>
    %get3A_30 = arith.constant 0 : index
    %get3A_31 = arith.constant 0 : index
    %get3A_32 = vector.load %arg4[%get3A_30, %get3A_31] : memref<64x128xf32, #tpu.memory_space<vmem>>, vector<64x128xf32>
    %dot_general3A_33 = arith.constant dense<0.000000e+00> : vector<10000x128xf32>
    %dot_general3A_34 = tpu.matmul %get3A_29, %get3A_32, %dot_general3A_33 {dimension_numbers = #tpu.dot_dimension_numbers<[1], [0], [0], [1], [0, 0, 1, 1], [], []>, transpose_lhs_hint = false} : vector<10000x64xf32>, vector<64x128xf32>, vector<10000x128xf32> -> vector<10000x128xf32>
    %add3A_35 = arith.addf %dot_general3A_26, %dot_general3A_34 : vector<10000x128xf32>
    %get3A_36 = arith.constant 0 : index
    %get3A_37 = arith.constant 0 : index
    %get3A_38 = vector.load %arg5[%get3A_36, %get3A_37] : memref<1x128xf32, #tpu.memory_space<vmem>>, vector<1x128xf32>
    %add3A_39 = vector.broadcast %get3A_38 : vector<1x128xf32> to vector<10000x128xf32>
    %add3A_40 = arith.addf %add3A_35, %add3A_39 : vector<10000x128xf32>
    %swap3A = arith.constant 0 : index
    %swap3A_41 = arith.constant 0 : index
    %swap3A_42 = vector.load %arg6[%swap3A, %swap3A_41] : memref<10000x128xf32, #tpu.memory_space<vmem>>, vector<10000x128xf32>
    tpu.vector_store %arg6[%swap3A, %swap3A_41], %add3A_40 {strides = array<i32>} : memref<10000x128xf32, #tpu.memory_space<vmem>>, vector<10000x128xf32>,
    return
  }
}

</mosaic_0001>

<sc_bundles>
// kernel: kernel.10.cloned.1.call-start
scs
__scs_entry_jumppad:
0x0: {  	(pc) =	sbr.rel $0x88, $3  }
0x1: {  	(tag) =	ssettag $0x0;
	lr =	simm.s32 $0x1  }
0x2: {  	[smem:$0x3F99] =	sst lr;
	_ =	strace $0xD0000000  }
0x3: {  	_ = 	snop  }
0x4: {  	_ = 	snop  }
0x5: {  	_ = 	snop  }
0x6: {  	_ = 	snop  }
0x7: {  	_ = 	snop  }
__scs_overlays_trampoline_lowered:
0x8: {  	[smem:$0x3FA8] =	sst s0  }
0x9: {  	[smem:$0x3FA9] =	sst s1  }
0xa: {  	[smem:$0x3FAA] =	sst s2  }
0xb: {  	[smem:$0x3FAB] =	sst s3  }
0xc: {  	[smem:$0x3FAC] =	sst s4  }
0xd: {  	[smem:$0x3FAD] =	sst s5  }
0xe: {  	[smem:$0x3FAE] =	sst s6  }
0xf: {  	[smem:$0x3FAF] =	sst s7  }
0x10: {  	[smem:$0x3FB0] =	sst s8  }
0x11: {  	[smem:$0x3FB1] =	sst s9;
	s0 =	simm.s32 @!p0 $0x0  }
0x12: {  	s1 =	sld [smem:$0x3F97];
	s0 =	simm.s32 @p0 $0x1  }
0x13: {  	[smem:$0x3FB2] =	sst s0;
	s0 =	simm.s32 @!p1 $0x0  }
0x14: {  	s2 =	sld [smem:$0x3F96];
	s0 =	simm.s32 @p1 $0x1  }
0x15: {  	[smem:$0x3FB3] =	sst s0;
	s0 =	simm.s32 @!p2 $0x0  }
0x16: {  	s3 =	sld [smem:$0x3FDB];
	s0 =	simm.s32 @p2 $0x1  }
0x17: {  	s4 =	simm.s32 $0x1BF5;
	[smem:$0x3FB5] =	sst s0  }
0x18: {  	s0 =	sld [smem:$0x3F98];
	_ =	swait.ge [sflag:s4], $0x0  }
0x19: {  	s7 =	sld [smem:$0x3F99]  }
0x1a: {  	s8 =	sadd.s32 $0xFFFFE003, lr  }
0x1b: {  	s9 =	sadd.s32 $0xFFFFFEF7, lr;
	s5 =	simm.s32 $0xFFFFFFFF;
	p2 =	slt.u32 s8, $0xFFFFF086  }
0x1c: {  	p1 =	slt.u32 s9, $0xF7A;
	s5 =	simm.s32 @!p2 $0x0  }
0x1d: {  	s5 =	simm.s32 @p1 $0x1;
	p0 =	seq.s32 s7, s2  }
0x1e: {  	s7 =	smul.u32 @!p0 $0xF7A, s2;
	p2 =	seq.s32 @!p0 s5, $0x0  }
0x1f: {  	s9 =	smul.u32 $0xF7A, s1;
	s8 =	simm.s32 @!p0 $0x1BF5;
	p2 =	por !p2, p0  }
0x20: {  	[sflag:s8] =	ssyncset.s32 @!p0 $0xFFFFF086;
	s6 =	sadd.s32 @!p0 s3, s7;
	s7 =	simm.s32 @!p0 $0x108  }
0x21: {  	s3 =	sadd.s32 s3, s9;
	s6 =	sadd.s32 @!p0 $0x88, s6;
	s7 =	simm.s32 @p2 $0x1082  }
0x22: {  	[simem:s7], [sflag:s8] =	dma.local @!p0 [hbm:s6], $0xF7A  }
0x23: {  	s9 =	sor.u32 $0xD0000000, s2;
	s6 =	simm.s32 $0x108;
	_ =	swait.ge @!p0 [sflag:s8], $0x0  }
0x24: {  	s3 =	sadd.s32 $0x88, s3;
	s6 =	simm.s32 @!p1 $0x1082;
	[sflag:s4] =	ssyncset.s32 $0xFFFFF086  }
0x25: {  	[simem:s6], [sflag:s4] =	dma.local [hbm:s3], $0xF7A  }
0x26: {  	[smem:$0x3F99] =	sst s1;
	(tag) =	ssettag s2;
	_ =	strace s9  }
0x27: {  	s1 =	sld [smem:$0x3FA9]  }
0x28: {  	s2 =	sld [smem:$0x3FAA]  }
0x29: {  	s4 =	sld [smem:$0x3FAC]  }
0x2a: {  	p0 =	seq.s32 s5, $0x0;
	s5 =	sld [smem:$0x3FAD]  }
0x2b: {  	s6 =	sld [smem:$0x3FAE]  }
0x2c: {  	s7 =	sld [smem:$0x3FAF]  }
0x2d: {  	s3 =	simm.s32 $0x108;
	s8 =	sld [smem:$0x3FB0]  }
0x2e: {  	s3 =	simm.s32 @!p0 $0x1082;
	s9 =	sld [smem:$0x3FB1]  }
0x2f: {  	lr =	sadd.s32 s0, s3;
	s0 =	sld [smem:$0x3FA8]  }
0x30: {  	s3 =	sld [smem:$0x3FAB]  }
0x31: {  	[smem:$0x3FB4] =	sst s10  }
0x32: {  	s10 =	sld [smem:$0x3FB2];
	_ =	sdelay $0x3  }
0x33: {  	p0 =	seq.s32 s10, $0x1;
	s10 =	sld [smem:$0x3FB4];
	_ =	sdelay $0x3  }
0x34: {  	[smem:$0x3FB4] =	sst s10  }
0x35: {  	s10 =	sld [smem:$0x3FB3];
	_ =	sdelay $0x3  }
0x36: {  	p1 =	seq.s32 s10, $0x1;
	s10 =	sld [smem:$0x3FB4];
	_ =	sdelay $0x3  }
0x37: {  	[smem:$0x3FB4] =	sst s10  }
0x38: {  	s10 =	sld [smem:$0x3FB5]  }
0x39: {  	_ = 	snop;
	(pc) =	sbr.ind lr, $3  }
0x3a: {  	_ = 	snop  }
0x3b: {  	_ = 	snop  }
0x3c: {  	p2 =	seq.s32 s10, $0x1;
	s10 =	sld [smem:$0x3FB4]  }
0x3d: {  	_ =	shalt  }
0x3e: {  	_ =	shalt  }
0x3f: {  	_ =	shalt  }
0x40: {  	_ =	shalt  }
0x41: {  	_ =	shalt  }
0x42: {  	_ =	shalt  }
0x43: {  	_ =	shalt  }
0x44: {  	_ =	shalt  }
0x45: {  	_ =	shalt  }
0x46: {  	_ =	shalt  }
0x47: {  	_ =	shalt  }
0x48: {  	_ =	shalt  }
0x49: {  	_ =	shalt  }
0x4a: {  	_ =	shalt  }
0x4b: {  	_ =	shalt  }
0x4c: {  	_ =	shalt  }
0x4d: {  	_ =	shalt  }
0x4e: {  	_ =	shalt  }
0x4f: {  	_ =	shalt  }
0x50: {  	_ =	shalt  }
0x51: {  	_ =	shalt  }
0x52: {  	_ =	shalt  }
0x53: {  	_ =	shalt  }
0x54: {  	_ =	shalt  }
0x55: {  	_ =	shalt  }
0x56: {  	_ =	shalt  }
0x57: {  	_ =	shalt  }
0x58: {  	_ =	shalt  }
0x59: {  	_ =	shalt  }
0x5a: {  	_ =	shalt  }
0x5b: {  	_ =	shalt  }
0x5c: {  	_ =	shalt  }
0x5d: {  	_ =	shalt  }
0x5e: {  	_ =	shalt  }
0x5f: {  	_ =	shalt  }
0x60: {  	_ =	shalt  }
0x61: {  	_ =	shalt  }
0x62: {  	_ =	shalt  }
0x63: {  	_ =	shalt  }
0x64: {  	_ =	shalt  }
0x65: {  	_ =	shalt  }
0x66: {  	_ =	shalt  }
0x67: {  	_ =	shalt  }
0x68: {  	_ =	shalt  }
0x69: {  	_ =	shalt  }
0x6a: {  	_ =	shalt  }
0x6b: {  	_ =	shalt  }
0x6c: {  	_ =	shalt  }
0x6d: {  	_ =	shalt  }
0x6e: {  	_ =	shalt  }
0x6f: {  	_ =	shalt  }
0x70: {  	_ =	shalt  }
0x71: {  	_ =	shalt  }
0x72: {  	_ =	shalt  }
0x73: {  	_ =	shalt  }
0x74: {  	_ =	shalt  }
0x75: {  	_ =	shalt  }
0x76: {  	_ =	shalt  }
0x77: {  	_ =	shalt  }
0x78: {  	_ =	shalt  }
0x79: {  	_ =	shalt  }
0x7a: {  	_ =	shalt  }
0x7b: {  	_ =	shalt  }
0x7c: {  	_ =	shalt  }
0x7d: {  	_ =	shalt  }
0x7e: {  	_ =	shalt  }
0x7f: {  	_ =	shalt  }
0x80: {  	_ =	shalt  }
0x81: {  	_ =	shalt  }
0x82: {  	_ =	shalt  }
0x83: {  	_ =	shalt  }
0x84: {  	_ =	shalt  }
0x85: {  	_ =	shalt  }
0x86: {  	_ =	shalt  }
0x87: {  	_ =	shalt  }
.Lfunc_end0:
.L_simem_size_0:
called_computation.1_lowered:
.L_overlay_start_0:
0x88: {  	s2 =	sld [smem:$0x3FD9]  }
0x89: {  	s3 =	sld [smem:$0x3FFE];
	_ =	sdelay $0x1  }
0x8a: {  	s1 =	srdreg.scid  }
0x8b: {  	s0 =	sand.u32 $0x1, s1  }
0x8c: {  	s17 =	sshll.u32 s0, $0xA;
	s2 =	sadd.s32 s3, s2  }
0x8d: {  	s2 =	sadd.s32 s2, s17  }
0x8e: {  	[smem:$0x3FC0] =	sst s2  }
0x8f: {  	_ = 	snop  }
0x90: {  	s2 =	sld [smem:$0x3FD0];
	(tm) =	ssettm $0x1  }
0x91: {  	s18 =	sld [smem:$0x3FFB];
	_ =	sdelay $0x3  }
0x92: {  	_ =	strace s18  }
0x93: {  	s3 =	sld [smem:$0x3FFC];
	_ =	sdelay $0x3  }
0x94: {  	_ =	strace s3  }
0x95: {  	s3 =	sld [smem:$0x3FFD];
	_ =	sdelay $0x3  }
0x96: {  	_ =	strace s3  }
0x97: {  	_ =	strace $0x8FFFFFFF  }
0x98: {  	s19 =	sld [smem:$0x3FDB];
	_ =	sdelay $0x1  }
0x99: {  	s4 =	simm.s32 $_scs_section_size  }
0x9a: {  	s5 =	simm.s32 $_size__tile_overlayer_lowered;
	s6 =	simm.s32 $_tile_overlayer_lowered  }
0x9b: {  	s22 =	simm.s32 $0x1BFF;
	s21 =	sshll.u32 s6, $0x1;
	s3 =	sadd.s32 s4, s19  }
0x9c: {  	s7 =	simm.s32 $0x0;
	s20 =	sshll.u32 s5, $0x1;
	s5 =	sadd.s32 s21, s3  }
0x9d: {  	[timem:s7], [sflag:s22] =	dma.local [hbm:s5], s20  }
0x9e: {  	_ =	swait.ge [sflag:s22], s20  }
0x9f: {  	s4 =	ssub.s32 $0x0, s20;
	[sflag:s22] =	ssyncset.done $0x0  }
0xa0: {  	[sflag:s22] =	ssyncadd.s32 s4;
	_ =	sdelay $0x1  }
0xa1: {  	s23 =	simm.s32 $0x1B8B  }
0xa2: {  	_ =	swait.ge [sflag:s23], $0x1  }
0xa3: {  	[sflag:s23] =	ssyncset.done $0x0  }
0xa4: {  	s25 =	simm.s32 $0x1B8E;
	s24 =	sld [smem:$0x3FFE];
	[sflag:s23] =	ssyncadd.s32 $0xFFFFFFFF  }
0xa5: {  	s26 =	simm.s32 $execute0_lowered;
	[smem:$0x3FD2] =	sst s25  }
0xa6: {  	s5 =	sshll.u32 s26, $0x1;
	_ =	strace $0x80000049;
	[dreg:$0x1] =	wrdreg $0xFFFFFFFF  }
0xa7: {  	s28 =	simm.s32 $_size_execute0_lowered;
	s3 =	sadd.s32 s3, s5;
	[dreg:$0x0] =	wrdreg $0x0  }
0xa8: {  	s5 =	sshll.u32 s28, $0x1;
	[dreg:$0x2] =	wrdreg s3  }
0xa9: {  	[dreg:$0x3] =	wrdreg s5  }
0xaa: {  	[dreg:$0x4] =	wrdreg $0xC0  }
0xab: {  	_ =	task [dreg:s7], $0x5FFFF  }
0xac: {  	[dreg:$0x1] =	wrdreg $0xFFFFFFFF  }
0xad: {  	[dreg:$0x0] =	wrdreg $0x60  }
0xae: {  	[dreg:$0x2] =	wrdreg s2  }
0xaf: {  	[dreg:$0x3] =	wrdreg s24  }
0xb0: {  	[dreg:$0x4] =	wrdreg $0x77200  }
0xb1: {  	[dreg:$0x5] =	wrdreg $0x117200  }
0xb2: {  	[dreg:$0x6] =	wrdreg $0x9  }
0xb3: {  	_ =	task.clear_ibuf [dreg:s7], $0x7FFFF;
	_ =	strace $0x90000049  }
0xb4: {  	s29 =	simm.s32 $0x9;
	_ =	strace $0x8000004B  }
0xb5: {  	_ =	swait.ge [sflag:s29], $0x1  }
0xb6: {  	[sflag:s29] =	ssyncadd.s32 $0xFFFFFFFF  }
0xb7: {  	_ =	strace $0x9000004B  }
0xb8: {  	_ =	sfence  }
0xb9: {  	s30 =	sld [smem:$0x0];
	_ =	sdelay $0x2  }
0xba: {  	s31 =	sshll.u32 s1, $0xD;
	s1 =	sshrl.u32 s1, $0x2  }
0xbb: {  	s3 =	sand.u32 $0x4000, s31;
	s1 =	sadd.s32 s1, s30  }
0xbc: {  	s0 =	sor.u32 s3, s0;
	s1 =	sshll.u32 s1, $0x11  }
0xbd: {  	s0 =	sor.u32 s1, s0  }
0xbe: {  	s0 =	sadd.s32 $0x8F2B, s0  }
0xbf: {  	[sflag:s0] =	ssyncadd.remote.s32 $0x1  }
0xc0: {  	_ =	sfence.sel $0xFFFF  }
0xc1: {  	[dreg:$0x0] =	wrdreg $0xFFFFFFFF;
	(pc) =	sbr.abs _section_cstart, $3  }
0xc2: {  	[dreg:$0x1] =	wrdreg $0xFFFFFFFF  }
0xc3: {  	_ =	task.clear_ibuf [dreg:s7], $0x2FFFF;
	_ =	strace $0x9FFFFFFF  }
0xc4: {  	(tm) =	ssettm $0x7FFFFFFF  }
0xc5: {  	_ =	shalt  }
tec
execute0_lowered:
.L_overlay_start_1:
0x0: {  	(tag) =	ssettag $0x1  }
0x1: {  	s19 =	stileid.u32;
	s0 =	srdreg.scid  }
0x2: {  	s7 =	sand.u32 $0x1, s0;
	s0 =	smul.u32 $0xA000, s19  }
0x3: {  	s13 =	rddreg [dreg:$0x0];
	s1 =	simm.s32 $0x0;
	s14 =	smul.u32 $0x9C4, s19  }
0x4: {  	[smem:$0x7FF] =	sst s1;
	s3 =	ssub.s32 $0x2, s7;
	s17 =	smul.u32 $0xA0000, s7  }
0x5: {  	s7 =	smul.u32 $0x4E2, s7;
	s4 =	sshrl.u32 s3, $0x1;
	s6 =	sshrl.u32 s0, $0x3  }
0x6: {  	s2 =	sor.u32 $0x1000, s0;
	s5 =	ssub.s32 s3, s4;
	s8 =	sadd.s32 s13, s6  }
0x7: {  	s9 =	sshrl.u32 s2, $0x3;
	s4 =	sadd.s32 $0x2000, s0;
	s6 =	sadd.s32 $0x4000, s0  }
0x8: {  	s18 =	sadd.s32 s0, s17;
	s20 =	sadd.s32 s17, s2;
	[dreg:$0x5] =	wrdreg s8  }
0x9: {  	s3 =	sadd.s32 s13, s9;
	s8 =	sshrl.u32 s4, $0x3;
	s11 =	sshrl.u32 s6, $0x3  }
0xa: {  	s22 =	sadd.s32 s17, s4;
	[dreg:$0x6] =	wrdreg s3;
	s3 =	sadd.s32 $0x3000, s0  }
0xb: {  	s5 =	smax.u32 s5, $0x1;
	s8 =	sadd.s32 s13, s8;
	s9 =	sshrl.u32 s3, $0x3  }
0xc: {  	[dreg:$0x7] =	wrdreg s8;
	s8 =	sadd.s32 s13, s11;
	s10 =	sadd.s32 s13, s9  }
0xd: {  	[dreg:$0x9] =	wrdreg s8;
	s9 =	sadd.s32 $0x5000, s0;
	s8 =	sadd.s32 $0x6000, s0  }
0xe: {  	[dreg:$0x8] =	wrdreg s10;
	s11 =	sshrl.u32 s9, $0x3;
	s12 =	sshrl.u32 s8, $0x3  }
0xf: {  	s10 =	sadd.s32 $0x7000, s0;
	s11 =	sadd.s32 s13, s11;
	s12 =	sadd.s32 s13, s12  }
0x10: {  	s15 =	sshrl.u32 s10, $0x3;
	[dreg:$0xb] =	wrdreg s12;
	s12 =	sadd.s32 $0x8000, s0  }
0x11: {  	[dreg:$0xa] =	wrdreg s11;
	s11 =	sadd.s32 s13, s15;
	s15 =	sshrl.u32 s12, $0x3  }
0x12: {  	[dreg:$0xc] =	wrdreg s11;
	s11 =	sadd.s32 $0x9000, s0;
	s15 =	sadd.s32 s13, s15  }
0x13: {  	s23 =	sadd.s32 s17, s3;
	s16 =	sshrl.u32 s11, $0x3;
	[dreg:$0xd] =	wrdreg s15  }
0x14: {  	s24 =	sshrl.u32 s23, $0x3;
	s13 =	sadd.s32 s13, s16;
	s16 =	rddreg [dreg:$0x1]  }
0x15: {  	s15 =	sshrl.u32 s18, $0x3;
	s18 =	sadd.s32 s17, s6;
	[dreg:$0xe] =	wrdreg s13  }
0x16: {  	s14 =	sadd.s32 s14, s16;
	s13 =	sadd.s32 $0x64E00, s16;
	s16 =	sshrl.u32 s20, $0x3  }
0x17: {  	s25 =	sshrl.u32 s18, $0x3;
	s18 =	sadd.s32 s17, s8;
	s20 =	sadd.s32 s17, s10  }
0x18: {  	s15 =	sadd.s32 s13, s15;
	s21 =	sadd.s32 s13, s16;
	s26 =	sadd.s32 s13, s25  }
0x19: {  	s16 =	sadd.s32 s17, s9;
	s25 =	sadd.s32 s17, s11;
	[dreg:$0xf] =	wrdreg s15  }
0x1a: {  	s7 =	sadd.s32 s7, s14;
	[dreg:$0x10] =	wrdreg s21;
	s15 =	sshrl.u32 s22, $0x3  }
0x1b: {  	[dreg:$0x13] =	wrdreg s26;
	s21 =	sshrl.u32 s18, $0x3;
	s22 =	sshrl.u32 s20, $0x3  }
0x1c: {  	s15 =	sadd.s32 s13, s15;
	s23 =	sadd.s32 s13, s22;
	s22 =	rddreg [dreg:$0x3]  }
0x1d: {  	s26 =	sshll.u32 s19, $0x6;
	[dreg:$0x11] =	wrdreg s15;
	s15 =	sadd.s32 s13, s24  }
0x1e: {  	[dreg:$0x16] =	wrdreg s23;
	s24 =	sadd.s32 s17, s12;
	s28 =	sadd.s32 s2, s22  }
0x1f: {  	s29 =	sadd.s32 s4, s22;
	[dreg:$0x12] =	wrdreg s15;
	s15 =	sshrl.u32 s16, $0x3  }
0x20: {  	s30 =	sadd.s32 s3, s22;
	s31 =	sadd.s32 s6, s22;
	s15 =	sadd.s32 s13, s15  }
0x21: {  	s20 =	sadd.s32 s9, s22;
	s16 =	sshrl.u32 s25, $0x3;
	[dreg:$0x14] =	wrdreg s15  }
0x22: {  	s25 =	sor.u32 $0x1C01, s26;
	s15 =	sadd.s32 s13, s21;
	s21 =	rddreg [dreg:$0x2]  }
0x23: {  	s26 =	sadd.s32 s0, s22;
	[dreg:$0x15] =	wrdreg s15;
	s15 =	sshrl.u32 s24, $0x3  }
0x24: {  	s14 =	sadd.s32 s0, s21;
	s17 =	sadd.s32 s3, s21;
	s24 =	sadd.s32 s6, s21  }
0x25: {  	s18 =	sadd.s32 s9, s21;
	s9 =	sadd.s32 s8, s21;
	s0 =	sadd.s32 s8, s22  }
0x26: {  	s19 =	sadd.s32 s10, s21;
	s3 =	sadd.s32 s12, s22;
	s23 =	sadd.s32 s11, s21  }
0x27: {  	s6 =	sadd.s32 $0xB000, s7;
	s7 =	sadd.s32 $0x1200, s7;
	s15 =	sadd.s32 s13, s15  }
0x28: {  	s13 =	sadd.s32 s13, s16;
	s16 =	sadd.s32 s4, s21;
	[dreg:$0x17] =	wrdreg s15  }
0x29: {  	s4 =	sadd.s32 s11, s22;
	s24 =	sshrl.u32 s24, $0x3;
	[dreg:$0x18] =	wrdreg s13  }
0x2a: {  	s15 =	sadd.s32 s2, s21;
	s2 =	sadd.s32 s10, s22;
	s10 =	sadd.s32 s12, s21  }
0x2b: {  	s13 =	sshrl.u32 s14, $0x3;
	_ =	strace $0x8000004A;
	[dreg:$0x19] =	wrdreg s5  }
0x2c: {  	[dreg:$0x1a] =	wrdreg s13;
	s14 =	sshrl.u32 s15, $0x3;
	s15 =	sshrl.u32 s16, $0x3  }
0x2d: {  	s16 =	sshrl.u32 s17, $0x3;
	[dreg:$0x1e] =	wrdreg s24;
	s13 =	sshrl.u32 s18, $0x3  }
0x2e: {  	s17 =	sshrl.u32 s23, $0x3;
	s18 =	simm.s32 $0x1;
	[dreg:$0x1b] =	wrdreg s14  }
0x2f: {  	s23 =	simm.s32 $0x190;
	s24 =	simm.s32 $0x320;
	[dreg:$0x1c] =	wrdreg s15  }
0x30: {  	s5 =	simm.s32 $0x0;
	[dreg:$0x1d] =	wrdreg s16;
	s14 =	sshrl.u32 s9, $0x3  }
0x31: {  	v0 =	vimm.f32 $0.0e+00;
	s15 =	sshrl.u32 s19, $0x3;
	s16 =	sshrl.u32 s10, $0x3;
	s19 =	simm.s32 $0x6720  }
.LBB2_1:
0x32: {  	s9 =	simm.s32 $0x100;
	s8 =	simm.s32 $0x0  }
.LBB2_2:
0x33: {  	p0 =	sne.s32 s9, $0x3F00;
	[tilespmem:s8+$0x6750] =	vst v0;
	s10 =	smov.u32 s9;
	s9 =	sadd.s32 $0x100, s9  }
.Ltmp0:
0x34: {  	[tilespmem:s8+$0x6740] =	vst v0;
	(pc) =	sbr.rel @p0 .LBB2_2-.Ltmp0, $3  }
0x35: {  	[tilespmem:s8+$0x6720] =	vst v0  }
0x36: {  	[tilespmem:s8+$0x6730] =	vst v0;
	_ =	sdelay $0x1  }
0x37: {  	s8 =	sshra.s32 s10, $0x2  }
0x38: {  	[tilespmem:s8+$0x6750] =	vst v0  }
0x39: {  	[tilespmem:s8+$0x6740] =	vst v0  }
0x3a: {  	[tilespmem:s8+$0x6720] =	vst v0;
	s12 =	rddreg [dreg:$0x5]  }
0x3b: {  	[tilespmem:s8+$0x6730] =	vst v0;
	s9 =	rddreg [dreg:$0x1a]  }
0x3c: {  	[spmem:s9], [sflag:s25] =	dma.local [hbm:s12], $0x200  }
0x3d: {  	_ =	swait.ge [sflag:s18], $0x200  }
0x3e: {  	[sflag:s18] =	ssyncset.done $0x0  }
0x3f: {  	[sflag:s18] =	ssyncadd.s32 $0xFFFFFE00  }
0x40: {  	[spmem:s26] =	stream.linear.scatter [tilespmem:s19], [sflag:$0x1], $0x1000, $0x38;
	[tilespmem:$0x1B720] =	vst v63  }
0x41: {  	_ =	swait.ge [sflag:s18], $0x1000  }
0x42: {  	[sflag:s18] =	ssyncset.done $0x0;
	s9 =	rddreg [dreg:$0x6]  }
0x43: {  	s10 =	rddreg [dreg:$0x1b];
	[sflag:s18] =	ssyncadd.s32 $0xFFFFF000  }
0x44: {  	[spmem:s10], [sflag:s25] =	dma.local [hbm:s9], $0x200  }
0x45: {  	_ =	swait.ge [sflag:s18], $0x200  }
0x46: {  	[sflag:s18] =	ssyncset.done $0x0  }
0x47: {  	[sflag:s18] =	ssyncadd.s32 $0xFFFFFE00  }
0x48: {  	[spmem:s28] =	stream.linear.scatter [tilespmem:s19], [sflag:$0x1], $0x1000, $0x38;
	[tilespmem:$0x1B720] =	vst v63  }
0x49: {  	_ =	swait.ge [sflag:s18], $0x1000  }
0x4a: {  	[sflag:s18] =	ssyncset.done $0x0;
	s11 =	rddreg [dreg:$0x7]  }
0x4b: {  	s12 =	rddreg [dreg:$0x1c];
	[sflag:s18] =	ssyncadd.s32 $0xFFFFF000  }
0x4c: {  	[spmem:s12], [sflag:s25] =	dma.local [hbm:s11], $0x200  }
0x4d: {  	_ =	swait.ge [sflag:s18], $0x200  }
0x4e: {  	[sflag:s18] =	ssyncset.done $0x0  }
0x4f: {  	[sflag:s18] =	ssyncadd.s32 $0xFFFFFE00  }
0x50: {  	[spmem:s29] =	stream.linear.scatter [tilespmem:s19], [sflag:$0x1], $0x1000, $0x38;
	[tilespmem:$0x1B720] =	vst v63  }
0x51: {  	_ =	swait.ge [sflag:s18], $0x1000  }
0x52: {  	[sflag:s18] =	ssyncset.done $0x0;
	s9 =	rddreg [dreg:$0x8]  }
0x53: {  	s10 =	rddreg [dreg:$0x1d];
	[sflag:s18] =	ssyncadd.s32 $0xFFFFF000  }
0x54: {  	[spmem:s10], [sflag:s25] =	dma.local [hbm:s9], $0x200  }
0x55: {  	_ =	swait.ge [sflag:s18], $0x200  }
0x56: {  	[sflag:s18] =	ssyncset.done $0x0  }
0x57: {  	[sflag:s18] =	ssyncadd.s32 $0xFFFFFE00  }
0x58: {  	[spmem:s30] =	stream.linear.scatter [tilespmem:s19], [sflag:$0x1], $0x1000, $0x38;
	[tilespmem:$0x1B720] =	vst v63  }
0x59: {  	_ =	swait.ge [sflag:s18], $0x1000  }
0x5a: {  	[sflag:s18] =	ssyncset.done $0x0;
	s11 =	rddreg [dreg:$0x9]  }
0x5b: {  	s12 =	rddreg [dreg:$0x1e];
	[sflag:s18] =	ssyncadd.s32 $0xFFFFF000  }
0x5c: {  	[spmem:s12], [sflag:s25] =	dma.local [hbm:s11], $0x200  }
0x5d: {  	_ =	swait.ge [sflag:s18], $0x200  }
0x5e: {  	[sflag:s18] =	ssyncset.done $0x0  }
0x5f: {  	[sflag:s18] =	ssyncadd.s32 $0xFFFFFE00  }
0x60: {  	[spmem:s31] =	stream.linear.scatter [tilespmem:s19], [sflag:$0x1], $0x1000, $0x38;
	[tilespmem:$0x1B720] =	vst v63  }
0x61: {  	_ =	swait.ge [sflag:s18], $0x1000  }
0x62: {  	[sflag:s18] =	ssyncset.done $0x0  }
0x63: {  	s10 =	rddreg [dreg:$0xa];
	[sflag:s18] =	ssyncadd.s32 $0xFFFFF000  }
0x64: {  	[spmem:s13], [sflag:s25] =	dma.local [hbm:s10], $0x200  }
0x65: {  	_ =	swait.ge [sflag:s18], $0x200  }
0x66: {  	[sflag:s18] =	ssyncset.done $0x0  }
0x67: {  	[sflag:s18] =	ssyncadd.s32 $0xFFFFFE00  }
0x68: {  	[spmem:s20] =	stream.linear.scatter [tilespmem:s19], [sflag:$0x1], $0x1000, $0x38;
	[tilespmem:$0x1B720] =	vst v63  }
0x69: {  	_ =	swait.ge [sflag:s18], $0x1000  }
0x6a: {  	[sflag:s18] =	ssyncset.done $0x0  }
0x6b: {  	s11 =	rddreg [dreg:$0xb];
	[sflag:s18] =	ssyncadd.s32 $0xFFFFF000  }
0x6c: {  	[spmem:s14], [sflag:s25] =	dma.local [hbm:s11], $0x200  }
0x6d: {  	_ =	swait.ge [sflag:s18], $0x200  }
0x6e: {  	[sflag:s18] =	ssyncset.done $0x0  }
0x6f: {  	[sflag:s18] =	ssyncadd.s32 $0xFFFFFE00  }
0x70: {  	[spmem:s0] =	stream.linear.scatter [tilespmem:s19], [sflag:$0x1], $0x1000, $0x38;
	[tilespmem:$0x1B720] =	vst v63  }
0x71: {  	_ =	swait.ge [sflag:s18], $0x1000  }
0x72: {  	[sflag:s18] =	ssyncset.done $0x0  }
0x73: {  	s12 =	rddreg [dreg:$0xc];
	[sflag:s18] =	ssyncadd.s32 $0xFFFFF000  }
0x74: {  	[spmem:s15], [sflag:s25] =	dma.local [hbm:s12], $0x200  }
0x75: {  	_ =	swait.ge [sflag:s18], $0x200  }
0x76: {  	[sflag:s18] =	ssyncset.done $0x0  }
0x77: {  	[sflag:s18] =	ssyncadd.s32 $0xFFFFFE00  }
0x78: {  	[spmem:s2] =	stream.linear.scatter [tilespmem:s19], [sflag:$0x1], $0x1000, $0x38;
	[tilespmem:$0x1B720] =	vst v63  }
0x79: {  	_ =	swait.ge [sflag:s18], $0x1000  }
0x7a: {  	[sflag:s18] =	ssyncset.done $0x0  }
0x7b: {  	s9 =	rddreg [dreg:$0xd];
	[sflag:s18] =	ssyncadd.s32 $0xFFFFF000  }
0x7c: {  	[spmem:s16], [sflag:s25] =	dma.local [hbm:s9], $0x200  }
0x7d: {  	_ =	swait.ge [sflag:s18], $0x200  }
0x7e: {  	[sflag:s18] =	ssyncset.done $0x0  }
0x7f: {  	[sflag:s18] =	ssyncadd.s32 $0xFFFFFE00  }
0x80: {  	[spmem:s3] =	stream.linear.scatter [tilespmem:s19], [sflag:$0x1], $0x1000, $0x38;
	[tilespmem:$0x1B720] =	vst v63  }
0x81: {  	_ =	swait.ge [sflag:s18], $0x1000  }
0x82: {  	[sflag:s18] =	ssyncset.done $0x0  }
0x83: {  	s10 =	rddreg [dreg:$0xe];
	[sflag:s18] =	ssyncadd.s32 $0xFFFFF000  }
0x84: {  	[spmem:s17], [sflag:s25] =	dma.local [hbm:s10], $0x200  }
0x85: {  	_ =	swait.ge [sflag:s18], $0x200  }
0x86: {  	[sflag:s18] =	ssyncset.done $0x0  }
0x87: {  	[sflag:s18] =	ssyncadd.s32 $0xFFFFFE00  }
0x88: {  	[spmem:s4] =	stream.linear.scatter [tilespmem:s19], [sflag:$0x1], $0x1000, $0x38;
	[tilespmem:$0x1B720] =	vst v63  }
0x89: {  	_ =	swait.ge [sflag:s18], $0x1000  }
0x8a: {  	[sflag:s18] =	ssyncset.done $0x0  }
0x8b: {  	[sflag:s18] =	ssyncadd.s32 $0xFFFFF000  }
0x8c: {  	s11 =	sadd.s32 $0x0, s6;
	[bflag:$0x0] =	sbarrier.arrive $0xFFFF  }
0x8d: {  	[tilespmem:s1], [sflag:$0x1] =	stream.linear.gather [hbm4b:s11+s1], $0x190, $0x38;
	[tilespmem:$0x1B720] =	vst v63  }
0x8e: {  	_ =	swait.ge [sflag:s18], $0x190  }
0x8f: {  	[sflag:s18] =	ssyncset.done $0x0  }
0x90: {  	s12 =	sadd.s32 $0x0, s7;
	[sflag:s18] =	ssyncadd.s32 $0xFFFFFE70  }
0x91: {  	[tilespmem:s23], [sflag:$0x1] =	stream.linear.gather [hbm4b:s12+s1], $0x190, $0x38;
	[tilespmem:$0x1B720] =	vst v63  }
0x92: {  	_ =	swait.ge [sflag:s18], $0x190  }
0x93: {  	[sflag:s18] =	ssyncset.done $0x0  }
0x94: {  	[sflag:s18] =	ssyncadd.s32 $0xFFFFFE70  }
0x95: {  	[tilespmem:s24], [sflag:$0x1] =	stream.indirect.gather [spmem:s21], $0x40, s1, s23, $0xb8;
	[tilespmem:$0x1B720] =	vst v63  }
0x96: {  	_ =	swait.ge [sflag:s18], $0x6400  }
0x97: {  	[sflag:s18] =	ssyncset.done $0x0  }
0x98: {  	[sflag:s18] =	ssyncadd.s32 $0xFFFF9C00  }
0x99: {  	[spmem:s22] =	stream.indirect.scatter.add.f32 [tilespmem:s24], [sflag:$0x1], $0x40, s23, s23, $0xb8;
	[tilespmem:$0x1B720] =	vst v63  }
0x9a: {  	_ =	swait.ge [sflag:s18], $0x6400  }
0x9b: {  	s8 =	simm.s32 $0x32;
	s9 =	simm.s32 $0x64;
	[sflag:s18] =	ssyncset.done $0x0  }
.LBB2_4:
0x9c: {  	s10 =	sadd.s32 s8, s6  }
0x9d: {  	[sflag:s18] =	ssyncadd.s32 $0xFFFF9C00;
	s11 =	smov.u32 s9;
	s12 =	sadd.s32 $0x32, s9  }
0x9e: {  	[tilespmem:s1], [sflag:$0x1] =	stream.linear.gather [hbm4b:s10+s1], $0x190, $0x38;
	[tilespmem:$0x1B720] =	vst v63  }
0x9f: {  	p0 =	sne.s32 s9, $0x4B0;
	_ =	swait.ge [sflag:s18], $0x190  }
0xa0: {  	[sflag:s18] =	ssyncset.done $0x0  }
0xa1: {  	s9 =	sadd.s32 s8, s7;
	s8 =	smov.u32 s11;
	[sflag:s18] =	ssyncadd.s32 $0xFFFFFE70  }
0xa2: {  	[tilespmem:s23], [sflag:$0x1] =	stream.linear.gather [hbm4b:s9+s1], $0x190, $0x38;
	[tilespmem:$0x1B720] =	vst v63  }
0xa3: {  	_ =	swait.ge [sflag:s18], $0x190  }
0xa4: {  	[sflag:s18] =	ssyncset.done $0x0  }
0xa5: {  	[sflag:s18] =	ssyncadd.s32 $0xFFFFFE70  }
0xa6: {  	[tilespmem:s24], [sflag:$0x1] =	stream.indirect.gather [spmem:s21], $0x40, s1, s23, $0xb8;
	[tilespmem:$0x1B720] =	vst v63  }
0xa7: {  	_ =	swait.ge [sflag:s18], $0x6400  }
.Ltmp1:
0xa8: {  	[sflag:s18] =	ssyncset.done $0x0;
	(pc) =	sbr.rel @p0 .LBB2_4-.Ltmp1, $4  }
0xa9: {  	[sflag:s18] =	ssyncadd.s32 $0xFFFF9C00  }
0xaa: {  	[spmem:s22] =	stream.indirect.scatter.add.f32 [tilespmem:s24], [sflag:$0x1], $0x40, s23, s23, $0xb8;
	[tilespmem:$0x1B720] =	vst v63  }
0xab: {  	_ =	swait.ge [sflag:s18], $0x6400  }
0xac: {  	s9 =	smov.u32 s12;
	[sflag:s18] =	ssyncset.done $0x0  }
0xad: {  	s9 =	sadd.s32 s8, s6;
	[sflag:s18] =	ssyncadd.s32 $0xFFFF9C00  }
0xae: {  	[tilespmem:s1], [sflag:$0x1] =	stream.linear.gather [hbm4b:s9+s1], $0x190, $0x38;
	[tilespmem:$0x1B720] =	vst v63  }
0xaf: {  	_ =	swait.ge [sflag:s18], $0x190  }
0xb0: {  	[sflag:s18] =	ssyncset.done $0x0  }
0xb1: {  	s10 =	sadd.s32 s8, s7;
	[sflag:s18] =	ssyncadd.s32 $0xFFFFFE70  }
0xb2: {  	[tilespmem:s23], [sflag:$0x1] =	stream.linear.gather [hbm4b:s10+s1], $0x190, $0x38;
	[tilespmem:$0x1B720] =	vst v63  }
0xb3: {  	_ =	swait.ge [sflag:s18], $0x190  }
0xb4: {  	[sflag:s18] =	ssyncset.done $0x0  }
0xb5: {  	[sflag:s18] =	ssyncadd.s32 $0xFFFFFE70  }
0xb6: {  	[tilespmem:s24], [sflag:$0x1] =	stream.indirect.gather [spmem:s21], $0x40, s1, s23, $0xb8;
	[tilespmem:$0x1B720] =	vst v63  }
0xb7: {  	_ =	swait.ge [sflag:s18], $0x6400  }
0xb8: {  	[sflag:s18] =	ssyncset.done $0x0  }
0xb9: {  	[sflag:s18] =	ssyncadd.s32 $0xFFFF9C00  }
0xba: {  	[spmem:s22] =	stream.indirect.scatter.add.f32 [tilespmem:s24], [sflag:$0x1], $0x40, s23, s23, $0xb8;
	[tilespmem:$0x1B720] =	vst v63  }
0xbb: {  	_ =	swait.ge [sflag:s18], $0x6400  }
0xbc: {  	[sflag:s18] =	ssyncset.done $0x0  }
0xbd: {  	[sflag:s18] =	ssyncadd.s32 $0xFFFF9C00  }
0xbe: {  	[bflag:$0x0] =	sbarrier.arrive $0xFFFF  }
0xbf: {  	s11 =	sshrl.u32 s26, $0x3;
	s12 =	rddreg [dreg:$0xf]  }
0xc0: {  	[hbm:s12], [sflag:s25] =	dma.local [spmem:s11], $0x200  }
0xc1: {  	_ =	swait.ge [sflag:s18], $0x200  }
0xc2: {  	[sflag:s18] =	ssyncset.done $0x0  }
0xc3: {  	s9 =	sshrl.u32 s28, $0x3;
	s10 =	rddreg [dreg:$0x10];
	[sflag:s18] =	ssyncadd.s32 $0xFFFFFE00  }
0xc4: {  	[hbm:s10], [sflag:s25] =	dma.local [spmem:s9], $0x200  }
0xc5: {  	_ =	swait.ge [sflag:s18], $0x200  }
0xc6: {  	[sflag:s18] =	ssyncset.done $0x0  }
0xc7: {  	s11 =	sshrl.u32 s29, $0x3;
	s12 =	rddreg [dreg:$0x11];
	[sflag:s18] =	ssyncadd.s32 $0xFFFFFE00  }
0xc8: {  	[hbm:s12], [sflag:s25] =	dma.local [spmem:s11], $0x200  }
0xc9: {  	_ =	swait.ge [sflag:s18], $0x200  }
0xca: {  	[sflag:s18] =	ssyncset.done $0x0  }
0xcb: {  	s9 =	sshrl.u32 s30, $0x3;
	s10 =	rddreg [dreg:$0x12];
	[sflag:s18] =	ssyncadd.s32 $0xFFFFFE00  }
0xcc: {  	[hbm:s10], [sflag:s25] =	dma.local [spmem:s9], $0x200  }
0xcd: {  	_ =	swait.ge [sflag:s18], $0x200  }
0xce: {  	[sflag:s18] =	ssyncset.done $0x0  }
0xcf: {  	s11 =	sshrl.u32 s31, $0x3;
	s12 =	rddreg [dreg:$0x13];
	[sflag:s18] =	ssyncadd.s32 $0xFFFFFE00  }
0xd0: {  	[hbm:s12], [sflag:s25] =	dma.local [spmem:s11], $0x200  }
0xd1: {  	_ =	swait.ge [sflag:s18], $0x200  }
0xd2: {  	[sflag:s18] =	ssyncset.done $0x0  }
0xd3: {  	s9 =	sshrl.u32 s20, $0x3;
	s10 =	rddreg [dreg:$0x14];
	[sflag:s18] =	ssyncadd.s32 $0xFFFFFE00  }
0xd4: {  	[hbm:s10], [sflag:s25] =	dma.local [spmem:s9], $0x200  }
0xd5: {  	_ =	swait.ge [sflag:s18], $0x200  }
0xd6: {  	[sflag:s18] =	ssyncset.done $0x0  }
0xd7: {  	s11 =	sshrl.u32 s0, $0x3;
	s12 =	rddreg [dreg:$0x15];
	[sflag:s18] =	ssyncadd.s32 $0xFFFFFE00  }
0xd8: {  	[hbm:s12], [sflag:s25] =	dma.local [spmem:s11], $0x200  }
0xd9: {  	_ =	swait.ge [sflag:s18], $0x200  }
0xda: {  	[sflag:s18] =	ssyncset.done $0x0  }
0xdb: {  	s9 =	sshrl.u32 s2, $0x3;
	s10 =	rddreg [dreg:$0x16];
	[sflag:s18] =	ssyncadd.s32 $0xFFFFFE00  }
0xdc: {  	[hbm:s10], [sflag:s25] =	dma.local [spmem:s9], $0x200  }
0xdd: {  	_ =	swait.ge [sflag:s18], $0x200  }
0xde: {  	[sflag:s18] =	ssyncset.done $0x0  }
0xdf: {  	s11 =	sshrl.u32 s3, $0x3;
	s12 =	rddreg [dreg:$0x17];
	[sflag:s18] =	ssyncadd.s32 $0xFFFFFE00  }
0xe0: {  	[hbm:s12], [sflag:s25] =	dma.local [spmem:s11], $0x200  }
0xe1: {  	_ =	swait.ge [sflag:s18], $0x200  }
0xe2: {  	[sflag:s18] =	ssyncset.done $0x0  }
0xe3: {  	s10 =	sshrl.u32 s4, $0x3;
	s11 =	rddreg [dreg:$0x18];
	[sflag:s18] =	ssyncadd.s32 $0xFFFFFE00  }
0xe4: {  	[hbm:s11], [sflag:s25] =	dma.local [spmem:s10], $0x200  }
0xe5: {  	_ =	swait.ge [sflag:s18], $0x200  }
0xe6: {  	s5 =	sadd.s32 $0x1, s5;
	s12 =	rddreg [dreg:$0x19]  }
0xe7: {  	p0 =	sne.s32 s5, s12  }
.Ltmp2:
0xe8: {  	_ = 	snop;
	(pc) =	sbr.rel @p0 .LBB2_1-.Ltmp2, $3  }
0xe9: {  	_ =	sdelay $0x1  }
0xea: {  	[sflag:s18] =	ssyncset.done $0x0  }
0xeb: {  	[sflag:s18] =	ssyncadd.s32 $0xFFFFFE00  }
0xec: {  	_ =	sfence.sel $0x180000  }
0xed: {  	[bflag:$0x0] =	sbarrier.arrive $0xFFFF  }
0xee: {  	_ =	strace $0x9000004A  }
0xef: {  	s0 =	stileid.u32;
	[bflag:$0x2] =	sbarrier.arrive $0xFFFF  }
0xf0: {  	p0 =	sne.s32 s0, $0x0;
	s0 =	rddreg [dreg:$0x4]  }
0xf1: {  	s0 =	sadd.s32 @!p0 $0x100000, s0  }
0xf2: {  	[sflag:s0] =	ssyncadd.tile.s32 @!p0 $0x1;
	_ =	shalt  }
.Lfunc_end2:
_tile_overlayer_lowered:
.L_overlay_start_2:
0xf3: {  	(tag) =	ssettag $0x2  }
0xf4: {  	s0 =	rddreg [dreg:$0x0];
	s2 =	stileid.u32  }
0xf5: {  	s1 =	rddreg [dreg:$0x1];
	p0 =	sne.s32 s2, $0x0  }
0xf6: {  	s3 =	rddreg [dreg:$0x2];
	[bflag:$0x3] =	sbarrier.arrive $0xFFFF;
	s2 =	simm.s32 @!p0 $0x1C01  }
0xf7: {  	[timem:s3], [sflag:s2] =	dma.local @!p0 [hbm:s0], s1  }
0xf8: {  	s0 =	simm.s32 @!p0 $0x1  }
0xf9: {  	_ =	swait.ge @!p0 [sflag:s0], s1  }
0xfa: {  	s1 =	ssub.s32 @!p0 $0x0, s1;
	[sflag:s0] =	ssyncset.done @!p0 $0x0  }
0xfb: {  	[sflag:s0] =	ssyncadd.s32 @!p0 s1  }
0xfc: {  	[bflag:$0x3] =	sbarrier.arrive $0xFFFF  }
0xfd: {  	_ =	shalt  }

// kernel: kernel.7.cloned.1.call-start
scs
__scs_entry_jumppad:
0x0: {  	(pc) =	sbr.rel $0x88, $3  }
0x1: {  	(tag) =	ssettag $0x0;
	lr =	simm.s32 $0x1  }
0x2: {  	[smem:$0x3F99] =	sst lr;
	_ =	strace $0xD0000000  }
0x3: {  	_ = 	snop  }
0x4: {  	_ = 	snop  }
0x5: {  	_ = 	snop  }
0x6: {  	_ = 	snop  }
0x7: {  	_ = 	snop  }
__scs_overlays_trampoline_lowered:
0x8: {  	[smem:$0x3FA8] =	sst s0  }
0x9: {  	[smem:$0x3FA9] =	sst s1  }
0xa: {  	[smem:$0x3FAA] =	sst s2  }
0xb: {  	[smem:$0x3FAB] =	sst s3  }
0xc: {  	[smem:$0x3FAC] =	sst s4  }
0xd: {  	[smem:$0x3FAD] =	sst s5  }
0xe: {  	[smem:$0x3FAE] =	sst s6  }
0xf: {  	[smem:$0x3FAF] =	sst s7  }
0x10: {  	[smem:$0x3FB0] =	sst s8  }
0x11: {  	[smem:$0x3FB1] =	sst s9;
	s0 =	simm.s32 @!p0 $0x0  }
0x12: {  	s1 =	sld [smem:$0x3F97];
	s0 =	simm.s32 @p0 $0x1  }
0x13: {  	[smem:$0x3FB2] =	sst s0;
	s0 =	simm.s32 @!p1 $0x0  }
0x14: {  	s2 =	sld [smem:$0x3F96];
	s0 =	simm.s32 @p1 $0x1  }
0x15: {  	[smem:$0x3FB3] =	sst s0;
	s0 =	simm.s32 @!p2 $0x0  }
0x16: {  	s3 =	sld [smem:$0x3FDB];
	s0 =	simm.s32 @p2 $0x1  }
0x17: {  	s4 =	simm.s32 $0x1BF5;
	[smem:$0x3FB5] =	sst s0  }
0x18: {  	s0 =	sld [smem:$0x3F98];
	_ =	swait.ge [sflag:s4], $0x0  }
0x19: {  	s7 =	sld [smem:$0x3F99]  }
0x1a: {  	s8 =	sadd.s32 $0xFFFFE003, lr  }
0x1b: {  	s9 =	sadd.s32 $0xFFFFFEF7, lr;
	s5 =	simm.s32 $0xFFFFFFFF;
	p2 =	slt.u32 s8, $0xFFFFF086  }
0x1c: {  	p1 =	slt.u32 s9, $0xF7A;
	s5 =	simm.s32 @!p2 $0x0  }
0x1d: {  	s5 =	simm.s32 @p1 $0x1;
	p0 =	seq.s32 s7, s2  }
0x1e: {  	s7 =	smul.u32 @!p0 $0xF7A, s2;
	p2 =	seq.s32 @!p0 s5, $0x0  }
0x1f: {  	s9 =	smul.u32 $0xF7A, s1;
	s8 =	simm.s32 @!p0 $0x1BF5;
	p2 =	por !p2, p0  }
0x20: {  	[sflag:s8] =	ssyncset.s32 @!p0 $0xFFFFF086;
	s6 =	sadd.s32 @!p0 s3, s7;
	s7 =	simm.s32 @!p0 $0x108  }
0x21: {  	s3 =	sadd.s32 s3, s9;
	s6 =	sadd.s32 @!p0 $0x88, s6;
	s7 =	simm.s32 @p2 $0x1082  }
0x22: {  	[simem:s7], [sflag:s8] =	dma.local @!p0 [hbm:s6], $0xF7A  }
0x23: {  	s9 =	sor.u32 $0xD0000000, s2;
	s6 =	simm.s32 $0x108;
	_ =	swait.ge @!p0 [sflag:s8], $0x0  }
0x24: {  	s3 =	sadd.s32 $0x88, s3;
	s6 =	simm.s32 @!p1 $0x1082;
	[sflag:s4] =	ssyncset.s32 $0xFFFFF086  }
0x25: {  	[simem:s6], [sflag:s4] =	dma.local [hbm:s3], $0xF7A  }
0x26: {  	[smem:$0x3F99] =	sst s1;
	(tag) =	ssettag s2;
	_ =	strace s9  }
0x27: {  	s1 =	sld [smem:$0x3FA9]  }
0x28: {  	s2 =	sld [smem:$0x3FAA]  }
0x29: {  	s4 =	sld [smem:$0x3FAC]  }
0x2a: {  	p0 =	seq.s32 s5, $0x0;
	s5 =	sld [smem:$0x3FAD]  }
0x2b: {  	s6 =	sld [smem:$0x3FAE]  }
0x2c: {  	s7 =	sld [smem:$0x3FAF]  }
0x2d: {  	s3 =	simm.s32 $0x108;
	s8 =	sld [smem:$0x3FB0]  }
0x2e: {  	s3 =	simm.s32 @!p0 $0x1082;
	s9 =	sld [smem:$0x3FB1]  }
0x2f: {  	lr =	sadd.s32 s0, s3;
	s0 =	sld [smem:$0x3FA8]  }
0x30: {  	s3 =	sld [smem:$0x3FAB]  }
0x31: {  	[smem:$0x3FB4] =	sst s10  }
0x32: {  	s10 =	sld [smem:$0x3FB2];
	_ =	sdelay $0x3  }
0x33: {  	p0 =	seq.s32 s10, $0x1;
	s10 =	sld [smem:$0x3FB4];
	_ =	sdelay $0x3  }
0x34: {  	[smem:$0x3FB4] =	sst s10  }
0x35: {  	s10 =	sld [smem:$0x3FB3];
	_ =	sdelay $0x3  }
0x36: {  	p1 =	seq.s32 s10, $0x1;
	s10 =	sld [smem:$0x3FB4];
	_ =	sdelay $0x3  }
0x37: {  	[smem:$0x3FB4] =	sst s10  }
0x38: {  	s10 =	sld [smem:$0x3FB5]  }
0x39: {  	_ = 	snop;
	(pc) =	sbr.ind lr, $3  }
0x3a: {  	_ = 	snop  }
0x3b: {  	_ = 	snop  }
0x3c: {  	p2 =	seq.s32 s10, $0x1;
	s10 =	sld [smem:$0x3FB4]  }
0x3d: {  	_ =	shalt  }
0x3e: {  	_ =	shalt  }
0x3f: {  	_ =	shalt  }
0x40: {  	_ =	shalt  }
0x41: {  	_ =	shalt  }
0x42: {  	_ =	shalt  }
0x43: {  	_ =	shalt  }
0x44: {  	_ =	shalt  }
0x45: {  	_ =	shalt  }
0x46: {  	_ =	shalt  }
0x47: {  	_ =	shalt  }
0x48: {  	_ =	shalt  }
0x49: {  	_ =	shalt  }
0x4a: {  	_ =	shalt  }
0x4b: {  	_ =	shalt  }
0x4c: {  	_ =	shalt  }
0x4d: {  	_ =	shalt  }
0x4e: {  	_ =	shalt  }
0x4f: {  	_ =	shalt  }
0x50: {  	_ =	shalt  }
0x51: {  	_ =	shalt  }
0x52: {  	_ =	shalt  }
0x53: {  	_ =	shalt  }
0x54: {  	_ =	shalt  }
0x55: {  	_ =	shalt  }
0x56: {  	_ =	shalt  }
0x57: {  	_ =	shalt  }
0x58: {  	_ =	shalt  }
0x59: {  	_ =	shalt  }
0x5a: {  	_ =	shalt  }
0x5b: {  	_ =	shalt  }
0x5c: {  	_ =	shalt  }
0x5d: {  	_ =	shalt  }
0x5e: {  	_ =	shalt  }
0x5f: {  	_ =	shalt  }
0x60: {  	_ =	shalt  }
0x61: {  	_ =	shalt  }
0x62: {  	_ =	shalt  }
0x63: {  	_ =	shalt  }
0x64: {  	_ =	shalt  }
0x65: {  	_ =	shalt  }
0x66: {  	_ =	shalt  }
0x67: {  	_ =	shalt  }
0x68: {  	_ =	shalt  }
0x69: {  	_ =	shalt  }
0x6a: {  	_ =	shalt  }
0x6b: {  	_ =	shalt  }
0x6c: {  	_ =	shalt  }
0x6d: {  	_ =	shalt  }
0x6e: {  	_ =	shalt  }
0x6f: {  	_ =	shalt  }
0x70: {  	_ =	shalt  }
0x71: {  	_ =	shalt  }
0x72: {  	_ =	shalt  }
0x73: {  	_ =	shalt  }
0x74: {  	_ =	shalt  }
0x75: {  	_ =	shalt  }
0x76: {  	_ =	shalt  }
0x77: {  	_ =	shalt  }
0x78: {  	_ =	shalt  }
0x79: {  	_ =	shalt  }
0x7a: {  	_ =	shalt  }
0x7b: {  	_ =	shalt  }
0x7c: {  	_ =	shalt  }
0x7d: {  	_ =	shalt  }
0x7e: {  	_ =	shalt  }
0x7f: {  	_ =	shalt  }
0x80: {  	_ =	shalt  }
0x81: {  	_ =	shalt  }
0x82: {  	_ =	shalt  }
0x83: {  	_ =	shalt  }
0x84: {  	_ =	shalt  }
0x85: {  	_ =	shalt  }
0x86: {  	_ =	shalt  }
0x87: {  	_ =	shalt  }
.Lfunc_end0:
.L_simem_size_0:
called_computation_lowered:
.L_overlay_start_0:
0x88: {  	s2 =	sld [smem:$0x3FD9]  }
0x89: {  	s3 =	sld [smem:$0x3FFE];
	_ =	sdelay $0x1  }
0x8a: {  	s1 =	srdreg.scid  }
0x8b: {  	s0 =	sand.u32 $0x1, s1  }
0x8c: {  	s17 =	sshll.u32 s0, $0xA;
	s2 =	sadd.s32 s3, s2  }
0x8d: {  	s2 =	sadd.s32 s2, s17  }
0x8e: {  	[smem:$0x3FC0] =	sst s2  }
0x8f: {  	_ = 	snop  }
0x90: {  	s2 =	sld [smem:$0x3FD0];
	(tm) =	ssettm $0x1  }
0x91: {  	s18 =	sld [smem:$0x3FFB];
	_ =	sdelay $0x3  }
0x92: {  	_ =	strace s18  }
0x93: {  	s3 =	sld [smem:$0x3FFC];
	_ =	sdelay $0x3  }
0x94: {  	_ =	strace s3  }
0x95: {  	s3 =	sld [smem:$0x3FFD];
	_ =	sdelay $0x3  }
0x96: {  	_ =	strace s3  }
0x97: {  	_ =	strace $0x8FFFFFFF  }
0x98: {  	s19 =	sld [smem:$0x3FDB];
	_ =	sdelay $0x1  }
0x99: {  	s4 =	simm.s32 $_scs_section_size  }
0x9a: {  	s5 =	simm.s32 $_size__tile_overlayer_lowered;
	s6 =	simm.s32 $_tile_overlayer_lowered  }
0x9b: {  	s22 =	simm.s32 $0x1BFF;
	s21 =	sshll.u32 s6, $0x1;
	s3 =	sadd.s32 s4, s19  }
0x9c: {  	s7 =	simm.s32 $0x0;
	s20 =	sshll.u32 s5, $0x1;
	s5 =	sadd.s32 s21, s3  }
0x9d: {  	[timem:s7], [sflag:s22] =	dma.local [hbm:s5], s20  }
0x9e: {  	_ =	swait.ge [sflag:s22], s20  }
0x9f: {  	s4 =	ssub.s32 $0x0, s20;
	[sflag:s22] =	ssyncset.done $0x0  }
0xa0: {  	[sflag:s22] =	ssyncadd.s32 s4;
	_ =	sdelay $0x1  }
0xa1: {  	s23 =	simm.s32 $0x1B8B  }
0xa2: {  	_ =	swait.ge [sflag:s23], $0x1  }
0xa3: {  	[sflag:s23] =	ssyncset.done $0x0  }
0xa4: {  	s25 =	simm.s32 $0x1B8E;
	s24 =	sld [smem:$0x3FFE];
	[sflag:s23] =	ssyncadd.s32 $0xFFFFFFFF  }
0xa5: {  	s26 =	simm.s32 $execute0_lowered;
	[smem:$0x3FD2] =	sst s25  }
0xa6: {  	s5 =	sshll.u32 s26, $0x1;
	_ =	strace $0x80000046;
	[dreg:$0x1] =	wrdreg $0xFFFFFFFF  }
0xa7: {  	s28 =	simm.s32 $_size_execute0_lowered;
	s3 =	sadd.s32 s3, s5;
	[dreg:$0x0] =	wrdreg $0x0  }
0xa8: {  	s5 =	sshll.u32 s28, $0x1;
	[dreg:$0x2] =	wrdreg s3  }
0xa9: {  	[dreg:$0x3] =	wrdreg s5  }
0xaa: {  	[dreg:$0x4] =	wrdreg $0xC0  }
0xab: {  	_ =	task [dreg:s7], $0x5FFFF  }
0xac: {  	[dreg:$0x1] =	wrdreg $0xFFFFFFFF  }
0xad: {  	[dreg:$0x0] =	wrdreg $0x60  }
0xae: {  	[dreg:$0x2] =	wrdreg s2  }
0xaf: {  	[dreg:$0x3] =	wrdreg s24  }
0xb0: {  	[dreg:$0x4] =	wrdreg $0x77200  }
0xb1: {  	[dreg:$0x5] =	wrdreg $0x117200  }
0xb2: {  	[dreg:$0x6] =	wrdreg $0x1D4200  }
0xb3: {  	[dreg:$0x7] =	wrdreg $0x9  }
0xb4: {  	_ =	task.clear_ibuf [dreg:s7], $0x8FFFF;
	_ =	strace $0x90000046  }
0xb5: {  	s29 =	simm.s32 $0x9;
	_ =	strace $0x80000048  }
0xb6: {  	_ =	swait.ge [sflag:s29], $0x1  }
0xb7: {  	[sflag:s29] =	ssyncadd.s32 $0xFFFFFFFF  }
0xb8: {  	_ =	strace $0x90000048  }
0xb9: {  	_ =	sfence  }
0xba: {  	s30 =	sld [smem:$0x0];
	_ =	sdelay $0x2  }
0xbb: {  	s31 =	sshll.u32 s1, $0xD;
	s1 =	sshrl.u32 s1, $0x2  }
0xbc: {  	s3 =	sand.u32 $0x4000, s31;
	s1 =	sadd.s32 s1, s30  }
0xbd: {  	s0 =	sor.u32 s3, s0;
	s1 =	sshll.u32 s1, $0x11  }
0xbe: {  	s0 =	sor.u32 s1, s0  }
0xbf: {  	s0 =	sadd.s32 $0x8F2B, s0  }
0xc0: {  	[sflag:s0] =	ssyncadd.remote.s32 $0x1  }
0xc1: {  	_ =	sfence.sel $0xFFFF  }
0xc2: {  	[dreg:$0x0] =	wrdreg $0xFFFFFFFF;
	(pc) =	sbr.abs _section_cstart, $3  }
0xc3: {  	[dreg:$0x1] =	wrdreg $0xFFFFFFFF  }
0xc4: {  	_ =	task.clear_ibuf [dreg:s7], $0x2FFFF;
	_ =	strace $0x9FFFFFFF  }
0xc5: {  	(tm) =	ssettm $0x7FFFFFFF  }
tec
execute0_lowered:
.L_overlay_start_1:
0x0: {  	(tag) =	ssettag $0x1  }
0x1: {  	s2 =	stileid.u32;
	s0 =	srdreg.scid  }
0x2: {  	s6 =	rddreg [dreg:$0x0];
	s5 =	smul.u32 $0x280, s2  }
0x3: {  	s1 =	sand.u32 $0x1, s0;
	s3 =	smul.u32 $0xA000, s2;
	s0 =	rddreg [dreg:$0x1]  }
0x4: {  	s31 =	rddreg [dreg:$0x2];
	s15 =	ssub.s32 $0x2, s1;
	s28 =	sadd.s32 $0x3CE00, s0  }
0x5: {  	s7 =	sshrl.u32 s15, $0x1;
	s8 =	sshrl.u32 s3, $0x3;
	s4 =	sor.u32 $0x40, s5  }
0x6: {  	s9 =	sadd.s32 $0x80, s5;
	s10 =	sadd.s32 $0x100, s5;
	s12 =	sadd.s32 $0x180, s5  }
0x7: {  	s14 =	sadd.s32 $0x1C0, s5;
	s2 =	ssub.s32 s15, s7;
	s16 =	sadd.s32 s6, s8  }
0x8: {  	s17 =	sshll.u32 s4, $0x3;
	s8 =	sadd.s32 $0xC0, s5;
	s19 =	sshll.u32 s9, $0x3  }
0x9: {  	s22 =	sshll.u32 s10, $0x3;
	s13 =	sshll.u32 s12, $0x3;
	[smem:$0x7F1] =	sst s2  }
0xa: {  	s30 =	sshll.u32 s4, $0x4;
	[dreg:$0x6] =	wrdreg s16;
	s18 =	sadd.s32 s6, s17  }
0xb: {  	s11 =	sshll.u32 s8, $0x3;
	s20 =	sadd.s32 s6, s19;
	s23 =	sadd.s32 s6, s22  }
0xc: {  	s26 =	sadd.s32 s6, s13;
	s2 =	sshll.u32 s14, $0x3;
	[dreg:$0x7] =	wrdreg s18  }
0xd: {  	s16 =	sadd.s32 $0x240, s5;
	s22 =	sshll.u32 s9, $0x6;
	[dreg:$0x8] =	wrdreg s20  }
0xe: {  	s9 =	sshll.u32 s9, $0x4;
	s21 =	sadd.s32 s6, s11;
	[dreg:$0xa] =	wrdreg s23  }
0xf: {  	s11 =	sadd.s32 $0x140, s5;
	[dreg:$0xc] =	wrdreg s26;
	s23 =	sadd.s32 $0x200, s5  }
0x10: {  	s18 =	smul.u32 $0xA0000, s1;
	s5 =	sadd.s32 s6, s2;
	[smem:$0x7EA] =	sst s22  }
0x11: {  	s13 =	sshll.u32 s16, $0x3;
	[dreg:$0x9] =	wrdreg s21;
	s24 =	sshll.u32 s11, $0x3  }
0x12: {  	[dreg:$0xd] =	wrdreg s5;
	s7 =	sshll.u32 s23, $0x3;
	s17 =	sadd.s32 s6, s13  }
0x13: {  	s21 =	sadd.s32 $0x14E00, s0;
	s25 =	sadd.s32 s6, s24;
	s15 =	sadd.s32 s6, s7  }
0x14: {  	[dreg:$0xf] =	wrdreg s17;
	s19 =	sadd.s32 s3, s18;
	s7 =	sshll.u32 s4, $0x6  }
0x15: {  	s6 =	sshll.u32 s8, $0x6;
	s8 =	sshll.u32 s8, $0x4;
	[dreg:$0xb] =	wrdreg s25  }
0x16: {  	[dreg:$0xe] =	wrdreg s15;
	s5 =	sshrl.u32 s19, $0x3;
	s24 =	sadd.s32 s18, s7  }
0x17: {  	s15 =	sadd.s32 s18, s22;
	s20 =	sadd.s32 s21, s5;
	s25 =	sshrl.u32 s24, $0x3  }
0x18: {  	s2 =	sshrl.u32 s15, $0x3;
	s5 =	sadd.s32 s18, s6;
	[dreg:$0x10] =	wrdreg s20  }
0x19: {  	s26 =	sadd.s32 s21, s25;
	s13 =	sadd.s32 s21, s2;
	s15 =	sshrl.u32 s5, $0x3  }
0x1a: {  	[dreg:$0x12] =	wrdreg s13;
	s13 =	sshll.u32 s10, $0x6;
	s17 =	sadd.s32 s21, s15  }
0x1b: {  	s15 =	sshll.u32 s11, $0x6;
	[dreg:$0x13] =	wrdreg s17;
	s17 =	sadd.s32 s18, s13  }
0x1c: {  	s2 =	sshll.u32 s10, $0x4;
	s20 =	sadd.s32 s18, s15;
	s19 =	sshrl.u32 s17, $0x3  }
0x1d: {  	[dreg:$0x11] =	wrdreg s26;
	s20 =	sshrl.u32 s20, $0x3;
	s19 =	sadd.s32 s21, s19  }
0x1e: {  	s17 =	sshll.u32 s12, $0x6;
	s24 =	sadd.s32 s21, s20;
	[dreg:$0x14] =	wrdreg s19  }
0x1f: {  	s22 =	sadd.s32 s18, s17;
	s20 =	sshll.u32 s14, $0x6;
	[dreg:$0x15] =	wrdreg s24  }
0x20: {  	s25 =	sshrl.u32 s22, $0x3;
	s22 =	sshll.u32 s23, $0x6;
	s5 =	sadd.s32 s18, s20  }
0x21: {  	s24 =	sshll.u32 s16, $0x6;
	s23 =	sshll.u32 s23, $0x4;
	s26 =	sadd.s32 s21, s25  }
0x22: {  	s19 =	sshrl.u32 s5, $0x3;
	s25 =	sadd.s32 s18, s22;
	s18 =	sadd.s32 s18, s24  }
0x23: {  	s5 =	stileid.u32;
	[dreg:$0x16] =	wrdreg s26;
	s19 =	sadd.s32 s21, s19  }
0x24: {  	s25 =	sshrl.u32 s25, $0x3;
	s18 =	sshrl.u32 s18, $0x3;
	s26 =	smul.u32 $0x9C4, s5  }
0x25: {  	s29 =	smul.u32 $0x2800, s5;
	[dreg:$0x17] =	wrdreg s19;
	s25 =	sadd.s32 s21, s25  }
0x26: {  	s5 =	sshll.u32 s11, $0x4;
	s19 =	simm.s32 $0x0;
	[dreg:$0x18] =	wrdreg s25  }
0x27: {  	s25 =	sadd.s32 s21, s18;
	s26 =	sadd.s32 s26, s0;
	s0 =	smul.u32 $0x28000, s1  }
0x28: {  	[smem:$0x7FF] =	sst s19;
	s18 =	sshll.u32 s12, $0x4;
	s21 =	sshll.u32 s14, $0x4  }
0x29: {  	[dreg:$0x19] =	wrdreg s25;
	s25 =	sshll.u32 s16, $0x4;
	s12 =	sadd.s32 s29, s0  }
0x2a: {  	s14 =	sadd.s32 s0, s30;
	s10 =	sadd.s32 s0, s9;
	s4 =	sshrl.u32 s12, $0x3  }
0x2b: {  	s11 =	sadd.s32 s0, s8;
	s16 =	sshrl.u32 s14, $0x3;
	s4 =	sadd.s32 s28, s4  }
0x2c: {  	s12 =	sadd.s32 s0, s2;
	[dreg:$0x1a] =	wrdreg s4;
	s4 =	sadd.s32 s28, s16  }
0x2d: {  	s16 =	sshrl.u32 s12, $0x3;
	[dreg:$0x1b] =	wrdreg s4;
	s4 =	sshrl.u32 s10, $0x3  }
0x2e: {  	s12 =	sadd.s32 s0, s21;
	s10 =	sshrl.u32 s11, $0x3;
	s4 =	sadd.s32 s28, s4  }
0x2f: {  	s11 =	sadd.s32 s0, s18;
	s14 =	sadd.s32 s28, s10;
	[dreg:$0x1c] =	wrdreg s4  }
0x30: {  	s10 =	sadd.s32 s0, s5;
	[dreg:$0x1d] =	wrdreg s14;
	s4 =	sadd.s32 s28, s16  }
0x31: {  	s16 =	sshrl.u32 s12, $0x3;
	s12 =	smul.u32 $0x4E2, s1;
	s1 =	rddreg [dreg:$0x4]  }
0x32: {  	[dreg:$0x1e] =	wrdreg s4;
	s4 =	sshrl.u32 s10, $0x3;
	s10 =	sshrl.u32 s11, $0x3  }
0x33: {  	s11 =	sadd.s32 s0, s25;
	s8 =	sadd.s32 s8, s1;
	s2 =	sadd.s32 s2, s1  }
0x34: {  	s18 =	sadd.s32 s18, s1;
	s21 =	sadd.s32 s21, s1;
	s4 =	sadd.s32 s28, s4  }
0x35: {  	s14 =	sadd.s32 s28, s10;
	s10 =	sadd.s32 s0, s23;
	s0 =	rddreg [dreg:$0x3]  }
0x36: {  	s25 =	sadd.s32 s25, s1;
	[dreg:$0x1f] =	wrdreg s4;
	s4 =	sadd.s32 s28, s16  }
0x37: {  	s26 =	sadd.s32 s12, s26;
	[smem:$0x7E5] =	sst s4;
	s4 =	sshrl.u32 s10, $0x3  }
0x38: {  	[smem:$0x7E4] =	sst s14;
	s10 =	sshrl.u32 s11, $0x3;
	s4 =	sadd.s32 s28, s4  }
0x39: {  	s16 =	stileid.u32;
	s14 =	sadd.s32 s28, s10;
	[smem:$0x7E6] =	sst s4  }
0x3a: {  	s10 =	sadd.s32 s7, s31;
	[smem:$0x7E7] =	sst s14;
	s4 =	sshll.u32 s16, $0x6  }
0x3b: {  	s16 =	sadd.s32 s7, s0;
	_ =	strace $0x80000047;
	[smem:$0x7F4] =	sst s10  }
0x3c: {  	s12 =	sadd.s32 s29, s1;
	s7 =	sadd.s32 s30, s1;
	[smem:$0x7E8] =	sst s16  }
0x3d: {  	s23 =	sadd.s32 s23, s1;
	s29 =	sadd.s32 $0x1200, s26;
	[smem:$0x7E9] =	sst s7  }
0x3e: {  	s11 =	sadd.s32 s3, s0;
	s28 =	sadd.s32 $0xB000, s26;
	[smem:$0x7EE] =	sst s8  }
0x3f: {  	s14 =	sadd.s32 s3, s31;
	s30 =	sadd.s32 s20, s31;
	[smem:$0x7F0] =	sst s2  }
0x40: {  	s20 =	sadd.s32 s20, s0;
	s16 =	sadd.s32 s9, s1;
	s10 =	sld [smem:$0x7EA]  }
0x41: {  	s9 =	sadd.s32 s6, s31;
	s6 =	sadd.s32 s6, s0;
	[smem:$0x7EC] =	sst s16  }
0x42: {  	s4 =	sor.u32 $0x1C01, s4;
	s14 =	sshrl.u32 s14, $0x3;
	[smem:$0x7ED] =	sst s6  }
0x43: {  	s8 =	sadd.s32 s13, s31;
	s2 =	sadd.s32 s24, s31;
	[smem:$0x7F3] =	sst s14  }
0x44: {  	s6 =	sadd.s32 s15, s31;
	s26 =	sld [smem:$0x7F4];
	s14 =	sshrl.u32 s8, $0x3  }
0x45: {  	s16 =	sadd.s32 s5, s1;
	s2 =	sshrl.u32 s2, $0x3;
	[smem:$0x7F8] =	sst s14  }
0x46: {  	s5 =	sadd.s32 s17, s31;
	s6 =	sshrl.u32 s6, $0x3;
	[smem:$0x7FD] =	sst s2  }
0x47: {  	s24 =	sadd.s32 s24, s0;
	s5 =	sshrl.u32 s5, $0x3;
	[smem:$0x7F9] =	sst s6  }
0x48: {  	s15 =	sadd.s32 s15, s0;
	[smem:$0x7FA] =	sst s5;
	s7 =	sadd.s32 s10, s31  }
0x49: {  	s3 =	sadd.s32 s10, s0;
	s10 =	sadd.s32 s13, s0;
	s13 =	sld [smem:$0x7F1]  }
0x4a: {  	s17 =	sadd.s32 s17, s0;
	s2 =	simm.s32 $0x190;
	[smem:$0x7EB] =	sst s3  }
0x4b: {  	[smem:$0x7EF] =	sst s10;
	s3 =	sadd.s32 s22, s31;
	s7 =	sshrl.u32 s7, $0x3  }
0x4c: {  	s5 =	simm.s32 $0x320;
	[smem:$0x7F6] =	sst s7;
	s3 =	sshrl.u32 s3, $0x3  }
0x4d: {  	s6 =	simm.s32 $0x1B720;
	s10 =	smax.u32 s13, $0x1;
	[smem:$0x7FC] =	sst s3  }
0x4e: {  	s22 =	sadd.s32 s22, s0;
	s13 =	sshrl.u32 s9, $0x3;
	[smem:$0x7F2] =	sst s10  }
0x4f: {  	s7 =	simm.s32 $0x0;
	s10 =	sshrl.u32 s26, $0x3;
	[smem:$0x7F7] =	sst s13  }
0x50: {  	s3 =	simm.s32 $0x1;
	s26 =	sshrl.u32 s30, $0x3;
	[smem:$0x7F5] =	sst s10  }
0x51: {  	v0 =	vimm.f32 $0.0e+00;
	v1 =	vimm.f32 $1.000000000e+00;
	s30 =	simm.s32 $0x1D020;
	[smem:$0x7FB] =	sst s26;
	s26 =	simm.s32 $0x6720  }
.LBB2_1:
0x52: {  	s8 =	simm.s32 $0x6740;
	s9 =	simm.s32 $0x0  }
.LBB2_2:
0x53: {  	p0 =	sne.s32 s9, $0xFC0  }
.Ltmp0:
0x54: {  	[tilespmem:s8+$0xFFFFFFE0] =	vst v0;
	(pc) =	sbr.rel @p0 .LBB2_2-.Ltmp0, $4  }
0x55: {  	[tilespmem:s8+$0xFFFFFFF0] =	vst v0  }
0x56: {  	[tilespmem:s8+$0x0] =	vst v0  }
0x57: {  	[tilespmem:s8+$0x10] =	vst v0;
	s10 =	sshra.s32 s9, $0x2  }
0x58: {  	s8 =	sadd.s32 $0x40, s8;
	s9 =	sadd.s32 $0x40, s9;
	[tilespmem:s10+$0x1D020] =	vst v0  }
0x59: {  	s8 =	simm.s32 $0x40;
	s9 =	simm.s32 $0x0  }
.LBB2_4:
0x5a: {  	p0 =	sne.s32 s8, $0x63C0;
	[tilespmem:s9+$0x1B720] =	vst v1;
	s9 =	smov.u32 s8;
	s8 =	sadd.s32 $0x40, s8  }
.Ltmp1:
0x5b: {  	(pc) =	sbr.rel @p0 .LBB2_4-.Ltmp1, $2  }
0x5c: {  	_ =	sdelay $0x2  }
0x5d: {  	s9 =	sshra.s32 s9, $0x2  }
0x5e: {  	s14 =	sld [smem:$0x7F3];
	_ =	sdelay $0x1  }
0x5f: {  	[tilespmem:s9+$0x1B720] =	vst v1;
	s8 =	rddreg [dreg:$0x6]  }
0x60: {  	[spmem:s14], [sflag:s4] =	dma.local [hbm:s8], $0x200  }
0x61: {  	_ =	swait.ge [sflag:s3], $0x200  }
0x62: {  	[sflag:s3] =	ssyncset.done $0x0  }
0x63: {  	[sflag:s3] =	ssyncadd.s32 $0xFFFFFE00  }
0x64: {  	[spmem:s11] =	stream.linear.scatter [tilespmem:s26], [sflag:$0x1], $0x1000, $0x38;
	[tilespmem:$0x1FC20] =	vst v63  }
0x65: {  	_ =	swait.ge [sflag:s3], $0x1000  }
0x66: {  	[sflag:s3] =	ssyncset.done $0x0  }
0x67: {  	[sflag:s3] =	ssyncadd.s32 $0xFFFFF000  }
0x68: {  	[spmem:s12] =	stream.linear.scatter [tilespmem:s30], [sflag:$0x1], $0x400, $0x38;
	[tilespmem:$0x1FC20] =	vst v63  }
0x69: {  	_ =	swait.ge [sflag:s3], $0x400  }
0x6a: {  	s10 =	sld [smem:$0x7F5]  }
0x6b: {  	[sflag:s3] =	ssyncset.done $0x0  }
0x6c: {  	s9 =	rddreg [dreg:$0x7];
	[sflag:s3] =	ssyncadd.s32 $0xFFFFFC00  }
0x6d: {  	[spmem:s10], [sflag:s4] =	dma.local [hbm:s9], $0x200  }
0x6e: {  	_ =	swait.ge [sflag:s3], $0x200  }
0x6f: {  	s13 =	smov.u32 s11;
	s11 =	sld [smem:$0x7E8]  }
0x70: {  	[sflag:s3] =	ssyncset.done $0x0  }
0x71: {  	[sflag:s3] =	ssyncadd.s32 $0xFFFFFE00  }
0x72: {  	[spmem:s11] =	stream.linear.scatter [tilespmem:s26], [sflag:$0x1], $0x1000, $0x38;
	[tilespmem:$0x1FC20] =	vst v63  }
0x73: {  	_ =	swait.ge [sflag:s3], $0x1000  }
0x74: {  	s14 =	smov.u32 s12;
	s12 =	sld [smem:$0x7E9]  }
0x75: {  	[sflag:s3] =	ssyncset.done $0x0  }
0x76: {  	[sflag:s3] =	ssyncadd.s32 $0xFFFFF000  }
0x77: {  	[spmem:s12] =	stream.linear.scatter [tilespmem:s30], [sflag:$0x1], $0x400, $0x38;
	[tilespmem:$0x1FC20] =	vst v63  }
0x78: {  	_ =	swait.ge [sflag:s3], $0x400  }
0x79: {  	s10 =	sld [smem:$0x7F6]  }
0x7a: {  	[sflag:s3] =	ssyncset.done $0x0  }
0x7b: {  	s9 =	rddreg [dreg:$0x8];
	[sflag:s3] =	ssyncadd.s32 $0xFFFFFC00  }
0x7c: {  	[spmem:s10], [sflag:s4] =	dma.local [hbm:s9], $0x200  }
0x7d: {  	_ =	swait.ge [sflag:s3], $0x200  }
0x7e: {  	s11 =	sld [smem:$0x7EB]  }
0x7f: {  	[sflag:s3] =	ssyncset.done $0x0  }
0x80: {  	[sflag:s3] =	ssyncadd.s32 $0xFFFFFE00  }
0x81: {  	[spmem:s11] =	stream.linear.scatter [tilespmem:s26], [sflag:$0x1], $0x1000, $0x38;
	[tilespmem:$0x1FC20] =	vst v63  }
0x82: {  	_ =	swait.ge [sflag:s3], $0x1000  }
0x83: {  	s12 =	sld [smem:$0x7EC]  }
0x84: {  	[sflag:s3] =	ssyncset.done $0x0  }
0x85: {  	[sflag:s3] =	ssyncadd.s32 $0xFFFFF000  }
0x86: {  	[spmem:s12] =	stream.linear.scatter [tilespmem:s30], [sflag:$0x1], $0x400, $0x38;
	[tilespmem:$0x1FC20] =	vst v63  }
0x87: {  	_ =	swait.ge [sflag:s3], $0x400  }
0x88: {  	s10 =	sld [smem:$0x7F7]  }
0x89: {  	[sflag:s3] =	ssyncset.done $0x0  }
0x8a: {  	s9 =	rddreg [dreg:$0x9];
	[sflag:s3] =	ssyncadd.s32 $0xFFFFFC00  }
0x8b: {  	[spmem:s10], [sflag:s4] =	dma.local [hbm:s9], $0x200  }
0x8c: {  	_ =	swait.ge [sflag:s3], $0x200  }
0x8d: {  	s11 =	sld [smem:$0x7ED]  }
0x8e: {  	[sflag:s3] =	ssyncset.done $0x0  }
0x8f: {  	[sflag:s3] =	ssyncadd.s32 $0xFFFFFE00  }
0x90: {  	[spmem:s11] =	stream.linear.scatter [tilespmem:s26], [sflag:$0x1], $0x1000, $0x38;
	[tilespmem:$0x1FC20] =	vst v63  }
0x91: {  	_ =	swait.ge [sflag:s3], $0x1000  }
0x92: {  	s12 =	sld [smem:$0x7EE]  }
0x93: {  	[sflag:s3] =	ssyncset.done $0x0  }
0x94: {  	[sflag:s3] =	ssyncadd.s32 $0xFFFFF000  }
0x95: {  	[spmem:s12] =	stream.linear.scatter [tilespmem:s30], [sflag:$0x1], $0x400, $0x38;
	[tilespmem:$0x1FC20] =	vst v63  }
0x96: {  	_ =	swait.ge [sflag:s3], $0x400  }
0x97: {  	s10 =	sld [smem:$0x7F8]  }
0x98: {  	[sflag:s3] =	ssyncset.done $0x0  }
0x99: {  	s9 =	rddreg [dreg:$0xa];
	[sflag:s3] =	ssyncadd.s32 $0xFFFFFC00  }
0x9a: {  	[spmem:s10], [sflag:s4] =	dma.local [hbm:s9], $0x200  }
0x9b: {  	_ =	swait.ge [sflag:s3], $0x200  }
0x9c: {  	s11 =	sld [smem:$0x7EF]  }
0x9d: {  	[sflag:s3] =	ssyncset.done $0x0  }
0x9e: {  	[sflag:s3] =	ssyncadd.s32 $0xFFFFFE00  }
0x9f: {  	[spmem:s11] =	stream.linear.scatter [tilespmem:s26], [sflag:$0x1], $0x1000, $0x38;
	[tilespmem:$0x1FC20] =	vst v63  }
0xa0: {  	_ =	swait.ge [sflag:s3], $0x1000  }
0xa1: {  	s12 =	sld [smem:$0x7F0]  }
0xa2: {  	[sflag:s3] =	ssyncset.done $0x0  }
0xa3: {  	[sflag:s3] =	ssyncadd.s32 $0xFFFFF000  }
0xa4: {  	[spmem:s12] =	stream.linear.scatter [tilespmem:s30], [sflag:$0x1], $0x400, $0x38;
	[tilespmem:$0x1FC20] =	vst v63  }
0xa5: {  	_ =	swait.ge [sflag:s3], $0x400  }
0xa6: {  	s10 =	sld [smem:$0x7F9]  }
0xa7: {  	[sflag:s3] =	ssyncset.done $0x0  }
0xa8: {  	s9 =	rddreg [dreg:$0xb];
	[sflag:s3] =	ssyncadd.s32 $0xFFFFFC00  }
0xa9: {  	[spmem:s10], [sflag:s4] =	dma.local [hbm:s9], $0x200  }
0xaa: {  	_ =	swait.ge [sflag:s3], $0x200  }
0xab: {  	[sflag:s3] =	ssyncset.done $0x0  }
0xac: {  	[sflag:s3] =	ssyncadd.s32 $0xFFFFFE00  }
0xad: {  	[spmem:s15] =	stream.linear.scatter [tilespmem:s26], [sflag:$0x1], $0x1000, $0x38;
	[tilespmem:$0x1FC20] =	vst v63  }
0xae: {  	_ =	swait.ge [sflag:s3], $0x1000  }
0xaf: {  	[sflag:s3] =	ssyncset.done $0x0  }
0xb0: {  	[sflag:s3] =	ssyncadd.s32 $0xFFFFF000  }
0xb1: {  	[spmem:s16] =	stream.linear.scatter [tilespmem:s30], [sflag:$0x1], $0x400, $0x38;
	[tilespmem:$0x1FC20] =	vst v63  }
0xb2: {  	_ =	swait.ge [sflag:s3], $0x400  }
0xb3: {  	s12 =	sld [smem:$0x7FA]  }
0xb4: {  	[sflag:s3] =	ssyncset.done $0x0  }
0xb5: {  	s11 =	rddreg [dreg:$0xc];
	[sflag:s3] =	ssyncadd.s32 $0xFFFFFC00  }
0xb6: {  	[spmem:s12], [sflag:s4] =	dma.local [hbm:s11], $0x200  }
0xb7: {  	_ =	swait.ge [sflag:s3], $0x200  }
0xb8: {  	[sflag:s3] =	ssyncset.done $0x0  }
0xb9: {  	[sflag:s3] =	ssyncadd.s32 $0xFFFFFE00  }
0xba: {  	[spmem:s17] =	stream.linear.scatter [tilespmem:s26], [sflag:$0x1], $0x1000, $0x38;
	[tilespmem:$0x1FC20] =	vst v63  }
0xbb: {  	_ =	swait.ge [sflag:s3], $0x1000  }
0xbc: {  	[sflag:s3] =	ssyncset.done $0x0  }
0xbd: {  	[sflag:s3] =	ssyncadd.s32 $0xFFFFF000  }
0xbe: {  	[spmem:s18] =	stream.linear.scatter [tilespmem:s30], [sflag:$0x1], $0x400, $0x38;
	[tilespmem:$0x1FC20] =	vst v63  }
0xbf: {  	_ =	swait.ge [sflag:s3], $0x400  }
0xc0: {  	s10 =	sld [smem:$0x7FB]  }
0xc1: {  	[sflag:s3] =	ssyncset.done $0x0  }
0xc2: {  	s9 =	rddreg [dreg:$0xd];
	[sflag:s3] =	ssyncadd.s32 $0xFFFFFC00  }
0xc3: {  	[spmem:s10], [sflag:s4] =	dma.local [hbm:s9], $0x200  }
0xc4: {  	_ =	swait.ge [sflag:s3], $0x200  }
0xc5: {  	[sflag:s3] =	ssyncset.done $0x0  }
0xc6: {  	[sflag:s3] =	ssyncadd.s32 $0xFFFFFE00  }
0xc7: {  	[spmem:s20] =	stream.linear.scatter [tilespmem:s26], [sflag:$0x1], $0x1000, $0x38;
	[tilespmem:$0x1FC20] =	vst v63  }
0xc8: {  	_ =	swait.ge [sflag:s3], $0x1000  }
0xc9: {  	[sflag:s3] =	ssyncset.done $0x0  }
0xca: {  	[sflag:s3] =	ssyncadd.s32 $0xFFFFF000  }
0xcb: {  	[spmem:s21] =	stream.linear.scatter [tilespmem:s30], [sflag:$0x1], $0x400, $0x38;
	[tilespmem:$0x1FC20] =	vst v63  }
0xcc: {  	_ =	swait.ge [sflag:s3], $0x400  }
0xcd: {  	s12 =	sld [smem:$0x7FC]  }
0xce: {  	[sflag:s3] =	ssyncset.done $0x0  }
0xcf: {  	s11 =	rddreg [dreg:$0xe];
	[sflag:s3] =	ssyncadd.s32 $0xFFFFFC00  }
0xd0: {  	[spmem:s12], [sflag:s4] =	dma.local [hbm:s11], $0x200  }
0xd1: {  	_ =	swait.ge [sflag:s3], $0x200  }
0xd2: {  	[sflag:s3] =	ssyncset.done $0x0  }
0xd3: {  	[sflag:s3] =	ssyncadd.s32 $0xFFFFFE00  }
0xd4: {  	[spmem:s22] =	stream.linear.scatter [tilespmem:s26], [sflag:$0x1], $0x1000, $0x38;
	[tilespmem:$0x1FC20] =	vst v63  }
0xd5: {  	_ =	swait.ge [sflag:s3], $0x1000  }
0xd6: {  	[sflag:s3] =	ssyncset.done $0x0  }
0xd7: {  	[sflag:s3] =	ssyncadd.s32 $0xFFFFF000  }
0xd8: {  	[spmem:s23] =	stream.linear.scatter [tilespmem:s30], [sflag:$0x1], $0x400, $0x38;
	[tilespmem:$0x1FC20] =	vst v63  }
0xd9: {  	_ =	swait.ge [sflag:s3], $0x400  }
0xda: {  	s10 =	sld [smem:$0x7FD]  }
0xdb: {  	[sflag:s3] =	ssyncset.done $0x0  }
0xdc: {  	s9 =	rddreg [dreg:$0xf];
	[sflag:s3] =	ssyncadd.s32 $0xFFFFFC00  }
0xdd: {  	[spmem:s10], [sflag:s4] =	dma.local [hbm:s9], $0x200  }
0xde: {  	_ =	swait.ge [sflag:s3], $0x200  }
0xdf: {  	[sflag:s3] =	ssyncset.done $0x0  }
0xe0: {  	[sflag:s3] =	ssyncadd.s32 $0xFFFFFE00  }
0xe1: {  	[spmem:s24] =	stream.linear.scatter [tilespmem:s26], [sflag:$0x1], $0x1000, $0x38;
	[tilespmem:$0x1FC20] =	vst v63  }
0xe2: {  	_ =	swait.ge [sflag:s3], $0x1000  }
0xe3: {  	[sflag:s3] =	ssyncset.done $0x0  }
0xe4: {  	[sflag:s3] =	ssyncadd.s32 $0xFFFFF000  }
0xe5: {  	[spmem:s25] =	stream.linear.scatter [tilespmem:s30], [sflag:$0x1], $0x400, $0x38;
	[tilespmem:$0x1FC20] =	vst v63  }
0xe6: {  	_ =	swait.ge [sflag:s3], $0x400  }
0xe7: {  	[sflag:s3] =	ssyncset.done $0x0  }
0xe8: {  	[sflag:s3] =	ssyncadd.s32 $0xFFFFFC00  }
0xe9: {  	s11 =	sadd.s32 $0x0, s28;
	[bflag:$0x0] =	sbarrier.arrive $0xFFFF  }
0xea: {  	[tilespmem:s19], [sflag:$0x1] =	stream.linear.gather [hbm4b:s11+s19], $0x190, $0x38;
	[tilespmem:$0x1FC20] =	vst v63  }
0xeb: {  	_ =	swait.ge [sflag:s3], $0x190  }
0xec: {  	[sflag:s3] =	ssyncset.done $0x0  }
0xed: {  	s12 =	sadd.s32 $0x0, s29;
	[sflag:s3] =	ssyncadd.s32 $0xFFFFFE70  }
0xee: {  	[tilespmem:s2], [sflag:$0x1] =	stream.linear.gather [hbm4b:s12+s19], $0x190, $0x38;
	[tilespmem:$0x1FC20] =	vst v63  }
0xef: {  	_ =	swait.ge [sflag:s3], $0x190  }
0xf0: {  	[sflag:s3] =	ssyncset.done $0x0  }
0xf1: {  	[sflag:s3] =	ssyncadd.s32 $0xFFFFFE70  }
0xf2: {  	[tilespmem:s5], [sflag:$0x1] =	stream.indirect.gather [spmem:s31], $0x40, s19, s2, $0xb8;
	[tilespmem:$0x1FC20] =	vst v63  }
0xf3: {  	_ =	swait.ge [sflag:s3], $0x6400  }
0xf4: {  	[sflag:s3] =	ssyncset.done $0x0  }
0xf5: {  	[sflag:s3] =	ssyncadd.s32 $0xFFFF9C00  }
0xf6: {  	[spmem:s0] =	stream.indirect.scatter.add.f32 [tilespmem:s5], [sflag:$0x1], $0x40, s2, s2, $0xb8;
	[tilespmem:$0x1FC20] =	vst v63  }
0xf7: {  	_ =	swait.ge [sflag:s3], $0x6400  }
0xf8: {  	[sflag:s3] =	ssyncset.done $0x0  }
0xf9: {  	[sflag:s3] =	ssyncadd.s32 $0xFFFF9C00  }
0xfa: {  	[spmem:s1] =	stream.indirect.scatter.add.f32 [tilespmem:s6], [sflag:$0x1], $0x10, s2, s2, $0xb8;
	[tilespmem:$0x1FC20] =	vst v63  }
0xfb: {  	_ =	swait.ge [sflag:s3], $0x1900  }
0xfc: {  	s8 =	simm.s32 $0x32;
	s9 =	simm.s32 $0x64;
	[sflag:s3] =	ssyncset.done $0x0  }
.LBB2_6:
0xfd: {  	s10 =	sadd.s32 s8, s28  }
0xfe: {  	[sflag:s3] =	ssyncadd.s32 $0xFFFFE700;
	s11 =	smov.u32 s9;
	s12 =	sadd.s32 $0x32, s9  }
0xff: {  	[tilespmem:s19], [sflag:$0x1] =	stream.linear.gather [hbm4b:s10+s19], $0x190, $0x38;
	[tilespmem:$0x1FC20] =	vst v63  }
0x100: {  	p0 =	sne.s32 s9, $0x4B0;
	_ =	swait.ge [sflag:s3], $0x190  }
0x101: {  	[sflag:s3] =	ssyncset.done $0x0  }
0x102: {  	s9 =	sadd.s32 s8, s29;
	s8 =	smov.u32 s11;
	[sflag:s3] =	ssyncadd.s32 $0xFFFFFE70  }
0x103: {  	[tilespmem:s2], [sflag:$0x1] =	stream.linear.gather [hbm4b:s9+s19], $0x190, $0x38;
	[tilespmem:$0x1FC20] =	vst v63  }
0x104: {  	_ =	swait.ge [sflag:s3], $0x190  }
0x105: {  	[sflag:s3] =	ssyncset.done $0x0  }
0x106: {  	[sflag:s3] =	ssyncadd.s32 $0xFFFFFE70  }
0x107: {  	[tilespmem:s5], [sflag:$0x1] =	stream.indirect.gather [spmem:s31], $0x40, s19, s2, $0xb8;
	[tilespmem:$0x1FC20] =	vst v63  }
0x108: {  	_ =	swait.ge [sflag:s3], $0x6400  }
0x109: {  	[sflag:s3] =	ssyncset.done $0x0  }
0x10a: {  	[sflag:s3] =	ssyncadd.s32 $0xFFFF9C00  }
0x10b: {  	[spmem:s0] =	stream.indirect.scatter.add.f32 [tilespmem:s5], [sflag:$0x1], $0x40, s2, s2, $0xb8;
	[tilespmem:$0x1FC20] =	vst v63  }
0x10c: {  	_ =	swait.ge [sflag:s3], $0x6400  }
.Ltmp2:
0x10d: {  	[sflag:s3] =	ssyncset.done $0x0;
	(pc) =	sbr.rel @p0 .LBB2_6-.Ltmp2, $4  }
0x10e: {  	[sflag:s3] =	ssyncadd.s32 $0xFFFF9C00  }
0x10f: {  	[spmem:s1] =	stream.indirect.scatter.add.f32 [tilespmem:s6], [sflag:$0x1], $0x10, s2, s2, $0xb8;
	[tilespmem:$0x1FC20] =	vst v63  }
0x110: {  	_ =	swait.ge [sflag:s3], $0x1900  }
0x111: {  	s9 =	smov.u32 s12;
	[sflag:s3] =	ssyncset.done $0x0  }
0x112: {  	s9 =	sadd.s32 s8, s28;
	[sflag:s3] =	ssyncadd.s32 $0xFFFFE700  }
0x113: {  	[tilespmem:s19], [sflag:$0x1] =	stream.linear.gather [hbm4b:s9+s19], $0x190, $0x38;
	[tilespmem:$0x1FC20] =	vst v63  }
0x114: {  	_ =	swait.ge [sflag:s3], $0x190  }
0x115: {  	[sflag:s3] =	ssyncset.done $0x0  }
0x116: {  	s11 =	sadd.s32 s8, s29;
	[sflag:s3] =	ssyncadd.s32 $0xFFFFFE70  }
0x117: {  	[tilespmem:s2], [sflag:$0x1] =	stream.linear.gather [hbm4b:s11+s19], $0x190, $0x38;
	[tilespmem:$0x1FC20] =	vst v63  }
0x118: {  	_ =	swait.ge [sflag:s3], $0x190  }
0x119: {  	[sflag:s3] =	ssyncset.done $0x0  }
0x11a: {  	[sflag:s3] =	ssyncadd.s32 $0xFFFFFE70  }
0x11b: {  	[tilespmem:s5], [sflag:$0x1] =	stream.indirect.gather [spmem:s31], $0x40, s19, s2, $0xb8;
	[tilespmem:$0x1FC20] =	vst v63  }
0x11c: {  	_ =	swait.ge [sflag:s3], $0x6400  }
0x11d: {  	[sflag:s3] =	ssyncset.done $0x0  }
0x11e: {  	[sflag:s3] =	ssyncadd.s32 $0xFFFF9C00  }
0x11f: {  	[spmem:s0] =	stream.indirect.scatter.add.f32 [tilespmem:s5], [sflag:$0x1], $0x40, s2, s2, $0xb8;
	[tilespmem:$0x1FC20] =	vst v63  }
0x120: {  	_ =	swait.ge [sflag:s3], $0x6400  }
0x121: {  	[sflag:s3] =	ssyncset.done $0x0  }
0x122: {  	[sflag:s3] =	ssyncadd.s32 $0xFFFF9C00  }
0x123: {  	[spmem:s1] =	stream.indirect.scatter.add.f32 [tilespmem:s6], [sflag:$0x1], $0x10, s2, s2, $0xb8;
	[tilespmem:$0x1FC20] =	vst v63  }
0x124: {  	_ =	swait.ge [sflag:s3], $0x1900  }
0x125: {  	[sflag:s3] =	ssyncset.done $0x0  }
0x126: {  	[sflag:s3] =	ssyncadd.s32 $0xFFFFE700  }
0x127: {  	[bflag:$0x0] =	sbarrier.arrive $0xFFFF  }
0x128: {  	s12 =	sshrl.u32 s13, $0x3;
	s11 =	smov.u32 s13;
	s13 =	rddreg [dreg:$0x10]  }
0x129: {  	[hbm:s13], [sflag:s4] =	dma.local [spmem:s12], $0x200  }
0x12a: {  	_ =	swait.ge [sflag:s3], $0x200  }
0x12b: {  	[sflag:s3] =	ssyncset.done $0x0  }
0x12c: {  	s9 =	sshrl.u32 s14, $0x3;
	s10 =	rddreg [dreg:$0x1a];
	[sflag:s3] =	ssyncadd.s32 $0xFFFFFE00  }
0x12d: {  	[hbm:s10], [sflag:s4] =	dma.local [spmem:s9], $0x80  }
0x12e: {  	_ =	swait.ge [sflag:s3], $0x80  }
0x12f: {  	s13 =	sld [smem:$0x7E8];
	_ =	sdelay $0x1  }
0x130: {  	s12 =	smov.u32 s14;
	[sflag:s3] =	ssyncset.done $0x0  }
0x131: {  	s14 =	rddreg [dreg:$0x11];
	[sflag:s3] =	ssyncadd.s32 $0xFFFFFF80;
	s8 =	sshrl.u32 s13, $0x3  }
0x132: {  	[hbm:s14], [sflag:s4] =	dma.local [spmem:s8], $0x200  }
0x133: {  	_ =	swait.ge [sflag:s3], $0x200  }
0x134: {  	s9 =	sld [smem:$0x7E9];
	_ =	sdelay $0x1  }
0x135: {  	[sflag:s3] =	ssyncset.done $0x0  }
0x136: {  	s10 =	rddreg [dreg:$0x1b];
	[sflag:s3] =	ssyncadd.s32 $0xFFFFFE00;
	s8 =	sshrl.u32 s9, $0x3  }
0x137: {  	[hbm:s10], [sflag:s4] =	dma.local [spmem:s8], $0x80  }
0x138: {  	_ =	swait.ge [sflag:s3], $0x80  }
0x139: {  	s13 =	sld [smem:$0x7EB];
	_ =	sdelay $0x1  }
0x13a: {  	[sflag:s3] =	ssyncset.done $0x0  }
0x13b: {  	s14 =	rddreg [dreg:$0x12];
	[sflag:s3] =	ssyncadd.s32 $0xFFFFFF80;
	s8 =	sshrl.u32 s13, $0x3  }
0x13c: {  	[hbm:s14], [sflag:s4] =	dma.local [spmem:s8], $0x200  }
0x13d: {  	_ =	swait.ge [sflag:s3], $0x200  }
0x13e: {  	s9 =	sld [smem:$0x7EC];
	_ =	sdelay $0x1  }
0x13f: {  	[sflag:s3] =	ssyncset.done $0x0  }
0x140: {  	s10 =	rddreg [dreg:$0x1c];
	[sflag:s3] =	ssyncadd.s32 $0xFFFFFE00;
	s8 =	sshrl.u32 s9, $0x3  }
0x141: {  	[hbm:s10], [sflag:s4] =	dma.local [spmem:s8], $0x80  }
0x142: {  	_ =	swait.ge [sflag:s3], $0x80  }
0x143: {  	s13 =	sld [smem:$0x7ED];
	_ =	sdelay $0x1  }
0x144: {  	[sflag:s3] =	ssyncset.done $0x0  }
0x145: {  	s14 =	rddreg [dreg:$0x13];
	[sflag:s3] =	ssyncadd.s32 $0xFFFFFF80;
	s8 =	sshrl.u32 s13, $0x3  }
0x146: {  	[hbm:s14], [sflag:s4] =	dma.local [spmem:s8], $0x200  }
0x147: {  	_ =	swait.ge [sflag:s3], $0x200  }
0x148: {  	s9 =	sld [smem:$0x7EE];
	_ =	sdelay $0x1  }
0x149: {  	[sflag:s3] =	ssyncset.done $0x0  }
0x14a: {  	s10 =	rddreg [dreg:$0x1d];
	[sflag:s3] =	ssyncadd.s32 $0xFFFFFE00;
	s8 =	sshrl.u32 s9, $0x3  }
0x14b: {  	[hbm:s10], [sflag:s4] =	dma.local [spmem:s8], $0x80  }
0x14c: {  	_ =	swait.ge [sflag:s3], $0x80  }
0x14d: {  	s13 =	sld [smem:$0x7EF];
	_ =	sdelay $0x1  }
0x14e: {  	[sflag:s3] =	ssyncset.done $0x0  }
0x14f: {  	s14 =	rddreg [dreg:$0x14];
	[sflag:s3] =	ssyncadd.s32 $0xFFFFFF80;
	s8 =	sshrl.u32 s13, $0x3  }
0x150: {  	[hbm:s14], [sflag:s4] =	dma.local [spmem:s8], $0x200  }
0x151: {  	_ =	swait.ge [sflag:s3], $0x200  }
0x152: {  	s9 =	sld [smem:$0x7F0];
	_ =	sdelay $0x1  }
0x153: {  	[sflag:s3] =	ssyncset.done $0x0  }
0x154: {  	s10 =	rddreg [dreg:$0x1e];
	[sflag:s3] =	ssyncadd.s32 $0xFFFFFE00;
	s8 =	sshrl.u32 s9, $0x3  }
0x155: {  	[hbm:s10], [sflag:s4] =	dma.local [spmem:s8], $0x80  }
0x156: {  	_ =	swait.ge [sflag:s3], $0x80  }
0x157: {  	[sflag:s3] =	ssyncset.done $0x0  }
0x158: {  	s13 =	sshrl.u32 s15, $0x3;
	s14 =	rddreg [dreg:$0x15];
	[sflag:s3] =	ssyncadd.s32 $0xFFFFFF80  }
0x159: {  	[hbm:s14], [sflag:s4] =	dma.local [spmem:s13], $0x200  }
0x15a: {  	_ =	swait.ge [sflag:s3], $0x200  }
0x15b: {  	[sflag:s3] =	ssyncset.done $0x0  }
0x15c: {  	s9 =	sshrl.u32 s16, $0x3;
	s10 =	rddreg [dreg:$0x1f];
	[sflag:s3] =	ssyncadd.s32 $0xFFFFFE00  }
0x15d: {  	[hbm:s10], [sflag:s4] =	dma.local [spmem:s9], $0x80  }
0x15e: {  	_ =	swait.ge [sflag:s3], $0x80  }
0x15f: {  	[sflag:s3] =	ssyncset.done $0x0  }
0x160: {  	s13 =	sshrl.u32 s17, $0x3;
	s14 =	rddreg [dreg:$0x16];
	[sflag:s3] =	ssyncadd.s32 $0xFFFFFF80  }
0x161: {  	[hbm:s14], [sflag:s4] =	dma.local [spmem:s13], $0x200  }
0x162: {  	_ =	swait.ge [sflag:s3], $0x200  }
0x163: {  	s10 =	sld [smem:$0x7E4]  }
0x164: {  	[sflag:s3] =	ssyncset.done $0x0  }
0x165: {  	s9 =	sshrl.u32 s18, $0x3;
	[sflag:s3] =	ssyncadd.s32 $0xFFFFFE00  }
0x166: {  	[hbm:s10], [sflag:s4] =	dma.local [spmem:s9], $0x80  }
0x167: {  	_ =	swait.ge [sflag:s3], $0x80  }
0x168: {  	[sflag:s3] =	ssyncset.done $0x0  }
0x169: {  	s13 =	sshrl.u32 s20, $0x3;
	s14 =	rddreg [dreg:$0x17];
	[sflag:s3] =	ssyncadd.s32 $0xFFFFFF80  }
0x16a: {  	[hbm:s14], [sflag:s4] =	dma.local [spmem:s13], $0x200  }
0x16b: {  	_ =	swait.ge [sflag:s3], $0x200  }
0x16c: {  	s10 =	sld [smem:$0x7E5]  }
0x16d: {  	[sflag:s3] =	ssyncset.done $0x0  }
0x16e: {  	s9 =	sshrl.u32 s21, $0x3;
	[sflag:s3] =	ssyncadd.s32 $0xFFFFFE00  }
0x16f: {  	[hbm:s10], [sflag:s4] =	dma.local [spmem:s9], $0x80  }
0x170: {  	_ =	swait.ge [sflag:s3], $0x80  }
0x171: {  	[sflag:s3] =	ssyncset.done $0x0  }
0x172: {  	s13 =	sshrl.u32 s22, $0x3;
	s14 =	rddreg [dreg:$0x18];
	[sflag:s3] =	ssyncadd.s32 $0xFFFFFF80  }
0x173: {  	[hbm:s14], [sflag:s4] =	dma.local [spmem:s13], $0x200  }
0x174: {  	_ =	swait.ge [sflag:s3], $0x200  }
0x175: {  	s10 =	sld [smem:$0x7E6]  }
0x176: {  	[sflag:s3] =	ssyncset.done $0x0  }
0x177: {  	s9 =	sshrl.u32 s23, $0x3;
	[sflag:s3] =	ssyncadd.s32 $0xFFFFFE00  }
0x178: {  	[hbm:s10], [sflag:s4] =	dma.local [spmem:s9], $0x80  }
0x179: {  	_ =	swait.ge [sflag:s3], $0x80  }
0x17a: {  	[sflag:s3] =	ssyncset.done $0x0  }
0x17b: {  	s13 =	sshrl.u32 s24, $0x3;
	s14 =	rddreg [dreg:$0x19];
	[sflag:s3] =	ssyncadd.s32 $0xFFFFFF80  }
0x17c: {  	[hbm:s14], [sflag:s4] =	dma.local [spmem:s13], $0x200  }
0x17d: {  	_ =	swait.ge [sflag:s3], $0x200  }
0x17e: {  	s13 =	sld [smem:$0x7E7]  }
0x17f: {  	[sflag:s3] =	ssyncset.done $0x0  }
0x180: {  	s10 =	sshrl.u32 s25, $0x3;
	[sflag:s3] =	ssyncadd.s32 $0xFFFFFE00  }
0x181: {  	[hbm:s13], [sflag:s4] =	dma.local [spmem:s10], $0x80  }
0x182: {  	_ =	swait.ge [sflag:s3], $0x80  }
0x183: {  	s14 =	sld [smem:$0x7F2];
	_ =	sdelay $0x1  }
0x184: {  	s7 =	sadd.s32 $0x1, s7  }
0x185: {  	p0 =	sne.s32 s7, s14  }
.Ltmp3:
0x186: {  	_ = 	snop;
	(pc) =	sbr.rel @p0 .LBB2_1-.Ltmp3, $3  }
0x187: {  	_ =	sdelay $0x1  }
0x188: {  	[sflag:s3] =	ssyncset.done $0x0  }
0x189: {  	[sflag:s3] =	ssyncadd.s32 $0xFFFFFF80  }
0x18a: {  	_ =	sfence.sel $0x180000  }
0x18b: {  	[bflag:$0x0] =	sbarrier.arrive $0xFFFF  }
0x18c: {  	_ =	strace $0x90000047  }
0x18d: {  	s0 =	stileid.u32;
	[bflag:$0x2] =	sbarrier.arrive $0xFFFF  }
0x18e: {  	p0 =	sne.s32 s0, $0x0;
	s0 =	rddreg [dreg:$0x5]  }
0x18f: {  	s0 =	sadd.s32 @!p0 $0x100000, s0  }
0x190: {  	[sflag:s0] =	ssyncadd.tile.s32 @!p0 $0x1;
	_ =	shalt  }
.Lfunc_end2:
_tile_overlayer_lowered:
.L_overlay_start_2:
0x191: {  	(tag) =	ssettag $0x2  }
0x192: {  	s0 =	rddreg [dreg:$0x0];
	s2 =	stileid.u32  }
0x193: {  	s1 =	rddreg [dreg:$0x1];
	p0 =	sne.s32 s2, $0x0  }
0x194: {  	s3 =	rddreg [dreg:$0x2];
	[bflag:$0x3] =	sbarrier.arrive $0xFFFF;
	s2 =	simm.s32 @!p0 $0x1C01  }
0x195: {  	[timem:s3], [sflag:s2] =	dma.local @!p0 [hbm:s0], s1  }
0x196: {  	s0 =	simm.s32 @!p0 $0x1  }
0x197: {  	_ =	swait.ge @!p0 [sflag:s0], s1  }
0x198: {  	s1 =	ssub.s32 @!p0 $0x0, s1;
	[sflag:s0] =	ssyncset.done @!p0 $0x0  }
0x199: {  	[sflag:s0] =	ssyncadd.s32 @!p0 s1  }
0x19a: {  	[bflag:$0x3] =	sbarrier.arrive $0xFFFF  }
0x19b: {  	_ =	shalt  }

</sc_bundles>
